<compile_context>
chip_gen: v7x
topology: tpu7x:2x2x1
jax: 0.10.2.dev20260603
libtpu: 0.0.44.dev20260713+nightly
codegen_flags: <defaults>
</compile_context>

<pallas_src>
import functools

import jax
import jax.numpy as jnp
from jax import lax
from jax.experimental import pallas as pl
from jax.experimental.pallas import tpu as pltpu
from jax.experimental.pallas import tpu_sc as plsc

NC = 2
NS = 16
LANES = 16


def _build_sc_aggregate(N, T, D, E):
    EW = E // (NC * NS)
    K = 96
    CHF = EW // K
    TAIL = EW - CHF * K
    NG = (CHF - 5) // 3
    assert CHF % 3 == 2 and CHF >= 8 and TAIL > 0 and TAIL % LANES == 0
    assert N <= 32768
    RT = 8 * (-(-N // (8 * NS)))
    NP = RT * NS

    mesh = plsc.VectorSubcoreMesh(core_axis_name="c", subcore_axis_name="s")

    @functools.partial(
        pl.kernel,
        mesh=mesh,
        out_type=[
            jax.ShapeDtypeStruct((NC * T, NP, D), jnp.float32),
            jax.ShapeDtypeStruct((NC, NP, D), jnp.float32),
        ],
        scratch_types=[
            pltpu.VMEM_SHARED((NP, D), jnp.float32),
            pltpu.VMEM((EW,), jnp.int32),
            pltpu.VMEM((K,), jnp.int32),
            pltpu.VMEM((K,), jnp.int32),
            pltpu.VMEM((K,), jnp.int32),
            pltpu.VMEM((K,), jnp.int32),
            pltpu.VMEM((K,), jnp.int32),
            pltpu.VMEM((K,), jnp.int32),
            pltpu.VMEM((TAIL,), jnp.int32),
            pltpu.VMEM((TAIL,), jnp.int32),
            pltpu.VMEM((K, D), jnp.float32),
            pltpu.VMEM((K, D), jnp.float32),
            pltpu.VMEM((K, D), jnp.float32),
            pltpu.VMEM((TAIL, D), jnp.float32),
            pltpu.SemaphoreType.DMA,
            pltpu.SemaphoreType.DMA,
            pltpu.SemaphoreType.DMA,
            pltpu.SemaphoreType.DMA,
        ],
    )
    def sc_agg(x2d_hbm, comb_hbm, zrow_hbm, ones_hbm,
               agg_hbm, deg_hbm,
               acc_sh, comb_v, gidx_a, gidx_b, gidx_c,
               sidx_a, sidx_b, sidx_c, gidx_t, sidx_t,
               rows_a, rows_b, rows_c, rows_t, sem_a, sem_b, sem_c,
               sem_w):
        cc = lax.axis_index("c")
        s = lax.axis_index("s")
        row0 = s * RT
        ebase = (cc * NS + s) * EW
        mask = jnp.full((LANES,), 0xFFFF, jnp.int32)

        pltpu.sync_copy(comb_hbm.at[pl.ds(ebase, EW)], comb_v)

        def prep(i, gidx, sidx, tvec, nl=K // LANES, base=None):
            if base is None:
                base = i * K
            for j in range(nl):
                v = comb_v[pl.ds(base + j * LANES, LANES)]
                osl = pl.ds(j * LANES, LANES)
                gidx[osl] = (v & mask) * T + tvec
                sidx[osl] = lax.shift_right_logical(v, 16)

        def start_g(gidx, rows, sem):
            pltpu.async_copy(x2d_hbm.at[gidx], rows, sem)

        def wait_g(gidx, rows, sem):
            pltpu.make_async_copy(x2d_hbm.at[gidx], rows, sem).wait()

        def scat(rows, sidx):
            pltpu.sync_copy(rows, acc_sh.at[sidx], add=True)

        slots = ((gidx_a, sidx_a, rows_a, sem_a),
                 (gidx_b, sidx_b, rows_b, sem_b),
                 (gidx_c, sidx_c, rows_c, sem_c))

        pltpu.sync_copy(zrow_hbm, acc_sh.at[pl.ds(row0, RT)])
        pltpu.sync_copy(ones_hbm, rows_a)
        pltpu.sync_copy(ones_hbm.at[pl.ds(0, TAIL)], rows_t)
        plsc.subcore_barrier()

        def deg_chunk(i, carry):
            base = i * K
            for j in range(K // LANES):
                sidx_a[pl.ds(j * LANES, LANES)] = lax.shift_right_logical(
                    comb_v[pl.ds(base + j * LANES, LANES)], 16)
            scat(rows_a, sidx_a)
            return carry

        lax.fori_loop(0, CHF, deg_chunk, 0)
        for j in range(TAIL // LANES):
            sidx_t[pl.ds(j * LANES, LANES)] = lax.shift_right_logical(
                comb_v[pl.ds(CHF * K + j * LANES, LANES)], 16)
        scat(rows_t, sidx_t)
        plsc.subcore_barrier()
        pltpu.async_copy(acc_sh.at[pl.ds(row0, RT)],
                         deg_hbm.at[cc, pl.ds(row0, RT)], sem_w)

        def wait_w():
            pltpu.make_async_copy(
                acc_sh.at[pl.ds(row0, RT)],
                deg_hbm.at[cc, pl.ds(row0, RT)], sem_w).wait()

        def t_body(t, carry):
            tvec = jnp.full((LANES,), t, jnp.int32)

            for b, (gi, si, ri, se) in enumerate(slots):
                prep(b, gi, si, tvec)
                start_g(gi, ri, se)

            wait_w()
            pltpu.sync_copy(zrow_hbm, acc_sh.at[pl.ds(row0, RT)])
            plsc.subcore_barrier()

            def tri(g, inner):
                c0 = 3 * g
                for b, (gi, si, ri, se) in enumerate(slots):
                    wait_g(gi, ri, se)
                    scat(ri, si)
                    prep(c0 + b + 3, gi, si, tvec)
                    start_g(gi, ri, se)
                return inner

            lax.fori_loop(0, NG, tri, 0)
            c0 = 3 * NG
            wait_g(gidx_a, rows_a, sem_a)
            scat(rows_a, sidx_a)
            prep(c0 + 3, gidx_a, sidx_a, tvec)
            start_g(gidx_a, rows_a, sem_a)
            wait_g(gidx_b, rows_b, sem_b)
            scat(rows_b, sidx_b)
            prep(c0 + 4, gidx_b, sidx_b, tvec)
            start_g(gidx_b, rows_b, sem_b)
            wait_g(gidx_c, rows_c, sem_c)
            scat(rows_c, sidx_c)
            wait_g(gidx_a, rows_a, sem_a)
            scat(rows_a, sidx_a)
            wait_g(gidx_b, rows_b, sem_b)
            scat(rows_b, sidx_b)
            prep(0, gidx_t, sidx_t, tvec, nl=TAIL // LANES, base=CHF * K)
            pltpu.sync_copy(x2d_hbm.at[gidx_t], rows_t)
            scat(rows_t, sidx_t)

            plsc.subcore_barrier()
            pltpu.async_copy(acc_sh.at[pl.ds(row0, RT)],
                             agg_hbm.at[cc * T + t, pl.ds(row0, RT)], sem_w)
            return carry

        lax.fori_loop(0, T, t_body, 0)
        wait_w()

    return sc_agg


def _dense_body(T, H, O,
                x_ref, agg_ref, deg_ref,
                wl_ref, wr_ref, wih_ref, whh_ref, wout_ref,
                bl_ref, bih_ref, bhh_ref, bout_ref,
                out_ref):
    def mm(a, b):
        return lax.dot_general(a, b, (((1,), (0,)), ((), ())),
                               preferred_element_type=jnp.float32)

    deg = deg_ref[0, :, 0:1] + deg_ref[1, :, 0:1]
    ideg = 1.0 / jnp.maximum(deg, 1.0)
    bn = x_ref.shape[0]
    h = jnp.zeros((bn, H), jnp.float32)
    for t in range(T):
        xt = x_ref[:, t, :]
        at = (agg_ref[t] + agg_ref[T + t]) * ideg
        s = jnp.maximum(
            mm(at, wl_ref[...]) + mm(xt, wr_ref[...]) + bl_ref[...], 0.0)
        gi = mm(s, wih_ref[...]) + bih_ref[...]
        gh = mm(h, whh_ref[...]) + bhh_ref[...]
        r = jax.nn.sigmoid(gi[:, :H] + gh[:, :H])
        z = jax.nn.sigmoid(gi[:, H:2 * H] + gh[:, H:2 * H])
        ng = jnp.tanh(gi[:, 2 * H:] + r * gh[:, 2 * H:])
        h = (1.0 - z) * ng + z * h
        out_ref[:, t, :] = mm(h, wout_ref[...]) + bout_ref[...]


def _dense_call(x2, aggp, degp, wlT, wrT, wihT, whhT, woutT,
                bl2, bih2, bhh2, bout2, T, H, O, interpret=False):
    N = x2.shape[0]
    BN = 400
    grid = (N // BN,)
    D = wlT.shape[0]
    body = functools.partial(_dense_body, T, H, O)
    return pl.pallas_call(
        body,
        grid=grid,
        in_specs=[
            pl.BlockSpec((BN, T, D), lambda i: (i, 0, 0)),
            pl.BlockSpec((NC * T, BN, D), lambda i: (0, i, 0)),
            pl.BlockSpec((NC, BN, D), lambda i: (0, i, 0)),
            pl.BlockSpec((D, H), lambda i: (0, 0)),
            pl.BlockSpec((D, H), lambda i: (0, 0)),
            pl.BlockSpec((H, 3 * H), lambda i: (0, 0)),
            pl.BlockSpec((H, 3 * H), lambda i: (0, 0)),
            pl.BlockSpec((H, O), lambda i: (0, 0)),
            pl.BlockSpec((1, H), lambda i: (0, 0)),
            pl.BlockSpec((1, 3 * H), lambda i: (0, 0)),
            pl.BlockSpec((1, 3 * H), lambda i: (0, 0)),
            pl.BlockSpec((1, O), lambda i: (0, 0)),
        ],
        out_specs=pl.BlockSpec((BN, T, O), lambda i: (i, 0, 0)),
        out_shape=jax.ShapeDtypeStruct((N, T, O), jnp.float32),
        interpret=interpret,
    )(x2, aggp, degp, wlT, wrT, wihT, whhT, woutT, bl2, bih2, bhh2, bout2)


def kernel(x, edge_index, W_l, b_l, W_r, W_ih, W_hh, b_ih, b_hh,
           W_out, b_out):
    N, T, D = x.shape
    H = W_hh.shape[1]
    O = W_out.shape[0]
    E = edge_index.shape[1]

    src = edge_index[0].astype(jnp.int32)
    dst = edge_index[1].astype(jnp.int32)
    comb = jnp.bitwise_or(jnp.left_shift(dst, 16), src)
    x2d = x.reshape(N * T, D)
    rt = 8 * (-(-N // (8 * NS)))
    zrow = jnp.zeros((rt, D), jnp.float32)
    ones = jnp.ones((96, D), jnp.float32)

    sc_agg = _build_sc_aggregate(N, T, D, E)
    aggp, degp = sc_agg(x2d, comb, zrow, ones)

    return _dense_call(
        x, aggp, degp,
        W_l.T, W_r.T, W_ih.T, W_hh.T, W_out.T,
        b_l[None, :], b_ih[None, :], b_hh[None, :], b_out[None, :],
        T, H, O)

# --- scband reference (transcript-rebuilt; emitter-appended) ---
"""Pipeline reference for scband-stgraph-sage-29240137351208 (READ-ONLY COPY).

The authoritative reference and input builder live on the scoring server;
editing this copy changes nothing except your own understanding.
"""

import jax, jax.numpy as jnp
import numpy as np

N = 10000
E = 320000
D = 128
H = 128
O = 128
T = 12

def setup_inputs(seed: int = 0) -> dict:
    key = jax.random.key(seed)
    ks = jax.random.split(key, 12)
    x = jax.random.normal(ks[0], (N, T, D), dtype=jnp.float32)
    edge_index = jax.random.randint(ks[1], (2, E), 0, N)
    s_in = 1.0 / np.sqrt(D)
    s_h = 1.0 / np.sqrt(H)
    W_l = jax.random.uniform(ks[2], (H, D), minval=-s_in, maxval=s_in, dtype=jnp.float32)
    b_l = jax.random.uniform(ks[3], (H,), minval=-s_in, maxval=s_in, dtype=jnp.float32)
    W_r = jax.random.uniform(ks[4], (H, D), minval=-s_in, maxval=s_in, dtype=jnp.float32)
    W_ih = jax.random.uniform(ks[5], (3 * H, H), minval=-s_h, maxval=s_h, dtype=jnp.float32)
    W_hh = jax.random.uniform(ks[6], (3 * H, H), minval=-s_h, maxval=s_h, dtype=jnp.float32)
    b_ih = jax.random.uniform(ks[7], (3 * H,), minval=-s_h, maxval=s_h, dtype=jnp.float32)
    b_hh = jax.random.uniform(ks[8], (3 * H,), minval=-s_h, maxval=s_h, dtype=jnp.float32)
    W_out = jax.random.uniform(ks[9], (O, H), minval=-s_h, maxval=s_h, dtype=jnp.float32)
    b_out = jax.random.uniform(ks[10], (O,), minval=-s_h, maxval=s_h, dtype=jnp.float32)
    return {"x": x, "edge_index": edge_index, "W_l": W_l, "b_l": b_l, "W_r": W_r,
            "W_ih": W_ih, "W_hh": W_hh, "b_ih": b_ih, "b_hh": b_hh,
            "W_out": W_out, "b_out": b_out}

def reference(x, edge_index, W_l, b_l, W_r, W_ih, W_hh, b_ih, b_hh, W_out, b_out):
    src = edge_index[0]
    dst = edge_index[1]
    n = x.shape[0]
    deg = jax.ops.segment_sum(jnp.ones((src.shape[0],), x.dtype), dst, num_segments=n)
    deg = jnp.maximum(deg, 1.0)[:, None]
    Hd = W_hh.shape[1]
    h = jnp.zeros((n, Hd), x.dtype)
    preds = []
    for t in range(x.shape[1]):
        xt = x[:, t, :]
        # SAGEConv (mean aggregation): lin_l(mean_neighbors) + lin_r(x)
        agg = jax.ops.segment_sum(xt[src], dst, num_segments=n) / deg
        s = jax.nn.relu(agg @ W_l.T + b_l + xt @ W_r.T)
        # GRU cell (torch gate order: r, z, n)
        gi = s @ W_ih.T + b_ih
        gh = h @ W_hh.T + b_hh
        r = jax.nn.sigmoid(gi[:, :Hd] + gh[:, :Hd])
        z = jax.nn.sigmoid(gi[:, Hd:2 * Hd] + gh[:, Hd:2 * Hd])
        ng = jnp.tanh(gi[:, 2 * Hd:] + r * gh[:, 2 * Hd:])
        h = (1.0 - z) * ng + z * h
        preds.append(h @ W_out.T + b_out)
    return jnp.stack(preds, axis=1)

if __name__ == "__main__":
    import jax
    _d = setup_inputs()
    print(jax.jit(kernel)(*tuple(_d.values())))

</pallas_src>

<mosaic_0001>
#map = affine_map<(d0, d1) -> (0, 0)>
#map1 = affine_map<(d0, d1) -> (0)>
#map2 = affine_map<(d0, d1) -> (0, 0, 0)>
module attributes {stable_mosaic.version = 14 : i64} {
  func.func @sc_agg(%arg0: i32, %arg1: i32, %arg2: memref<120000x128xf32, #tpu.memory_space<hbm>>, %arg3: memref<320000xi32, #tpu.memory_space<hbm>>, %arg4: memref<632x128xf32, #tpu.memory_space<hbm>>, %arg5: memref<96x128xf32, #tpu.memory_space<hbm>>, %arg6: memref<24x10112x128xf32, #tpu.memory_space<hbm>>, %arg7: memref<2x10112x128xf32, #tpu.memory_space<hbm>>, %arg8: memref<10112x128xf32, #tpu.memory_space<vmem_shared>>, %arg9: memref<10000xi32, #tpu.memory_space<vmem>>, %arg10: memref<96xi32, #tpu.memory_space<vmem>>, %arg11: memref<96xi32, #tpu.memory_space<vmem>>, %arg12: memref<96xi32, #tpu.memory_space<vmem>>, %arg13: memref<96xi32, #tpu.memory_space<vmem>>, %arg14: memref<96xi32, #tpu.memory_space<vmem>>, %arg15: memref<96xi32, #tpu.memory_space<vmem>>, %arg16: memref<16xi32, #tpu.memory_space<vmem>>, %arg17: memref<16xi32, #tpu.memory_space<vmem>>, %arg18: memref<96x128xf32, #tpu.memory_space<vmem>>, %arg19: memref<96x128xf32, #tpu.memory_space<vmem>>, %arg20: memref<96x128xf32, #tpu.memory_space<vmem>>, %arg21: memref<16x128xf32, #tpu.memory_space<vmem>>, %arg22: memref<!tpu.dma_semaphore, #tpu.memory_space<semaphore_mem>>, %arg23: memref<!tpu.dma_semaphore, #tpu.memory_space<semaphore_mem>>, %arg24: memref<!tpu.dma_semaphore, #tpu.memory_space<semaphore_mem>>, %arg25: memref<!tpu.dma_semaphore, #tpu.memory_space<semaphore_mem>>) attributes {dimension_semantics = [#tpu.dimension_semantics<core_parallel>, #tpu.dimension_semantics<subcore_parallel>], iteration_bounds = array<i64: 2, 16>, scalar_prefetch = 0 : i64, scratch_operands = 18 : i64, tpu.core_type = #tpu.core_type<sc_vector_subcore>, window_params = [{transform_indices = #map}, {transform_indices = #map1}, {transform_indices = #map}, {transform_indices = #map}, {transform_indices = #map2}, {transform_indices = #map2}]} {
    %mul3A = arith.constant 632 : i32
    %mul3A_0 = arith.muli %arg1, %mul3A : i32
    %mul3A_1 = arith.constant 16 : i32
    %mul3A_2 = arith.muli %arg0, %mul3A_1 : i32
    %add3A = arith.addi %mul3A_2, %arg1 : i32
    %mul3A_3 = arith.constant 10000 : i32
    %mul3A_4 = arith.muli %add3A, %mul3A_3 : i32
    %broadcast_in_dim3A = arith.constant 65535 : i32
    %broadcast_in_dim3A_5 = vector.broadcast %broadcast_in_dim3A : i32 to vector<16xi32>
    "tpu.region"() ({
      %run_scoped3A = tpu.sem_alloc : memref<!tpu.dma_semaphore, #tpu.memory_space<semaphore_mem>>
      %dma_start3A_33 = tpu.memref_slice %arg3[%mul3A_4] : memref<320000xi32, #tpu.memory_space<hbm>> -> memref<10000xi32, #tpu.memory_space<hbm>>
      %dma_start3A_34 = tpu.memref_slice %arg3[%mul3A_4] : memref<320000xi32, #tpu.memory_space<hbm>> -> memref<10000xi32, #tpu.memory_space<hbm>>
      tpu.enqueue_dma source(%dma_start3A_34 : memref<10000xi32, #tpu.memory_space<hbm>>) target(%arg9 : memref<10000xi32, #tpu.memory_space<vmem>>) target_semaphore(%run_scoped3A : memref<!tpu.dma_semaphore, #tpu.memory_space<semaphore_mem>>)
      %dma_wait3A_35 = tpu.memref_slice %arg3[%mul3A_4] : memref<320000xi32, #tpu.memory_space<hbm>> -> memref<10000xi32, #tpu.memory_space<hbm>>
      %dma_wait3A_36 = tpu.memref_slice %arg3[%mul3A_4] : memref<320000xi32, #tpu.memory_space<hbm>> -> memref<10000xi32, #tpu.memory_space<hbm>>
      tpu.wait_dma2 semaphore(%run_scoped3A : memref<!tpu.dma_semaphore, #tpu.memory_space<semaphore_mem>>) src(%dma_wait3A_36 : memref<10000xi32, #tpu.memory_space<hbm>>) dst(%arg9 : memref<10000xi32, #tpu.memory_space<vmem>>)
      tpu.yield
    }) : () -> ()
    "tpu.region"() ({
      %run_scoped3A = tpu.sem_alloc : memref<!tpu.dma_semaphore, #tpu.memory_space<semaphore_mem>>
      %dma_start3A_33 = arith.constant 0 : i32
      %dma_start3A_34 = tpu.memref_slice %arg8[%mul3A_0, %dma_start3A_33] : memref<10112x128xf32, #tpu.memory_space<vmem_shared>> -> memref<632x128xf32, #tpu.memory_space<vmem_shared>>
      tpu.enqueue_dma source(%arg4 : memref<632x128xf32, #tpu.memory_space<hbm>>) target(%dma_start3A_34 : memref<632x128xf32, #tpu.memory_space<vmem_shared>>) target_semaphore(%run_scoped3A : memref<!tpu.dma_semaphore, #tpu.memory_space<semaphore_mem>>)
      %dma_wait3A_35 = arith.constant 0 : i32
      %dma_wait3A_36 = tpu.memref_slice %arg8[%mul3A_0, %dma_wait3A_35] : memref<10112x128xf32, #tpu.memory_space<vmem_shared>> -> memref<632x128xf32, #tpu.memory_space<vmem_shared>>
      tpu.wait_dma2 semaphore(%run_scoped3A : memref<!tpu.dma_semaphore, #tpu.memory_space<semaphore_mem>>) src(%arg4 : memref<632x128xf32, #tpu.memory_space<hbm>>) dst(%dma_wait3A_36 : memref<632x128xf32, #tpu.memory_space<vmem_shared>>)
      tpu.yield
    }) : () -> ()
    "tpu.region"() ({
      %run_scoped3A = tpu.sem_alloc : memref<!tpu.dma_semaphore, #tpu.memory_space<semaphore_mem>>
      tpu.enqueue_dma source(%arg5 : memref<96x128xf32, #tpu.memory_space<hbm>>) target(%arg18 : memref<96x128xf32, #tpu.memory_space<vmem>>) target_semaphore(%run_scoped3A : memref<!tpu.dma_semaphore, #tpu.memory_space<semaphore_mem>>)
      tpu.wait_dma2 semaphore(%run_scoped3A : memref<!tpu.dma_semaphore, #tpu.memory_space<semaphore_mem>>) src(%arg5 : memref<96x128xf32, #tpu.memory_space<hbm>>) dst(%arg18 : memref<96x128xf32, #tpu.memory_space<vmem>>)
      tpu.yield
    }) : () -> ()
    "tpu.region"() ({
      %run_scoped3A = tpu.sem_alloc : memref<!tpu.dma_semaphore, #tpu.memory_space<semaphore_mem>>
      %dma_start3A_33 = arith.constant 0 : i32
      %dma_start3A_34 = arith.constant 0 : i32
      %dma_start3A_35 = tpu.memref_slice %arg5[%dma_start3A_33, %dma_start3A_34] : memref<96x128xf32, #tpu.memory_space<hbm>> -> memref<16x128xf32, #tpu.memory_space<hbm>>
      %dma_start3A_36 = arith.constant 0 : i32
      %dma_start3A_37 = arith.constant 0 : i32
      %dma_start3A_38 = tpu.memref_slice %arg5[%dma_start3A_36, %dma_start3A_37] : memref<96x128xf32, #tpu.memory_space<hbm>> -> memref<16x128xf32, #tpu.memory_space<hbm>>
      tpu.enqueue_dma source(%dma_start3A_38 : memref<16x128xf32, #tpu.memory_space<hbm>>) target(%arg21 : memref<16x128xf32, #tpu.memory_space<vmem>>) target_semaphore(%run_scoped3A : memref<!tpu.dma_semaphore, #tpu.memory_space<semaphore_mem>>)
      %dma_wait3A_39 = arith.constant 0 : i32
      %dma_wait3A_40 = arith.constant 0 : i32
      %dma_wait3A_41 = tpu.memref_slice %arg5[%dma_wait3A_39, %dma_wait3A_40] : memref<96x128xf32, #tpu.memory_space<hbm>> -> memref<16x128xf32, #tpu.memory_space<hbm>>
      %dma_wait3A_42 = arith.constant 0 : i32
      %dma_wait3A_43 = arith.constant 0 : i32
      %dma_wait3A_44 = tpu.memref_slice %arg5[%dma_wait3A_42, %dma_wait3A_43] : memref<96x128xf32, #tpu.memory_space<hbm>> -> memref<16x128xf32, #tpu.memory_space<hbm>>
      tpu.wait_dma2 semaphore(%run_scoped3A : memref<!tpu.dma_semaphore, #tpu.memory_space<semaphore_mem>>) src(%dma_wait3A_44 : memref<16x128xf32, #tpu.memory_space<hbm>>) dst(%arg21 : memref<16x128xf32, #tpu.memory_space<vmem>>)
      tpu.yield
    }) : () -> ()
    %barrier3A = arith.constant 0 : index
    tpu.barrier barrier_id(%barrier3A)
    %scan3A = arith.constant 0 : i32
    %scan3A_6 = arith.constant 0 : i32
    %scan3A_7 = arith.constant 104 : i32
    %scan3A_8 = arith.addi %scan3A_6, %scan3A_7 : i32
    %scan3A_9 = arith.constant 1 : i32
    scf.for %scan3A_33 = %scan3A_6 to %scan3A_8 step %scan3A_9  : i32 {
      %mul3A_34 = arith.constant 96 : i32
      %mul3A_35 = arith.muli %scan3A_33, %mul3A_34 : i32
      %add3A_36 = arith.constant 0 : i32
      %add3A_37 = arith.addi %mul3A_35, %add3A_36 : i32
      %get3A_38 = arith.index_cast %add3A_37 : i32 to index
      %get3A_39 = tpu.vector_load %arg9[%get3A_38] {strides = array<i32>} : memref<10000xi32, #tpu.memory_space<vmem>>, vector<16xi32>,
      %get3A_40 = vector.shape_cast %get3A_39 : vector<16xi32> to vector<16xi32>
      %shift_right_logical3A_41 = arith.constant 16 : i32
      %shift_right_logical3A_42 = vector.broadcast %shift_right_logical3A_41 : i32 to vector<16xi32>
      %shift_right_logical3A_43 = arith.shrui %get3A_40, %shift_right_logical3A_42 : vector<16xi32>
      %swap3A_44 = arith.constant 0 : index
      %swap3A_45 = tpu.vector_load %arg13[%swap3A_44] {strides = array<i32>} : memref<96xi32, #tpu.memory_space<vmem>>, vector<16xi32>,
      %swap3A_46 = vector.shape_cast %swap3A_45 : vector<16xi32> to vector<16xi32>
      %swap3A_47 = vector.shape_cast %shift_right_logical3A_43 : vector<16xi32> to vector<16xi32>
      tpu.vector_store %arg13[%swap3A_44], %swap3A_47 {strides = array<i32>} : memref<96xi32, #tpu.memory_space<vmem>>, vector<16xi32>,
      %add3A_48 = arith.constant 16 : i32
      %add3A_49 = arith.addi %mul3A_35, %add3A_48 : i32
      %get3A_50 = arith.index_cast %add3A_49 : i32 to index
      %get3A_51 = tpu.vector_load %arg9[%get3A_50] {strides = array<i32>} : memref<10000xi32, #tpu.memory_space<vmem>>, vector<16xi32>,
      %get3A_52 = vector.shape_cast %get3A_51 : vector<16xi32> to vector<16xi32>
      %shift_right_logical3A_53 = arith.constant 16 : i32
      %shift_right_logical3A_54 = vector.broadcast %shift_right_logical3A_53 : i32 to vector<16xi32>
      %shift_right_logical3A_55 = arith.shrui %get3A_52, %shift_right_logical3A_54 : vector<16xi32>
      %swap3A_56 = arith.constant 16 : index
      %swap3A_57 = tpu.vector_load %arg13[%swap3A_56] {strides = array<i32>} : memref<96xi32, #tpu.memory_space<vmem>>, vector<16xi32>,
      %swap3A_58 = vector.shape_cast %swap3A_57 : vector<16xi32> to vector<16xi32>
      %swap3A_59 = vector.shape_cast %shift_right_logical3A_55 : vector<16xi32> to vector<16xi32>
      tpu.vector_store %arg13[%swap3A_56], %swap3A_59 {strides = array<i32>} : memref<96xi32, #tpu.memory_space<vmem>>, vector<16xi32>,
      %add3A_60 = arith.constant 32 : i32
      %add3A_61 = arith.addi %mul3A_35, %add3A_60 : i32
      %get3A_62 = arith.index_cast %add3A_61 : i32 to index
      %get3A_63 = tpu.vector_load %arg9[%get3A_62] {strides = array<i32>} : memref<10000xi32, #tpu.memory_space<vmem>>, vector<16xi32>,
      %get3A_64 = vector.shape_cast %get3A_63 : vector<16xi32> to vector<16xi32>
      %shift_right_logical3A_65 = arith.constant 16 : i32
      %shift_right_logical3A_66 = vector.broadcast %shift_right_logical3A_65 : i32 to vector<16xi32>
      %shift_right_logical3A_67 = arith.shrui %get3A_64, %shift_right_logical3A_66 : vector<16xi32>
      %swap3A_68 = arith.constant 32 : index
      %swap3A_69 = tpu.vector_load %arg13[%swap3A_68] {strides = array<i32>} : memref<96xi32, #tpu.memory_space<vmem>>, vector<16xi32>,
      %swap3A_70 = vector.shape_cast %swap3A_69 : vector<16xi32> to vector<16xi32>
      %swap3A_71 = vector.shape_cast %shift_right_logical3A_67 : vector<16xi32> to vector<16xi32>
      tpu.vector_store %arg13[%swap3A_68], %swap3A_71 {strides = array<i32>} : memref<96xi32, #tpu.memory_space<vmem>>, vector<16xi32>,
      %add3A_72 = arith.constant 48 : i32
      %add3A_73 = arith.addi %mul3A_35, %add3A_72 : i32
      %get3A_74 = arith.index_cast %add3A_73 : i32 to index
      %get3A_75 = tpu.vector_load %arg9[%get3A_74] {strides = array<i32>} : memref<10000xi32, #tpu.memory_space<vmem>>, vector<16xi32>,
      %get3A_76 = vector.shape_cast %get3A_75 : vector<16xi32> to vector<16xi32>
      %shift_right_logical3A_77 = arith.constant 16 : i32
      %shift_right_logical3A_78 = vector.broadcast %shift_right_logical3A_77 : i32 to vector<16xi32>
      %shift_right_logical3A_79 = arith.shrui %get3A_76, %shift_right_logical3A_78 : vector<16xi32>
      %swap3A_80 = arith.constant 48 : index
      %swap3A_81 = tpu.vector_load %arg13[%swap3A_80] {strides = array<i32>} : memref<96xi32, #tpu.memory_space<vmem>>, vector<16xi32>,
      %swap3A_82 = vector.shape_cast %swap3A_81 : vector<16xi32> to vector<16xi32>
      %swap3A_83 = vector.shape_cast %shift_right_logical3A_79 : vector<16xi32> to vector<16xi32>
      tpu.vector_store %arg13[%swap3A_80], %swap3A_83 {strides = array<i32>} : memref<96xi32, #tpu.memory_space<vmem>>, vector<16xi32>,
      %add3A_84 = arith.constant 64 : i32
      %add3A_85 = arith.addi %mul3A_35, %add3A_84 : i32
      %get3A_86 = arith.index_cast %add3A_85 : i32 to index
      %get3A_87 = tpu.vector_load %arg9[%get3A_86] {strides = array<i32>} : memref<10000xi32, #tpu.memory_space<vmem>>, vector<16xi32>,
      %get3A_88 = vector.shape_cast %get3A_87 : vector<16xi32> to vector<16xi32>
      %shift_right_logical3A_89 = arith.constant 16 : i32
      %shift_right_logical3A_90 = vector.broadcast %shift_right_logical3A_89 : i32 to vector<16xi32>
      %shift_right_logical3A_91 = arith.shrui %get3A_88, %shift_right_logical3A_90 : vector<16xi32>
      %swap3A_92 = arith.constant 64 : index
      %swap3A_93 = tpu.vector_load %arg13[%swap3A_92] {strides = array<i32>} : memref<96xi32, #tpu.memory_space<vmem>>, vector<16xi32>,
      %swap3A_94 = vector.shape_cast %swap3A_93 : vector<16xi32> to vector<16xi32>
      %swap3A_95 = vector.shape_cast %shift_right_logical3A_91 : vector<16xi32> to vector<16xi32>
      tpu.vector_store %arg13[%swap3A_92], %swap3A_95 {strides = array<i32>} : memref<96xi32, #tpu.memory_space<vmem>>, vector<16xi32>,
      %add3A_96 = arith.constant 80 : i32
      %add3A_97 = arith.addi %mul3A_35, %add3A_96 : i32
      %get3A_98 = arith.index_cast %add3A_97 : i32 to index
      %get3A_99 = tpu.vector_load %arg9[%get3A_98] {strides = array<i32>} : memref<10000xi32, #tpu.memory_space<vmem>>, vector<16xi32>,
      %get3A_100 = vector.shape_cast %get3A_99 : vector<16xi32> to vector<16xi32>
      %shift_right_logical3A_101 = arith.constant 16 : i32
      %shift_right_logical3A_102 = vector.broadcast %shift_right_logical3A_101 : i32 to vector<16xi32>
      %shift_right_logical3A_103 = arith.shrui %get3A_100, %shift_right_logical3A_102 : vector<16xi32>
      %swap3A_104 = arith.constant 80 : index
      %swap3A_105 = tpu.vector_load %arg13[%swap3A_104] {strides = array<i32>} : memref<96xi32, #tpu.memory_space<vmem>>, vector<16xi32>,
      %swap3A_106 = vector.shape_cast %swap3A_105 : vector<16xi32> to vector<16xi32>
      %swap3A_107 = vector.shape_cast %shift_right_logical3A_103 : vector<16xi32> to vector<16xi32>
      tpu.vector_store %arg13[%swap3A_104], %swap3A_107 {strides = array<i32>} : memref<96xi32, #tpu.memory_space<vmem>>, vector<16xi32>,
      "tpu.region"() ({
        %run_scoped3A = tpu.sem_alloc : memref<!tpu.dma_semaphore, #tpu.memory_space<semaphore_mem>>
        %dma_start3A_108 = arith.constant 0 : i32
        %dma_start3A_109 = arith.constant 0 : i32
        %dma_start3A_110 = tpu.memref_slice %arg8[%dma_start3A_108, %dma_start3A_109] : memref<10112x128xf32, #tpu.memory_space<vmem_shared>> -> memref<10112x128xf32, #tpu.memory_space<vmem_shared>>
        tpu.enqueue_indirect_dma source(%arg18 : memref<96x128xf32, #tpu.memory_space<vmem>>) target(%dma_start3A_110 : memref<10112x128xf32, #tpu.memory_space<vmem_shared>>) offsets(%arg13 : memref<96xi32, #tpu.memory_space<vmem>>) semaphore(%run_scoped3A : memref<!tpu.dma_semaphore, #tpu.memory_space<semaphore_mem>>) {add = true}
        %dma_wait3A_111 = arith.constant 0 : i32
        %dma_wait3A_112 = arith.constant 0 : i32
        %dma_wait3A_113 = tpu.memref_slice %arg8[%dma_wait3A_111, %dma_wait3A_112] : memref<10112x128xf32, #tpu.memory_space<vmem_shared>> -> memref<10112x128xf32, #tpu.memory_space<vmem_shared>>
        tpu.wait_indirect_dma semaphore(%run_scoped3A : memref<!tpu.dma_semaphore, #tpu.memory_space<semaphore_mem>>) src(%arg18 : memref<96x128xf32, #tpu.memory_space<vmem>>) dst(%dma_wait3A_113 : memref<10112x128xf32, #tpu.memory_space<vmem_shared>>)
        tpu.yield
      }) : () -> ()
    }
    %scan3A_10 = arith.constant 104 : i32
    %get3A = arith.constant 9984 : index
    %get3A_11 = tpu.vector_load %arg9[%get3A] {strides = array<i32>} : memref<10000xi32, #tpu.memory_space<vmem>>, vector<16xi32>,
    %get3A_12 = vector.shape_cast %get3A_11 : vector<16xi32> to vector<16xi32>
    %shift_right_logical3A = arith.constant 16 : i32
    %shift_right_logical3A_13 = vector.broadcast %shift_right_logical3A : i32 to vector<16xi32>
    %shift_right_logical3A_14 = arith.shrui %get3A_12, %shift_right_logical3A_13 : vector<16xi32>
    %swap3A = arith.constant 0 : index
    %swap3A_15 = tpu.vector_load %arg17[%swap3A] {strides = array<i32>} : memref<16xi32, #tpu.memory_space<vmem>>, vector<16xi32>,
    %swap3A_16 = vector.shape_cast %swap3A_15 : vector<16xi32> to vector<16xi32>
    %swap3A_17 = vector.shape_cast %shift_right_logical3A_14 : vector<16xi32> to vector<16xi32>
    tpu.vector_store %arg17[%swap3A], %swap3A_17 {strides = array<i32>} : memref<16xi32, #tpu.memory_space<vmem>>, vector<16xi32>,
    "tpu.region"() ({
      %run_scoped3A = tpu.sem_alloc : memref<!tpu.dma_semaphore, #tpu.memory_space<semaphore_mem>>
      %dma_start3A_33 = arith.constant 0 : i32
      %dma_start3A_34 = arith.constant 0 : i32
      %dma_start3A_35 = tpu.memref_slice %arg8[%dma_start3A_33, %dma_start3A_34] : memref<10112x128xf32, #tpu.memory_space<vmem_shared>> -> memref<10112x128xf32, #tpu.memory_space<vmem_shared>>
      tpu.enqueue_indirect_dma source(%arg21 : memref<16x128xf32, #tpu.memory_space<vmem>>) target(%dma_start3A_35 : memref<10112x128xf32, #tpu.memory_space<vmem_shared>>) offsets(%arg17 : memref<16xi32, #tpu.memory_space<vmem>>) semaphore(%run_scoped3A : memref<!tpu.dma_semaphore, #tpu.memory_space<semaphore_mem>>) {add = true}
      %dma_wait3A_36 = arith.constant 0 : i32
      %dma_wait3A_37 = arith.constant 0 : i32
      %dma_wait3A_38 = tpu.memref_slice %arg8[%dma_wait3A_36, %dma_wait3A_37] : memref<10112x128xf32, #tpu.memory_space<vmem_shared>> -> memref<10112x128xf32, #tpu.memory_space<vmem_shared>>
      tpu.wait_indirect_dma semaphore(%run_scoped3A : memref<!tpu.dma_semaphore, #tpu.memory_space<semaphore_mem>>) src(%arg21 : memref<16x128xf32, #tpu.memory_space<vmem>>) dst(%dma_wait3A_38 : memref<10112x128xf32, #tpu.memory_space<vmem_shared>>)
      tpu.yield
    }) : () -> ()
    %barrier3A_18 = arith.constant 0 : index
    tpu.barrier barrier_id(%barrier3A_18)
    %dma_start3A = arith.constant 0 : i32
    %dma_start3A_19 = tpu.memref_slice %arg7[%arg0, %mul3A_0, %dma_start3A] : memref<2x10112x128xf32, #tpu.memory_space<hbm>> -> memref<1x632x128xf32, #tpu.memory_space<hbm>>
    %dma_start3A_20 = tpu.memref_squeeze %dma_start3A_19 : memref<1x632x128xf32, #tpu.memory_space<hbm>> -> memref<632x128xf32, #tpu.memory_space<hbm>>
    %dma_start3A_21 = arith.constant 0 : i32
    %dma_start3A_22 = tpu.memref_slice %arg8[%mul3A_0, %dma_start3A_21] : memref<10112x128xf32, #tpu.memory_space<vmem_shared>> -> memref<632x128xf32, #tpu.memory_space<vmem_shared>>
    tpu.enqueue_dma source(%dma_start3A_22 : memref<632x128xf32, #tpu.memory_space<vmem_shared>>) target(%dma_start3A_20 : memref<632x128xf32, #tpu.memory_space<hbm>>) target_semaphore(%arg25 : memref<!tpu.dma_semaphore, #tpu.memory_space<semaphore_mem>>)
    %scan3A_23 = arith.constant 0 : i32
    %scan3A_24 = arith.constant 0 : i32
    %scan3A_25 = arith.constant 12 : i32
    %scan3A_26 = arith.addi %scan3A_24, %scan3A_25 : i32
    %scan3A_27 = arith.constant 1 : i32
    scf.for %scan3A_33 = %scan3A_24 to %scan3A_26 step %scan3A_27  : i32 {
      %broadcast_in_dim3A_34 = vector.broadcast %scan3A_33 : i32 to vector<16xi32>
      %get3A_35 = arith.constant 0 : index
      %get3A_36 = tpu.vector_load %arg9[%get3A_35] {strides = array<i32>} : memref<10000xi32, #tpu.memory_space<vmem>>, vector<16xi32>,
      %get3A_37 = vector.shape_cast %get3A_36 : vector<16xi32> to vector<16xi32>
      %and3A = arith.andi %get3A_37, %broadcast_in_dim3A_5 : vector<16xi32>
      %mul3A_38 = arith.constant 12 : i32
      %mul3A_39 = vector.broadcast %mul3A_38 : i32 to vector<16xi32>
      %mul3A_40 = arith.muli %and3A, %mul3A_39 : vector<16xi32>
      %add3A_41 = arith.addi %mul3A_40, %broadcast_in_dim3A_34 : vector<16xi32>
      %swap3A_42 = arith.constant 0 : index
      %swap3A_43 = tpu.vector_load %arg10[%swap3A_42] {strides = array<i32>} : memref<96xi32, #tpu.memory_space<vmem>>, vector<16xi32>,
      %swap3A_44 = vector.shape_cast %swap3A_43 : vector<16xi32> to vector<16xi32>
      %swap3A_45 = vector.shape_cast %add3A_41 : vector<16xi32> to vector<16xi32>
      tpu.vector_store %arg10[%swap3A_42], %swap3A_45 {strides = array<i32>} : memref<96xi32, #tpu.memory_space<vmem>>, vector<16xi32>,
      %shift_right_logical3A_46 = arith.constant 16 : i32
      %shift_right_logical3A_47 = vector.broadcast %shift_right_logical3A_46 : i32 to vector<16xi32>
      %shift_right_logical3A_48 = arith.shrui %get3A_37, %shift_right_logical3A_47 : vector<16xi32>
      %swap3A_49 = arith.constant 0 : index
      %swap3A_50 = tpu.vector_load %arg13[%swap3A_49] {strides = array<i32>} : memref<96xi32, #tpu.memory_space<vmem>>, vector<16xi32>,
      %swap3A_51 = vector.shape_cast %swap3A_50 : vector<16xi32> to vector<16xi32>
      %swap3A_52 = vector.shape_cast %shift_right_logical3A_48 : vector<16xi32> to vector<16xi32>
      tpu.vector_store %arg13[%swap3A_49], %swap3A_52 {strides = array<i32>} : memref<96xi32, #tpu.memory_space<vmem>>, vector<16xi32>,
      %get3A_53 = arith.constant 16 : index
      %get3A_54 = tpu.vector_load %arg9[%get3A_53] {strides = array<i32>} : memref<10000xi32, #tpu.memory_space<vmem>>, vector<16xi32>,
      %get3A_55 = vector.shape_cast %get3A_54 : vector<16xi32> to vector<16xi32>
      %and3A_56 = arith.andi %get3A_55, %broadcast_in_dim3A_5 : vector<16xi32>
      %mul3A_57 = arith.constant 12 : i32
      %mul3A_58 = vector.broadcast %mul3A_57 : i32 to vector<16xi32>
      %mul3A_59 = arith.muli %and3A_56, %mul3A_58 : vector<16xi32>
      %add3A_60 = arith.addi %mul3A_59, %broadcast_in_dim3A_34 : vector<16xi32>
      %swap3A_61 = arith.constant 16 : index
      %swap3A_62 = tpu.vector_load %arg10[%swap3A_61] {strides = array<i32>} : memref<96xi32, #tpu.memory_space<vmem>>, vector<16xi32>,
      %swap3A_63 = vector.shape_cast %swap3A_62 : vector<16xi32> to vector<16xi32>
      %swap3A_64 = vector.shape_cast %add3A_60 : vector<16xi32> to vector<16xi32>
      tpu.vector_store %arg10[%swap3A_61], %swap3A_64 {strides = array<i32>} : memref<96xi32, #tpu.memory_space<vmem>>, vector<16xi32>,
      %shift_right_logical3A_65 = arith.constant 16 : i32
      %shift_right_logical3A_66 = vector.broadcast %shift_right_logical3A_65 : i32 to vector<16xi32>
      %shift_right_logical3A_67 = arith.shrui %get3A_55, %shift_right_logical3A_66 : vector<16xi32>
      %swap3A_68 = arith.constant 16 : index
      %swap3A_69 = tpu.vector_load %arg13[%swap3A_68] {strides = array<i32>} : memref<96xi32, #tpu.memory_space<vmem>>, vector<16xi32>,
      %swap3A_70 = vector.shape_cast %swap3A_69 : vector<16xi32> to vector<16xi32>
      %swap3A_71 = vector.shape_cast %shift_right_logical3A_67 : vector<16xi32> to vector<16xi32>
      tpu.vector_store %arg13[%swap3A_68], %swap3A_71 {strides = array<i32>} : memref<96xi32, #tpu.memory_space<vmem>>, vector<16xi32>,
      %get3A_72 = arith.constant 32 : index
      %get3A_73 = tpu.vector_load %arg9[%get3A_72] {strides = array<i32>} : memref<10000xi32, #tpu.memory_space<vmem>>, vector<16xi32>,
      %get3A_74 = vector.shape_cast %get3A_73 : vector<16xi32> to vector<16xi32>
      %and3A_75 = arith.andi %get3A_74, %broadcast_in_dim3A_5 : vector<16xi32>
      %mul3A_76 = arith.constant 12 : i32
      %mul3A_77 = vector.broadcast %mul3A_76 : i32 to vector<16xi32>
      %mul3A_78 = arith.muli %and3A_75, %mul3A_77 : vector<16xi32>
      %add3A_79 = arith.addi %mul3A_78, %broadcast_in_dim3A_34 : vector<16xi32>
      %swap3A_80 = arith.constant 32 : index
      %swap3A_81 = tpu.vector_load %arg10[%swap3A_80] {strides = array<i32>} : memref<96xi32, #tpu.memory_space<vmem>>, vector<16xi32>,
      %swap3A_82 = vector.shape_cast %swap3A_81 : vector<16xi32> to vector<16xi32>
      %swap3A_83 = vector.shape_cast %add3A_79 : vector<16xi32> to vector<16xi32>
      tpu.vector_store %arg10[%swap3A_80], %swap3A_83 {strides = array<i32>} : memref<96xi32, #tpu.memory_space<vmem>>, vector<16xi32>,
      %shift_right_logical3A_84 = arith.constant 16 : i32
      %shift_right_logical3A_85 = vector.broadcast %shift_right_logical3A_84 : i32 to vector<16xi32>
      %shift_right_logical3A_86 = arith.shrui %get3A_74, %shift_right_logical3A_85 : vector<16xi32>
      %swap3A_87 = arith.constant 32 : index
      %swap3A_88 = tpu.vector_load %arg13[%swap3A_87] {strides = array<i32>} : memref<96xi32, #tpu.memory_space<vmem>>, vector<16xi32>,
      %swap3A_89 = vector.shape_cast %swap3A_88 : vector<16xi32> to vector<16xi32>
      %swap3A_90 = vector.shape_cast %shift_right_logical3A_86 : vector<16xi32> to vector<16xi32>
      tpu.vector_store %arg13[%swap3A_87], %swap3A_90 {strides = array<i32>} : memref<96xi32, #tpu.memory_space<vmem>>, vector<16xi32>,
      %get3A_91 = arith.constant 48 : index
      %get3A_92 = tpu.vector_load %arg9[%get3A_91] {strides = array<i32>} : memref<10000xi32, #tpu.memory_space<vmem>>, vector<16xi32>,
      %get3A_93 = vector.shape_cast %get3A_92 : vector<16xi32> to vector<16xi32>
      %and3A_94 = arith.andi %get3A_93, %broadcast_in_dim3A_5 : vector<16xi32>
      %mul3A_95 = arith.constant 12 : i32
      %mul3A_96 = vector.broadcast %mul3A_95 : i32 to vector<16xi32>
      %mul3A_97 = arith.muli %and3A_94, %mul3A_96 : vector<16xi32>
      %add3A_98 = arith.addi %mul3A_97, %broadcast_in_dim3A_34 : vector<16xi32>
      %swap3A_99 = arith.constant 48 : index
      %swap3A_100 = tpu.vector_load %arg10[%swap3A_99] {strides = array<i32>} : memref<96xi32, #tpu.memory_space<vmem>>, vector<16xi32>,
      %swap3A_101 = vector.shape_cast %swap3A_100 : vector<16xi32> to vector<16xi32>
      %swap3A_102 = vector.shape_cast %add3A_98 : vector<16xi32> to vector<16xi32>
      tpu.vector_store %arg10[%swap3A_99], %swap3A_102 {strides = array<i32>} : memref<96xi32, #tpu.memory_space<vmem>>, vector<16xi32>,
      %shift_right_logical3A_103 = arith.constant 16 : i32
      %shift_right_logical3A_104 = vector.broadcast %shift_right_logical3A_103 : i32 to vector<16xi32>
      %shift_right_logical3A_105 = arith.shrui %get3A_93, %shift_right_logical3A_104 : vector<16xi32>
      %swap3A_106 = arith.constant 48 : index
      %swap3A_107 = tpu.vector_load %arg13[%swap3A_106] {strides = array<i32>} : memref<96xi32, #tpu.memory_space<vmem>>, vector<16xi32>,
      %swap3A_108 = vector.shape_cast %swap3A_107 : vector<16xi32> to vector<16xi32>
      %swap3A_109 = vector.shape_cast %shift_right_logical3A_105 : vector<16xi32> to vector<16xi32>
      tpu.vector_store %arg13[%swap3A_106], %swap3A_109 {strides = array<i32>} : memref<96xi32, #tpu.memory_space<vmem>>, vector<16xi32>,
      %get3A_110 = arith.constant 64 : index
      %get3A_111 = tpu.vector_load %arg9[%get3A_110] {strides = array<i32>} : memref<10000xi32, #tpu.memory_space<vmem>>, vector<16xi32>,
      %get3A_112 = vector.shape_cast %get3A_111 : vector<16xi32> to vector<16xi32>
      %and3A_113 = arith.andi %get3A_112, %broadcast_in_dim3A_5 : vector<16xi32>
      %mul3A_114 = arith.constant 12 : i32
      %mul3A_115 = vector.broadcast %mul3A_114 : i32 to vector<16xi32>
      %mul3A_116 = arith.muli %and3A_113, %mul3A_115 : vector<16xi32>
      %add3A_117 = arith.addi %mul3A_116, %broadcast_in_dim3A_34 : vector<16xi32>
      %swap3A_118 = arith.constant 64 : index
      %swap3A_119 = tpu.vector_load %arg10[%swap3A_118] {strides = array<i32>} : memref<96xi32, #tpu.memory_space<vmem>>, vector<16xi32>,
      %swap3A_120 = vector.shape_cast %swap3A_119 : vector<16xi32> to vector<16xi32>
      %swap3A_121 = vector.shape_cast %add3A_117 : vector<16xi32> to vector<16xi32>
      tpu.vector_store %arg10[%swap3A_118], %swap3A_121 {strides = array<i32>} : memref<96xi32, #tpu.memory_space<vmem>>, vector<16xi32>,
      %shift_right_logical3A_122 = arith.constant 16 : i32
      %shift_right_logical3A_123 = vector.broadcast %shift_right_logical3A_122 : i32 to vector<16xi32>
      %shift_right_logical3A_124 = arith.shrui %get3A_112, %shift_right_logical3A_123 : vector<16xi32>
      %swap3A_125 = arith.constant 64 : index
      %swap3A_126 = tpu.vector_load %arg13[%swap3A_125] {strides = array<i32>} : memref<96xi32, #tpu.memory_space<vmem>>, vector<16xi32>,
      %swap3A_127 = vector.shape_cast %swap3A_126 : vector<16xi32> to vector<16xi32>
      %swap3A_128 = vector.shape_cast %shift_right_logical3A_124 : vector<16xi32> to vector<16xi32>
      tpu.vector_store %arg13[%swap3A_125], %swap3A_128 {strides = array<i32>} : memref<96xi32, #tpu.memory_space<vmem>>, vector<16xi32>,
      %get3A_129 = arith.constant 80 : index
      %get3A_130 = tpu.vector_load %arg9[%get3A_129] {strides = array<i32>} : memref<10000xi32, #tpu.memory_space<vmem>>, vector<16xi32>,
      %get3A_131 = vector.shape_cast %get3A_130 : vector<16xi32> to vector<16xi32>
      %and3A_132 = arith.andi %get3A_131, %broadcast_in_dim3A_5 : vector<16xi32>
      %mul3A_133 = arith.constant 12 : i32
      %mul3A_134 = vector.broadcast %mul3A_133 : i32 to vector<16xi32>
      %mul3A_135 = arith.muli %and3A_132, %mul3A_134 : vector<16xi32>
      %add3A_136 = arith.addi %mul3A_135, %broadcast_in_dim3A_34 : vector<16xi32>
      %swap3A_137 = arith.constant 80 : index
      %swap3A_138 = tpu.vector_load %arg10[%swap3A_137] {strides = array<i32>} : memref<96xi32, #tpu.memory_space<vmem>>, vector<16xi32>,
      %swap3A_139 = vector.shape_cast %swap3A_138 : vector<16xi32> to vector<16xi32>
      %swap3A_140 = vector.shape_cast %add3A_136 : vector<16xi32> to vector<16xi32>
      tpu.vector_store %arg10[%swap3A_137], %swap3A_140 {strides = array<i32>} : memref<96xi32, #tpu.memory_space<vmem>>, vector<16xi32>,
      %shift_right_logical3A_141 = arith.constant 16 : i32
      %shift_right_logical3A_142 = vector.broadcast %shift_right_logical3A_141 : i32 to vector<16xi32>
      %shift_right_logical3A_143 = arith.shrui %get3A_131, %shift_right_logical3A_142 : vector<16xi32>
      %swap3A_144 = arith.constant 80 : index
      %swap3A_145 = tpu.vector_load %arg13[%swap3A_144] {strides = array<i32>} : memref<96xi32, #tpu.memory_space<vmem>>, vector<16xi32>,
      %swap3A_146 = vector.shape_cast %swap3A_145 : vector<16xi32> to vector<16xi32>
      %swap3A_147 = vector.shape_cast %shift_right_logical3A_143 : vector<16xi32> to vector<16xi32>
      tpu.vector_store %arg13[%swap3A_144], %swap3A_147 {strides = array<i32>} : memref<96xi32, #tpu.memory_space<vmem>>, vector<16xi32>,
      %dma_start3A_148 = arith.constant 0 : i32
      %dma_start3A_149 = arith.constant 0 : i32
      %dma_start3A_150 = tpu.memref_slice %arg2[%dma_start3A_148, %dma_start3A_149] : memref<120000x128xf32, #tpu.memory_space<hbm>> -> memref<120000x128xf32, #tpu.memory_space<hbm>>
      tpu.enqueue_indirect_dma source(%dma_start3A_150 : memref<120000x128xf32, #tpu.memory_space<hbm>>) target(%arg18 : memref<96x128xf32, #tpu.memory_space<vmem>>) offsets(%arg10 : memref<96xi32, #tpu.memory_space<vmem>>) semaphore(%arg22 : memref<!tpu.dma_semaphore, #tpu.memory_space<semaphore_mem>>)
      %get3A_151 = arith.constant 96 : index
      %get3A_152 = tpu.vector_load %arg9[%get3A_151] {strides = array<i32>} : memref<10000xi32, #tpu.memory_space<vmem>>, vector<16xi32>,
      %get3A_153 = vector.shape_cast %get3A_152 : vector<16xi32> to vector<16xi32>
      %and3A_154 = arith.andi %get3A_153, %broadcast_in_dim3A_5 : vector<16xi32>
      %mul3A_155 = arith.constant 12 : i32
      %mul3A_156 = vector.broadcast %mul3A_155 : i32 to vector<16xi32>
      %mul3A_157 = arith.muli %and3A_154, %mul3A_156 : vector<16xi32>
      %add3A_158 = arith.addi %mul3A_157, %broadcast_in_dim3A_34 : vector<16xi32>
      %swap3A_159 = arith.constant 0 : index
      %swap3A_160 = tpu.vector_load %arg11[%swap3A_159] {strides = array<i32>} : memref<96xi32, #tpu.memory_space<vmem>>, vector<16xi32>,
      %swap3A_161 = vector.shape_cast %swap3A_160 : vector<16xi32> to vector<16xi32>
      %swap3A_162 = vector.shape_cast %add3A_158 : vector<16xi32> to vector<16xi32>
      tpu.vector_store %arg11[%swap3A_159], %swap3A_162 {strides = array<i32>} : memref<96xi32, #tpu.memory_space<vmem>>, vector<16xi32>,
      %shift_right_logical3A_163 = arith.constant 16 : i32
      %shift_right_logical3A_164 = vector.broadcast %shift_right_logical3A_163 : i32 to vector<16xi32>
      %shift_right_logical3A_165 = arith.shrui %get3A_153, %shift_right_logical3A_164 : vector<16xi32>
      %swap3A_166 = arith.constant 0 : index
      %swap3A_167 = tpu.vector_load %arg14[%swap3A_166] {strides = array<i32>} : memref<96xi32, #tpu.memory_space<vmem>>, vector<16xi32>,
      %swap3A_168 = vector.shape_cast %swap3A_167 : vector<16xi32> to vector<16xi32>
      %swap3A_169 = vector.shape_cast %shift_right_logical3A_165 : vector<16xi32> to vector<16xi32>
      tpu.vector_store %arg14[%swap3A_166], %swap3A_169 {strides = array<i32>} : memref<96xi32, #tpu.memory_space<vmem>>, vector<16xi32>,
      %get3A_170 = arith.constant 112 : index
      %get3A_171 = tpu.vector_load %arg9[%get3A_170] {strides = array<i32>} : memref<10000xi32, #tpu.memory_space<vmem>>, vector<16xi32>,
      %get3A_172 = vector.shape_cast %get3A_171 : vector<16xi32> to vector<16xi32>
      %and3A_173 = arith.andi %get3A_172, %broadcast_in_dim3A_5 : vector<16xi32>
      %mul3A_174 = arith.constant 12 : i32
      %mul3A_175 = vector.broadcast %mul3A_174 : i32 to vector<16xi32>
      %mul3A_176 = arith.muli %and3A_173, %mul3A_175 : vector<16xi32>
      %add3A_177 = arith.addi %mul3A_176, %broadcast_in_dim3A_34 : vector<16xi32>
      %swap3A_178 = arith.constant 16 : index
      %swap3A_179 = tpu.vector_load %arg11[%swap3A_178] {strides = array<i32>} : memref<96xi32, #tpu.memory_space<vmem>>, vector<16xi32>,
      %swap3A_180 = vector.shape_cast %swap3A_179 : vector<16xi32> to vector<16xi32>
      %swap3A_181 = vector.shape_cast %add3A_177 : vector<16xi32> to vector<16xi32>
      tpu.vector_store %arg11[%swap3A_178], %swap3A_181 {strides = array<i32>} : memref<96xi32, #tpu.memory_space<vmem>>, vector<16xi32>,
      %shift_right_logical3A_182 = arith.constant 16 : i32
      %shift_right_logical3A_183 = vector.broadcast %shift_right_logical3A_182 : i32 to vector<16xi32>
      %shift_right_logical3A_184 = arith.shrui %get3A_172, %shift_right_logical3A_183 : vector<16xi32>
      %swap3A_185 = arith.constant 16 : index
      %swap3A_186 = tpu.vector_load %arg14[%swap3A_185] {strides = array<i32>} : memref<96xi32, #tpu.memory_space<vmem>>, vector<16xi32>,
      %swap3A_187 = vector.shape_cast %swap3A_186 : vector<16xi32> to vector<16xi32>
      %swap3A_188 = vector.shape_cast %shift_right_logical3A_184 : vector<16xi32> to vector<16xi32>
      tpu.vector_store %arg14[%swap3A_185], %swap3A_188 {strides = array<i32>} : memref<96xi32, #tpu.memory_space<vmem>>, vector<16xi32>,
      %get3A_189 = arith.constant 128 : index
      %get3A_190 = tpu.vector_load %arg9[%get3A_189] {strides = array<i32>} : memref<10000xi32, #tpu.memory_space<vmem>>, vector<16xi32>,
      %get3A_191 = vector.shape_cast %get3A_190 : vector<16xi32> to vector<16xi32>
      %and3A_192 = arith.andi %get3A_191, %broadcast_in_dim3A_5 : vector<16xi32>
      %mul3A_193 = arith.constant 12 : i32
      %mul3A_194 = vector.broadcast %mul3A_193 : i32 to vector<16xi32>
      %mul3A_195 = arith.muli %and3A_192, %mul3A_194 : vector<16xi32>
      %add3A_196 = arith.addi %mul3A_195, %broadcast_in_dim3A_34 : vector<16xi32>
      %swap3A_197 = arith.constant 32 : index
      %swap3A_198 = tpu.vector_load %arg11[%swap3A_197] {strides = array<i32>} : memref<96xi32, #tpu.memory_space<vmem>>, vector<16xi32>,
      %swap3A_199 = vector.shape_cast %swap3A_198 : vector<16xi32> to vector<16xi32>
      %swap3A_200 = vector.shape_cast %add3A_196 : vector<16xi32> to vector<16xi32>
      tpu.vector_store %arg11[%swap3A_197], %swap3A_200 {strides = array<i32>} : memref<96xi32, #tpu.memory_space<vmem>>, vector<16xi32>,
      %shift_right_logical3A_201 = arith.constant 16 : i32
      %shift_right_logical3A_202 = vector.broadcast %shift_right_logical3A_201 : i32 to vector<16xi32>
      %shift_right_logical3A_203 = arith.shrui %get3A_191, %shift_right_logical3A_202 : vector<16xi32>
      %swap3A_204 = arith.constant 32 : index
      %swap3A_205 = tpu.vector_load %arg14[%swap3A_204] {strides = array<i32>} : memref<96xi32, #tpu.memory_space<vmem>>, vector<16xi32>,
      %swap3A_206 = vector.shape_cast %swap3A_205 : vector<16xi32> to vector<16xi32>
      %swap3A_207 = vector.shape_cast %shift_right_logical3A_203 : vector<16xi32> to vector<16xi32>
      tpu.vector_store %arg14[%swap3A_204], %swap3A_207 {strides = array<i32>} : memref<96xi32, #tpu.memory_space<vmem>>, vector<16xi32>,
      %get3A_208 = arith.constant 144 : index
      %get3A_209 = tpu.vector_load %arg9[%get3A_208] {strides = array<i32>} : memref<10000xi32, #tpu.memory_space<vmem>>, vector<16xi32>,
      %get3A_210 = vector.shape_cast %get3A_209 : vector<16xi32> to vector<16xi32>
      %and3A_211 = arith.andi %get3A_210, %broadcast_in_dim3A_5 : vector<16xi32>
      %mul3A_212 = arith.constant 12 : i32
      %mul3A_213 = vector.broadcast %mul3A_212 : i32 to vector<16xi32>
      %mul3A_214 = arith.muli %and3A_211, %mul3A_213 : vector<16xi32>
      %add3A_215 = arith.addi %mul3A_214, %broadcast_in_dim3A_34 : vector<16xi32>
      %swap3A_216 = arith.constant 48 : index
      %swap3A_217 = tpu.vector_load %arg11[%swap3A_216] {strides = array<i32>} : memref<96xi32, #tpu.memory_space<vmem>>, vector<16xi32>,
      %swap3A_218 = vector.shape_cast %swap3A_217 : vector<16xi32> to vector<16xi32>
      %swap3A_219 = vector.shape_cast %add3A_215 : vector<16xi32> to vector<16xi32>
      tpu.vector_store %arg11[%swap3A_216], %swap3A_219 {strides = array<i32>} : memref<96xi32, #tpu.memory_space<vmem>>, vector<16xi32>,
      %shift_right_logical3A_220 = arith.constant 16 : i32
      %shift_right_logical3A_221 = vector.broadcast %shift_right_logical3A_220 : i32 to vector<16xi32>
      %shift_right_logical3A_222 = arith.shrui %get3A_210, %shift_right_logical3A_221 : vector<16xi32>
      %swap3A_223 = arith.constant 48 : index
      %swap3A_224 = tpu.vector_load %arg14[%swap3A_223] {strides = array<i32>} : memref<96xi32, #tpu.memory_space<vmem>>, vector<16xi32>,
      %swap3A_225 = vector.shape_cast %swap3A_224 : vector<16xi32> to vector<16xi32>
      %swap3A_226 = vector.shape_cast %shift_right_logical3A_222 : vector<16xi32> to vector<16xi32>
      tpu.vector_store %arg14[%swap3A_223], %swap3A_226 {strides = array<i32>} : memref<96xi32, #tpu.memory_space<vmem>>, vector<16xi32>,
      %get3A_227 = arith.constant 160 : index
      %get3A_228 = tpu.vector_load %arg9[%get3A_227] {strides = array<i32>} : memref<10000xi32, #tpu.memory_space<vmem>>, vector<16xi32>,
      %get3A_229 = vector.shape_cast %get3A_228 : vector<16xi32> to vector<16xi32>
      %and3A_230 = arith.andi %get3A_229, %broadcast_in_dim3A_5 : vector<16xi32>
      %mul3A_231 = arith.constant 12 : i32
      %mul3A_232 = vector.broadcast %mul3A_231 : i32 to vector<16xi32>
      %mul3A_233 = arith.muli %and3A_230, %mul3A_232 : vector<16xi32>
      %add3A_234 = arith.addi %mul3A_233, %broadcast_in_dim3A_34 : vector<16xi32>
      %swap3A_235 = arith.constant 64 : index
      %swap3A_236 = tpu.vector_load %arg11[%swap3A_235] {strides = array<i32>} : memref<96xi32, #tpu.memory_space<vmem>>, vector<16xi32>,
      %swap3A_237 = vector.shape_cast %swap3A_236 : vector<16xi32> to vector<16xi32>
      %swap3A_238 = vector.shape_cast %add3A_234 : vector<16xi32> to vector<16xi32>
      tpu.vector_store %arg11[%swap3A_235], %swap3A_238 {strides = array<i32>} : memref<96xi32, #tpu.memory_space<vmem>>, vector<16xi32>,
      %shift_right_logical3A_239 = arith.constant 16 : i32
      %shift_right_logical3A_240 = vector.broadcast %shift_right_logical3A_239 : i32 to vector<16xi32>
      %shift_right_logical3A_241 = arith.shrui %get3A_229, %shift_right_logical3A_240 : vector<16xi32>
      %swap3A_242 = arith.constant 64 : index
      %swap3A_243 = tpu.vector_load %arg14[%swap3A_242] {strides = array<i32>} : memref<96xi32, #tpu.memory_space<vmem>>, vector<16xi32>,
      %swap3A_244 = vector.shape_cast %swap3A_243 : vector<16xi32> to vector<16xi32>
      %swap3A_245 = vector.shape_cast %shift_right_logical3A_241 : vector<16xi32> to vector<16xi32>
      tpu.vector_store %arg14[%swap3A_242], %swap3A_245 {strides = array<i32>} : memref<96xi32, #tpu.memory_space<vmem>>, vector<16xi32>,
      %get3A_246 = arith.constant 176 : index
      %get3A_247 = tpu.vector_load %arg9[%get3A_246] {strides = array<i32>} : memref<10000xi32, #tpu.memory_space<vmem>>, vector<16xi32>,
      %get3A_248 = vector.shape_cast %get3A_247 : vector<16xi32> to vector<16xi32>
      %and3A_249 = arith.andi %get3A_248, %broadcast_in_dim3A_5 : vector<16xi32>
      %mul3A_250 = arith.constant 12 : i32
      %mul3A_251 = vector.broadcast %mul3A_250 : i32 to vector<16xi32>
      %mul3A_252 = arith.muli %and3A_249, %mul3A_251 : vector<16xi32>
      %add3A_253 = arith.addi %mul3A_252, %broadcast_in_dim3A_34 : vector<16xi32>
      %swap3A_254 = arith.constant 80 : index
      %swap3A_255 = tpu.vector_load %arg11[%swap3A_254] {strides = array<i32>} : memref<96xi32, #tpu.memory_space<vmem>>, vector<16xi32>,
      %swap3A_256 = vector.shape_cast %swap3A_255 : vector<16xi32> to vector<16xi32>
      %swap3A_257 = vector.shape_cast %add3A_253 : vector<16xi32> to vector<16xi32>
      tpu.vector_store %arg11[%swap3A_254], %swap3A_257 {strides = array<i32>} : memref<96xi32, #tpu.memory_space<vmem>>, vector<16xi32>,
      %shift_right_logical3A_258 = arith.constant 16 : i32
      %shift_right_logical3A_259 = vector.broadcast %shift_right_logical3A_258 : i32 to vector<16xi32>
      %shift_right_logical3A_260 = arith.shrui %get3A_248, %shift_right_logical3A_259 : vector<16xi32>
      %swap3A_261 = arith.constant 80 : index
      %swap3A_262 = tpu.vector_load %arg14[%swap3A_261] {strides = array<i32>} : memref<96xi32, #tpu.memory_space<vmem>>, vector<16xi32>,
      %swap3A_263 = vector.shape_cast %swap3A_262 : vector<16xi32> to vector<16xi32>
      %swap3A_264 = vector.shape_cast %shift_right_logical3A_260 : vector<16xi32> to vector<16xi32>
      tpu.vector_store %arg14[%swap3A_261], %swap3A_264 {strides = array<i32>} : memref<96xi32, #tpu.memory_space<vmem>>, vector<16xi32>,
      %dma_start3A_265 = arith.constant 0 : i32
      %dma_start3A_266 = arith.constant 0 : i32
      %dma_start3A_267 = tpu.memref_slice %arg2[%dma_start3A_265, %dma_start3A_266] : memref<120000x128xf32, #tpu.memory_space<hbm>> -> memref<120000x128xf32, #tpu.memory_space<hbm>>
      tpu.enqueue_indirect_dma source(%dma_start3A_267 : memref<120000x128xf32, #tpu.memory_space<hbm>>) target(%arg19 : memref<96x128xf32, #tpu.memory_space<vmem>>) offsets(%arg11 : memref<96xi32, #tpu.memory_space<vmem>>) semaphore(%arg23 : memref<!tpu.dma_semaphore, #tpu.memory_space<semaphore_mem>>)
      %get3A_268 = arith.constant 192 : index
      %get3A_269 = tpu.vector_load %arg9[%get3A_268] {strides = array<i32>} : memref<10000xi32, #tpu.memory_space<vmem>>, vector<16xi32>,
      %get3A_270 = vector.shape_cast %get3A_269 : vector<16xi32> to vector<16xi32>
      %and3A_271 = arith.andi %get3A_270, %broadcast_in_dim3A_5 : vector<16xi32>
      %mul3A_272 = arith.constant 12 : i32
      %mul3A_273 = vector.broadcast %mul3A_272 : i32 to vector<16xi32>
      %mul3A_274 = arith.muli %and3A_271, %mul3A_273 : vector<16xi32>
      %add3A_275 = arith.addi %mul3A_274, %broadcast_in_dim3A_34 : vector<16xi32>
      %swap3A_276 = arith.constant 0 : index
      %swap3A_277 = tpu.vector_load %arg12[%swap3A_276] {strides = array<i32>} : memref<96xi32, #tpu.memory_space<vmem>>, vector<16xi32>,
      %swap3A_278 = vector.shape_cast %swap3A_277 : vector<16xi32> to vector<16xi32>
      %swap3A_279 = vector.shape_cast %add3A_275 : vector<16xi32> to vector<16xi32>
      tpu.vector_store %arg12[%swap3A_276], %swap3A_279 {strides = array<i32>} : memref<96xi32, #tpu.memory_space<vmem>>, vector<16xi32>,
      %shift_right_logical3A_280 = arith.constant 16 : i32
      %shift_right_logical3A_281 = vector.broadcast %shift_right_logical3A_280 : i32 to vector<16xi32>
      %shift_right_logical3A_282 = arith.shrui %get3A_270, %shift_right_logical3A_281 : vector<16xi32>
      %swap3A_283 = arith.constant 0 : index
      %swap3A_284 = tpu.vector_load %arg15[%swap3A_283] {strides = array<i32>} : memref<96xi32, #tpu.memory_space<vmem>>, vector<16xi32>,
      %swap3A_285 = vector.shape_cast %swap3A_284 : vector<16xi32> to vector<16xi32>
      %swap3A_286 = vector.shape_cast %shift_right_logical3A_282 : vector<16xi32> to vector<16xi32>
      tpu.vector_store %arg15[%swap3A_283], %swap3A_286 {strides = array<i32>} : memref<96xi32, #tpu.memory_space<vmem>>, vector<16xi32>,
      %get3A_287 = arith.constant 208 : index
      %get3A_288 = tpu.vector_load %arg9[%get3A_287] {strides = array<i32>} : memref<10000xi32, #tpu.memory_space<vmem>>, vector<16xi32>,
      %get3A_289 = vector.shape_cast %get3A_288 : vector<16xi32> to vector<16xi32>
      %and3A_290 = arith.andi %get3A_289, %broadcast_in_dim3A_5 : vector<16xi32>
      %mul3A_291 = arith.constant 12 : i32
      %mul3A_292 = vector.broadcast %mul3A_291 : i32 to vector<16xi32>
      %mul3A_293 = arith.muli %and3A_290, %mul3A_292 : vector<16xi32>
      %add3A_294 = arith.addi %mul3A_293, %broadcast_in_dim3A_34 : vector<16xi32>
      %swap3A_295 = arith.constant 16 : index
      %swap3A_296 = tpu.vector_load %arg12[%swap3A_295] {strides = array<i32>} : memref<96xi32, #tpu.memory_space<vmem>>, vector<16xi32>,
      %swap3A_297 = vector.shape_cast %swap3A_296 : vector<16xi32> to vector<16xi32>
      %swap3A_298 = vector.shape_cast %add3A_294 : vector<16xi32> to vector<16xi32>
      tpu.vector_store %arg12[%swap3A_295], %swap3A_298 {strides = array<i32>} : memref<96xi32, #tpu.memory_space<vmem>>, vector<16xi32>,
      %shift_right_logical3A_299 = arith.constant 16 : i32
      %shift_right_logical3A_300 = vector.broadcast %shift_right_logical3A_299 : i32 to vector<16xi32>
      %shift_right_logical3A_301 = arith.shrui %get3A_289, %shift_right_logical3A_300 : vector<16xi32>
      %swap3A_302 = arith.constant 16 : index
      %swap3A_303 = tpu.vector_load %arg15[%swap3A_302] {strides = array<i32>} : memref<96xi32, #tpu.memory_space<vmem>>, vector<16xi32>,
      %swap3A_304 = vector.shape_cast %swap3A_303 : vector<16xi32> to vector<16xi32>
      %swap3A_305 = vector.shape_cast %shift_right_logical3A_301 : vector<16xi32> to vector<16xi32>
      tpu.vector_store %arg15[%swap3A_302], %swap3A_305 {strides = array<i32>} : memref<96xi32, #tpu.memory_space<vmem>>, vector<16xi32>,
      %get3A_306 = arith.constant 224 : index
      %get3A_307 = tpu.vector_load %arg9[%get3A_306] {strides = array<i32>} : memref<10000xi32, #tpu.memory_space<vmem>>, vector<16xi32>,
      %get3A_308 = vector.shape_cast %get3A_307 : vector<16xi32> to vector<16xi32>
      %and3A_309 = arith.andi %get3A_308, %broadcast_in_dim3A_5 : vector<16xi32>
      %mul3A_310 = arith.constant 12 : i32
      %mul3A_311 = vector.broadcast %mul3A_310 : i32 to vector<16xi32>
      %mul3A_312 = arith.muli %and3A_309, %mul3A_311 : vector<16xi32>
      %add3A_313 = arith.addi %mul3A_312, %broadcast_in_dim3A_34 : vector<16xi32>
      %swap3A_314 = arith.constant 32 : index
      %swap3A_315 = tpu.vector_load %arg12[%swap3A_314] {strides = array<i32>} : memref<96xi32, #tpu.memory_space<vmem>>, vector<16xi32>,
      %swap3A_316 = vector.shape_cast %swap3A_315 : vector<16xi32> to vector<16xi32>
      %swap3A_317 = vector.shape_cast %add3A_313 : vector<16xi32> to vector<16xi32>
      tpu.vector_store %arg12[%swap3A_314], %swap3A_317 {strides = array<i32>} : memref<96xi32, #tpu.memory_space<vmem>>, vector<16xi32>,
      %shift_right_logical3A_318 = arith.constant 16 : i32
      %shift_right_logical3A_319 = vector.broadcast %shift_right_logical3A_318 : i32 to vector<16xi32>
      %shift_right_logical3A_320 = arith.shrui %get3A_308, %shift_right_logical3A_319 : vector<16xi32>
      %swap3A_321 = arith.constant 32 : index
      %swap3A_322 = tpu.vector_load %arg15[%swap3A_321] {strides = array<i32>} : memref<96xi32, #tpu.memory_space<vmem>>, vector<16xi32>,
      %swap3A_323 = vector.shape_cast %swap3A_322 : vector<16xi32> to vector<16xi32>
      %swap3A_324 = vector.shape_cast %shift_right_logical3A_320 : vector<16xi32> to vector<16xi32>
      tpu.vector_store %arg15[%swap3A_321], %swap3A_324 {strides = array<i32>} : memref<96xi32, #tpu.memory_space<vmem>>, vector<16xi32>,
      %get3A_325 = arith.constant 240 : index
      %get3A_326 = tpu.vector_load %arg9[%get3A_325] {strides = array<i32>} : memref<10000xi32, #tpu.memory_space<vmem>>, vector<16xi32>,
      %get3A_327 = vector.shape_cast %get3A_326 : vector<16xi32> to vector<16xi32>
      %and3A_328 = arith.andi %get3A_327, %broadcast_in_dim3A_5 : vector<16xi32>
      %mul3A_329 = arith.constant 12 : i32
      %mul3A_330 = vector.broadcast %mul3A_329 : i32 to vector<16xi32>
      %mul3A_331 = arith.muli %and3A_328, %mul3A_330 : vector<16xi32>
      %add3A_332 = arith.addi %mul3A_331, %broadcast_in_dim3A_34 : vector<16xi32>
      %swap3A_333 = arith.constant 48 : index
      %swap3A_334 = tpu.vector_load %arg12[%swap3A_333] {strides = array<i32>} : memref<96xi32, #tpu.memory_space<vmem>>, vector<16xi32>,
      %swap3A_335 = vector.shape_cast %swap3A_334 : vector<16xi32> to vector<16xi32>
      %swap3A_336 = vector.shape_cast %add3A_332 : vector<16xi32> to vector<16xi32>
      tpu.vector_store %arg12[%swap3A_333], %swap3A_336 {strides = array<i32>} : memref<96xi32, #tpu.memory_space<vmem>>, vector<16xi32>,
      %shift_right_logical3A_337 = arith.constant 16 : i32
      %shift_right_logical3A_338 = vector.broadcast %shift_right_logical3A_337 : i32 to vector<16xi32>
      %shift_right_logical3A_339 = arith.shrui %get3A_327, %shift_right_logical3A_338 : vector<16xi32>
      %swap3A_340 = arith.constant 48 : index
      %swap3A_341 = tpu.vector_load %arg15[%swap3A_340] {strides = array<i32>} : memref<96xi32, #tpu.memory_space<vmem>>, vector<16xi32>,
      %swap3A_342 = vector.shape_cast %swap3A_341 : vector<16xi32> to vector<16xi32>
      %swap3A_343 = vector.shape_cast %shift_right_logical3A_339 : vector<16xi32> to vector<16xi32>
      tpu.vector_store %arg15[%swap3A_340], %swap3A_343 {strides = array<i32>} : memref<96xi32, #tpu.memory_space<vmem>>, vector<16xi32>,
      %get3A_344 = arith.constant 256 : index
      %get3A_345 = tpu.vector_load %arg9[%get3A_344] {strides = array<i32>} : memref<10000xi32, #tpu.memory_space<vmem>>, vector<16xi32>,
      %get3A_346 = vector.shape_cast %get3A_345 : vector<16xi32> to vector<16xi32>
      %and3A_347 = arith.andi %get3A_346, %broadcast_in_dim3A_5 : vector<16xi32>
      %mul3A_348 = arith.constant 12 : i32
      %mul3A_349 = vector.broadcast %mul3A_348 : i32 to vector<16xi32>
      %mul3A_350 = arith.muli %and3A_347, %mul3A_349 : vector<16xi32>
      %add3A_351 = arith.addi %mul3A_350, %broadcast_in_dim3A_34 : vector<16xi32>
      %swap3A_352 = arith.constant 64 : index
      %swap3A_353 = tpu.vector_load %arg12[%swap3A_352] {strides = array<i32>} : memref<96xi32, #tpu.memory_space<vmem>>, vector<16xi32>,
      %swap3A_354 = vector.shape_cast %swap3A_353 : vector<16xi32> to vector<16xi32>
      %swap3A_355 = vector.shape_cast %add3A_351 : vector<16xi32> to vector<16xi32>
      tpu.vector_store %arg12[%swap3A_352], %swap3A_355 {strides = array<i32>} : memref<96xi32, #tpu.memory_space<vmem>>, vector<16xi32>,
      %shift_right_logical3A_356 = arith.constant 16 : i32
      %shift_right_logical3A_357 = vector.broadcast %shift_right_logical3A_356 : i32 to vector<16xi32>
      %shift_right_logical3A_358 = arith.shrui %get3A_346, %shift_right_logical3A_357 : vector<16xi32>
      %swap3A_359 = arith.constant 64 : index
      %swap3A_360 = tpu.vector_load %arg15[%swap3A_359] {strides = array<i32>} : memref<96xi32, #tpu.memory_space<vmem>>, vector<16xi32>,
      %swap3A_361 = vector.shape_cast %swap3A_360 : vector<16xi32> to vector<16xi32>
      %swap3A_362 = vector.shape_cast %shift_right_logical3A_358 : vector<16xi32> to vector<16xi32>
      tpu.vector_store %arg15[%swap3A_359], %swap3A_362 {strides = array<i32>} : memref<96xi32, #tpu.memory_space<vmem>>, vector<16xi32>,
      %get3A_363 = arith.constant 272 : index
      %get3A_364 = tpu.vector_load %arg9[%get3A_363] {strides = array<i32>} : memref<10000xi32, #tpu.memory_space<vmem>>, vector<16xi32>,
      %get3A_365 = vector.shape_cast %get3A_364 : vector<16xi32> to vector<16xi32>
      %and3A_366 = arith.andi %get3A_365, %broadcast_in_dim3A_5 : vector<16xi32>
      %mul3A_367 = arith.constant 12 : i32
      %mul3A_368 = vector.broadcast %mul3A_367 : i32 to vector<16xi32>
      %mul3A_369 = arith.muli %and3A_366, %mul3A_368 : vector<16xi32>
      %add3A_370 = arith.addi %mul3A_369, %broadcast_in_dim3A_34 : vector<16xi32>
      %swap3A_371 = arith.constant 80 : index
      %swap3A_372 = tpu.vector_load %arg12[%swap3A_371] {strides = array<i32>} : memref<96xi32, #tpu.memory_space<vmem>>, vector<16xi32>,
      %swap3A_373 = vector.shape_cast %swap3A_372 : vector<16xi32> to vector<16xi32>
      %swap3A_374 = vector.shape_cast %add3A_370 : vector<16xi32> to vector<16xi32>
      tpu.vector_store %arg12[%swap3A_371], %swap3A_374 {strides = array<i32>} : memref<96xi32, #tpu.memory_space<vmem>>, vector<16xi32>,
      %shift_right_logical3A_375 = arith.constant 16 : i32
      %shift_right_logical3A_376 = vector.broadcast %shift_right_logical3A_375 : i32 to vector<16xi32>
      %shift_right_logical3A_377 = arith.shrui %get3A_365, %shift_right_logical3A_376 : vector<16xi32>
      %swap3A_378 = arith.constant 80 : index
      %swap3A_379 = tpu.vector_load %arg15[%swap3A_378] {strides = array<i32>} : memref<96xi32, #tpu.memory_space<vmem>>, vector<16xi32>,
      %swap3A_380 = vector.shape_cast %swap3A_379 : vector<16xi32> to vector<16xi32>
      %swap3A_381 = vector.shape_cast %shift_right_logical3A_377 : vector<16xi32> to vector<16xi32>
      tpu.vector_store %arg15[%swap3A_378], %swap3A_381 {strides = array<i32>} : memref<96xi32, #tpu.memory_space<vmem>>, vector<16xi32>,
      %dma_start3A_382 = arith.constant 0 : i32
      %dma_start3A_383 = arith.constant 0 : i32
      %dma_start3A_384 = tpu.memref_slice %arg2[%dma_start3A_382, %dma_start3A_383] : memref<120000x128xf32, #tpu.memory_space<hbm>> -> memref<120000x128xf32, #tpu.memory_space<hbm>>
      tpu.enqueue_indirect_dma source(%dma_start3A_384 : memref<120000x128xf32, #tpu.memory_space<hbm>>) target(%arg20 : memref<96x128xf32, #tpu.memory_space<vmem>>) offsets(%arg12 : memref<96xi32, #tpu.memory_space<vmem>>) semaphore(%arg24 : memref<!tpu.dma_semaphore, #tpu.memory_space<semaphore_mem>>)
      %dma_wait3A_385 = arith.constant 0 : i32
      %dma_wait3A_386 = tpu.memref_slice %arg7[%arg0, %mul3A_0, %dma_wait3A_385] : memref<2x10112x128xf32, #tpu.memory_space<hbm>> -> memref<1x632x128xf32, #tpu.memory_space<hbm>>
      %dma_wait3A_387 = tpu.memref_squeeze %dma_wait3A_386 : memref<1x632x128xf32, #tpu.memory_space<hbm>> -> memref<632x128xf32, #tpu.memory_space<hbm>>
      %dma_wait3A_388 = arith.constant 0 : i32
      %dma_wait3A_389 = tpu.memref_slice %arg8[%mul3A_0, %dma_wait3A_388] : memref<10112x128xf32, #tpu.memory_space<vmem_shared>> -> memref<632x128xf32, #tpu.memory_space<vmem_shared>>
      tpu.wait_dma2 semaphore(%arg25 : memref<!tpu.dma_semaphore, #tpu.memory_space<semaphore_mem>>) src(%dma_wait3A_389 : memref<632x128xf32, #tpu.memory_space<vmem_shared>>) dst(%dma_wait3A_387 : memref<632x128xf32, #tpu.memory_space<hbm>>)
      "tpu.region"() ({
        %run_scoped3A = tpu.sem_alloc : memref<!tpu.dma_semaphore, #tpu.memory_space<semaphore_mem>>
        %dma_start3A_674 = arith.constant 0 : i32
        %dma_start3A_675 = tpu.memref_slice %arg8[%mul3A_0, %dma_start3A_674] : memref<10112x128xf32, #tpu.memory_space<vmem_shared>> -> memref<632x128xf32, #tpu.memory_space<vmem_shared>>
        tpu.enqueue_dma source(%arg4 : memref<632x128xf32, #tpu.memory_space<hbm>>) target(%dma_start3A_675 : memref<632x128xf32, #tpu.memory_space<vmem_shared>>) target_semaphore(%run_scoped3A : memref<!tpu.dma_semaphore, #tpu.memory_space<semaphore_mem>>)
        %dma_wait3A_676 = arith.constant 0 : i32
        %dma_wait3A_677 = tpu.memref_slice %arg8[%mul3A_0, %dma_wait3A_676] : memref<10112x128xf32, #tpu.memory_space<vmem_shared>> -> memref<632x128xf32, #tpu.memory_space<vmem_shared>>
        tpu.wait_dma2 semaphore(%run_scoped3A : memref<!tpu.dma_semaphore, #tpu.memory_space<semaphore_mem>>) src(%arg4 : memref<632x128xf32, #tpu.memory_space<hbm>>) dst(%dma_wait3A_677 : memref<632x128xf32, #tpu.memory_space<vmem_shared>>)
        tpu.yield
      }) : () -> ()
      %barrier3A_390 = arith.constant 0 : index
      tpu.barrier barrier_id(%barrier3A_390)
      %scan3A_391 = arith.constant 0 : i32
      %scan3A_392 = arith.constant 0 : i32
      %scan3A_393 = arith.constant 33 : i32
      %scan3A_394 = arith.addi %scan3A_392, %scan3A_393 : i32
      %scan3A_395 = arith.constant 1 : i32
      scf.for %scan3A_674 = %scan3A_392 to %scan3A_394 step %scan3A_395  : i32 {
        %mul3A_675 = arith.constant 3 : i32
        %mul3A_676 = arith.muli %mul3A_675, %scan3A_674 : i32
        %dma_wait3A_677 = arith.constant 0 : i32
        %dma_wait3A_678 = arith.constant 0 : i32
        %dma_wait3A_679 = tpu.memref_slice %arg2[%dma_wait3A_677, %dma_wait3A_678] : memref<120000x128xf32, #tpu.memory_space<hbm>> -> memref<120000x128xf32, #tpu.memory_space<hbm>>
        tpu.wait_indirect_dma semaphore(%arg22 : memref<!tpu.dma_semaphore, #tpu.memory_space<semaphore_mem>>) src(%dma_wait3A_679 : memref<120000x128xf32, #tpu.memory_space<hbm>>) dst(%arg18 : memref<96x128xf32, #tpu.memory_space<vmem>>)
        "tpu.region"() ({
          %run_scoped3A = tpu.sem_alloc : memref<!tpu.dma_semaphore, #tpu.memory_space<semaphore_mem>>
          %dma_start3A_1091 = arith.constant 0 : i32
          %dma_start3A_1092 = arith.constant 0 : i32
          %dma_start3A_1093 = tpu.memref_slice %arg8[%dma_start3A_1091, %dma_start3A_1092] : memref<10112x128xf32, #tpu.memory_space<vmem_shared>> -> memref<10112x128xf32, #tpu.memory_space<vmem_shared>>
          tpu.enqueue_indirect_dma source(%arg18 : memref<96x128xf32, #tpu.memory_space<vmem>>) target(%dma_start3A_1093 : memref<10112x128xf32, #tpu.memory_space<vmem_shared>>) offsets(%arg13 : memref<96xi32, #tpu.memory_space<vmem>>) semaphore(%run_scoped3A : memref<!tpu.dma_semaphore, #tpu.memory_space<semaphore_mem>>) {add = true}
          %dma_wait3A_1094 = arith.constant 0 : i32
          %dma_wait3A_1095 = arith.constant 0 : i32
          %dma_wait3A_1096 = tpu.memref_slice %arg8[%dma_wait3A_1094, %dma_wait3A_1095] : memref<10112x128xf32, #tpu.memory_space<vmem_shared>> -> memref<10112x128xf32, #tpu.memory_space<vmem_shared>>
          tpu.wait_indirect_dma semaphore(%run_scoped3A : memref<!tpu.dma_semaphore, #tpu.memory_space<semaphore_mem>>) src(%arg18 : memref<96x128xf32, #tpu.memory_space<vmem>>) dst(%dma_wait3A_1096 : memref<10112x128xf32, #tpu.memory_space<vmem_shared>>)
          tpu.yield
        }) : () -> ()
        %add3A_680 = arith.constant 0 : i32
        %add3A_681 = arith.addi %mul3A_676, %add3A_680 : i32
        %add3A_682 = arith.constant 3 : i32
        %add3A_683 = arith.addi %add3A_681, %add3A_682 : i32
        %mul3A_684 = arith.constant 96 : i32
        %mul3A_685 = arith.muli %add3A_683, %mul3A_684 : i32
        %add3A_686 = arith.constant 0 : i32
        %add3A_687 = arith.addi %mul3A_685, %add3A_686 : i32
        %get3A_688 = arith.index_cast %add3A_687 : i32 to index
        %get3A_689 = tpu.vector_load %arg9[%get3A_688] {strides = array<i32>} : memref<10000xi32, #tpu.memory_space<vmem>>, vector<16xi32>,
        %get3A_690 = vector.shape_cast %get3A_689 : vector<16xi32> to vector<16xi32>
        %and3A_691 = arith.andi %get3A_690, %broadcast_in_dim3A_5 : vector<16xi32>
        %mul3A_692 = arith.constant 12 : i32
        %mul3A_693 = vector.broadcast %mul3A_692 : i32 to vector<16xi32>
        %mul3A_694 = arith.muli %and3A_691, %mul3A_693 : vector<16xi32>
        %add3A_695 = arith.addi %mul3A_694, %broadcast_in_dim3A_34 : vector<16xi32>
        %swap3A_696 = arith.constant 0 : index
        %swap3A_697 = tpu.vector_load %arg10[%swap3A_696] {strides = array<i32>} : memref<96xi32, #tpu.memory_space<vmem>>, vector<16xi32>,
        %swap3A_698 = vector.shape_cast %swap3A_697 : vector<16xi32> to vector<16xi32>
        %swap3A_699 = vector.shape_cast %add3A_695 : vector<16xi32> to vector<16xi32>
        tpu.vector_store %arg10[%swap3A_696], %swap3A_699 {strides = array<i32>} : memref<96xi32, #tpu.memory_space<vmem>>, vector<16xi32>,
        %shift_right_logical3A_700 = arith.constant 16 : i32
        %shift_right_logical3A_701 = vector.broadcast %shift_right_logical3A_700 : i32 to vector<16xi32>
        %shift_right_logical3A_702 = arith.shrui %get3A_690, %shift_right_logical3A_701 : vector<16xi32>
        %swap3A_703 = arith.constant 0 : index
        %swap3A_704 = tpu.vector_load %arg13[%swap3A_703] {strides = array<i32>} : memref<96xi32, #tpu.memory_space<vmem>>, vector<16xi32>,
        %swap3A_705 = vector.shape_cast %swap3A_704 : vector<16xi32> to vector<16xi32>
        %swap3A_706 = vector.shape_cast %shift_right_logical3A_702 : vector<16xi32> to vector<16xi32>
        tpu.vector_store %arg13[%swap3A_703], %swap3A_706 {strides = array<i32>} : memref<96xi32, #tpu.memory_space<vmem>>, vector<16xi32>,
        %add3A_707 = arith.constant 16 : i32
        %add3A_708 = arith.addi %mul3A_685, %add3A_707 : i32
        %get3A_709 = arith.index_cast %add3A_708 : i32 to index
        %get3A_710 = tpu.vector_load %arg9[%get3A_709] {strides = array<i32>} : memref<10000xi32, #tpu.memory_space<vmem>>, vector<16xi32>,
        %get3A_711 = vector.shape_cast %get3A_710 : vector<16xi32> to vector<16xi32>
        %and3A_712 = arith.andi %get3A_711, %broadcast_in_dim3A_5 : vector<16xi32>
        %mul3A_713 = arith.constant 12 : i32
        %mul3A_714 = vector.broadcast %mul3A_713 : i32 to vector<16xi32>
        %mul3A_715 = arith.muli %and3A_712, %mul3A_714 : vector<16xi32>
        %add3A_716 = arith.addi %mul3A_715, %broadcast_in_dim3A_34 : vector<16xi32>
        %swap3A_717 = arith.constant 16 : index
        %swap3A_718 = tpu.vector_load %arg10[%swap3A_717] {strides = array<i32>} : memref<96xi32, #tpu.memory_space<vmem>>, vector<16xi32>,
        %swap3A_719 = vector.shape_cast %swap3A_718 : vector<16xi32> to vector<16xi32>
        %swap3A_720 = vector.shape_cast %add3A_716 : vector<16xi32> to vector<16xi32>
        tpu.vector_store %arg10[%swap3A_717], %swap3A_720 {strides = array<i32>} : memref<96xi32, #tpu.memory_space<vmem>>, vector<16xi32>,
        %shift_right_logical3A_721 = arith.constant 16 : i32
        %shift_right_logical3A_722 = vector.broadcast %shift_right_logical3A_721 : i32 to vector<16xi32>
        %shift_right_logical3A_723 = arith.shrui %get3A_711, %shift_right_logical3A_722 : vector<16xi32>
        %swap3A_724 = arith.constant 16 : index
        %swap3A_725 = tpu.vector_load %arg13[%swap3A_724] {strides = array<i32>} : memref<96xi32, #tpu.memory_space<vmem>>, vector<16xi32>,
        %swap3A_726 = vector.shape_cast %swap3A_725 : vector<16xi32> to vector<16xi32>
        %swap3A_727 = vector.shape_cast %shift_right_logical3A_723 : vector<16xi32> to vector<16xi32>
        tpu.vector_store %arg13[%swap3A_724], %swap3A_727 {strides = array<i32>} : memref<96xi32, #tpu.memory_space<vmem>>, vector<16xi32>,
        %add3A_728 = arith.constant 32 : i32
        %add3A_729 = arith.addi %mul3A_685, %add3A_728 : i32
        %get3A_730 = arith.index_cast %add3A_729 : i32 to index
        %get3A_731 = tpu.vector_load %arg9[%get3A_730] {strides = array<i32>} : memref<10000xi32, #tpu.memory_space<vmem>>, vector<16xi32>,
        %get3A_732 = vector.shape_cast %get3A_731 : vector<16xi32> to vector<16xi32>
        %and3A_733 = arith.andi %get3A_732, %broadcast_in_dim3A_5 : vector<16xi32>
        %mul3A_734 = arith.constant 12 : i32
        %mul3A_735 = vector.broadcast %mul3A_734 : i32 to vector<16xi32>
        %mul3A_736 = arith.muli %and3A_733, %mul3A_735 : vector<16xi32>
        %add3A_737 = arith.addi %mul3A_736, %broadcast_in_dim3A_34 : vector<16xi32>
        %swap3A_738 = arith.constant 32 : index
        %swap3A_739 = tpu.vector_load %arg10[%swap3A_738] {strides = array<i32>} : memref<96xi32, #tpu.memory_space<vmem>>, vector<16xi32>,
        %swap3A_740 = vector.shape_cast %swap3A_739 : vector<16xi32> to vector<16xi32>
        %swap3A_741 = vector.shape_cast %add3A_737 : vector<16xi32> to vector<16xi32>
        tpu.vector_store %arg10[%swap3A_738], %swap3A_741 {strides = array<i32>} : memref<96xi32, #tpu.memory_space<vmem>>, vector<16xi32>,
        %shift_right_logical3A_742 = arith.constant 16 : i32
        %shift_right_logical3A_743 = vector.broadcast %shift_right_logical3A_742 : i32 to vector<16xi32>
        %shift_right_logical3A_744 = arith.shrui %get3A_732, %shift_right_logical3A_743 : vector<16xi32>
        %swap3A_745 = arith.constant 32 : index
        %swap3A_746 = tpu.vector_load %arg13[%swap3A_745] {strides = array<i32>} : memref<96xi32, #tpu.memory_space<vmem>>, vector<16xi32>,
        %swap3A_747 = vector.shape_cast %swap3A_746 : vector<16xi32> to vector<16xi32>
        %swap3A_748 = vector.shape_cast %shift_right_logical3A_744 : vector<16xi32> to vector<16xi32>
        tpu.vector_store %arg13[%swap3A_745], %swap3A_748 {strides = array<i32>} : memref<96xi32, #tpu.memory_space<vmem>>, vector<16xi32>,
        %add3A_749 = arith.constant 48 : i32
        %add3A_750 = arith.addi %mul3A_685, %add3A_749 : i32
        %get3A_751 = arith.index_cast %add3A_750 : i32 to index
        %get3A_752 = tpu.vector_load %arg9[%get3A_751] {strides = array<i32>} : memref<10000xi32, #tpu.memory_space<vmem>>, vector<16xi32>,
        %get3A_753 = vector.shape_cast %get3A_752 : vector<16xi32> to vector<16xi32>
        %and3A_754 = arith.andi %get3A_753, %broadcast_in_dim3A_5 : vector<16xi32>
        %mul3A_755 = arith.constant 12 : i32
        %mul3A_756 = vector.broadcast %mul3A_755 : i32 to vector<16xi32>
        %mul3A_757 = arith.muli %and3A_754, %mul3A_756 : vector<16xi32>
        %add3A_758 = arith.addi %mul3A_757, %broadcast_in_dim3A_34 : vector<16xi32>
        %swap3A_759 = arith.constant 48 : index
        %swap3A_760 = tpu.vector_load %arg10[%swap3A_759] {strides = array<i32>} : memref<96xi32, #tpu.memory_space<vmem>>, vector<16xi32>,
        %swap3A_761 = vector.shape_cast %swap3A_760 : vector<16xi32> to vector<16xi32>
        %swap3A_762 = vector.shape_cast %add3A_758 : vector<16xi32> to vector<16xi32>
        tpu.vector_store %arg10[%swap3A_759], %swap3A_762 {strides = array<i32>} : memref<96xi32, #tpu.memory_space<vmem>>, vector<16xi32>,
        %shift_right_logical3A_763 = arith.constant 16 : i32
        %shift_right_logical3A_764 = vector.broadcast %shift_right_logical3A_763 : i32 to vector<16xi32>
        %shift_right_logical3A_765 = arith.shrui %get3A_753, %shift_right_logical3A_764 : vector<16xi32>
        %swap3A_766 = arith.constant 48 : index
        %swap3A_767 = tpu.vector_load %arg13[%swap3A_766] {strides = array<i32>} : memref<96xi32, #tpu.memory_space<vmem>>, vector<16xi32>,
        %swap3A_768 = vector.shape_cast %swap3A_767 : vector<16xi32> to vector<16xi32>
        %swap3A_769 = vector.shape_cast %shift_right_logical3A_765 : vector<16xi32> to vector<16xi32>
        tpu.vector_store %arg13[%swap3A_766], %swap3A_769 {strides = array<i32>} : memref<96xi32, #tpu.memory_space<vmem>>, vector<16xi32>,
        %add3A_770 = arith.constant 64 : i32
        %add3A_771 = arith.addi %mul3A_685, %add3A_770 : i32
        %get3A_772 = arith.index_cast %add3A_771 : i32 to index
        %get3A_773 = tpu.vector_load %arg9[%get3A_772] {strides = array<i32>} : memref<10000xi32, #tpu.memory_space<vmem>>, vector<16xi32>,
        %get3A_774 = vector.shape_cast %get3A_773 : vector<16xi32> to vector<16xi32>
        %and3A_775 = arith.andi %get3A_774, %broadcast_in_dim3A_5 : vector<16xi32>
        %mul3A_776 = arith.constant 12 : i32
        %mul3A_777 = vector.broadcast %mul3A_776 : i32 to vector<16xi32>
        %mul3A_778 = arith.muli %and3A_775, %mul3A_777 : vector<16xi32>
        %add3A_779 = arith.addi %mul3A_778, %broadcast_in_dim3A_34 : vector<16xi32>
        %swap3A_780 = arith.constant 64 : index
        %swap3A_781 = tpu.vector_load %arg10[%swap3A_780] {strides = array<i32>} : memref<96xi32, #tpu.memory_space<vmem>>, vector<16xi32>,
        %swap3A_782 = vector.shape_cast %swap3A_781 : vector<16xi32> to vector<16xi32>
        %swap3A_783 = vector.shape_cast %add3A_779 : vector<16xi32> to vector<16xi32>
        tpu.vector_store %arg10[%swap3A_780], %swap3A_783 {strides = array<i32>} : memref<96xi32, #tpu.memory_space<vmem>>, vector<16xi32>,
        %shift_right_logical3A_784 = arith.constant 16 : i32
        %shift_right_logical3A_785 = vector.broadcast %shift_right_logical3A_784 : i32 to vector<16xi32>
        %shift_right_logical3A_786 = arith.shrui %get3A_774, %shift_right_logical3A_785 : vector<16xi32>
        %swap3A_787 = arith.constant 64 : index
        %swap3A_788 = tpu.vector_load %arg13[%swap3A_787] {strides = array<i32>} : memref<96xi32, #tpu.memory_space<vmem>>, vector<16xi32>,
        %swap3A_789 = vector.shape_cast %swap3A_788 : vector<16xi32> to vector<16xi32>
        %swap3A_790 = vector.shape_cast %shift_right_logical3A_786 : vector<16xi32> to vector<16xi32>
        tpu.vector_store %arg13[%swap3A_787], %swap3A_790 {strides = array<i32>} : memref<96xi32, #tpu.memory_space<vmem>>, vector<16xi32>,
        %add3A_791 = arith.constant 80 : i32
        %add3A_792 = arith.addi %mul3A_685, %add3A_791 : i32
        %get3A_793 = arith.index_cast %add3A_792 : i32 to index
        %get3A_794 = tpu.vector_load %arg9[%get3A_793] {strides = array<i32>} : memref<10000xi32, #tpu.memory_space<vmem>>, vector<16xi32>,
        %get3A_795 = vector.shape_cast %get3A_794 : vector<16xi32> to vector<16xi32>
        %and3A_796 = arith.andi %get3A_795, %broadcast_in_dim3A_5 : vector<16xi32>
        %mul3A_797 = arith.constant 12 : i32
        %mul3A_798 = vector.broadcast %mul3A_797 : i32 to vector<16xi32>
        %mul3A_799 = arith.muli %and3A_796, %mul3A_798 : vector<16xi32>
        %add3A_800 = arith.addi %mul3A_799, %broadcast_in_dim3A_34 : vector<16xi32>
        %swap3A_801 = arith.constant 80 : index
        %swap3A_802 = tpu.vector_load %arg10[%swap3A_801] {strides = array<i32>} : memref<96xi32, #tpu.memory_space<vmem>>, vector<16xi32>,
        %swap3A_803 = vector.shape_cast %swap3A_802 : vector<16xi32> to vector<16xi32>
        %swap3A_804 = vector.shape_cast %add3A_800 : vector<16xi32> to vector<16xi32>
        tpu.vector_store %arg10[%swap3A_801], %swap3A_804 {strides = array<i32>} : memref<96xi32, #tpu.memory_space<vmem>>, vector<16xi32>,
        %shift_right_logical3A_805 = arith.constant 16 : i32
        %shift_right_logical3A_806 = vector.broadcast %shift_right_logical3A_805 : i32 to vector<16xi32>
        %shift_right_logical3A_807 = arith.shrui %get3A_795, %shift_right_logical3A_806 : vector<16xi32>
        %swap3A_808 = arith.constant 80 : index
        %swap3A_809 = tpu.vector_load %arg13[%swap3A_808] {strides = array<i32>} : memref<96xi32, #tpu.memory_space<vmem>>, vector<16xi32>,
        %swap3A_810 = vector.shape_cast %swap3A_809 : vector<16xi32> to vector<16xi32>
        %swap3A_811 = vector.shape_cast %shift_right_logical3A_807 : vector<16xi32> to vector<16xi32>
        tpu.vector_store %arg13[%swap3A_808], %swap3A_811 {strides = array<i32>} : memref<96xi32, #tpu.memory_space<vmem>>, vector<16xi32>,
        %dma_start3A_812 = arith.constant 0 : i32
        %dma_start3A_813 = arith.constant 0 : i32
        %dma_start3A_814 = tpu.memref_slice %arg2[%dma_start3A_812, %dma_start3A_813] : memref<120000x128xf32, #tpu.memory_space<hbm>> -> memref<120000x128xf32, #tpu.memory_space<hbm>>
        tpu.enqueue_indirect_dma source(%dma_start3A_814 : memref<120000x128xf32, #tpu.memory_space<hbm>>) target(%arg18 : memref<96x128xf32, #tpu.memory_space<vmem>>) offsets(%arg10 : memref<96xi32, #tpu.memory_space<vmem>>) semaphore(%arg22 : memref<!tpu.dma_semaphore, #tpu.memory_space<semaphore_mem>>)
        %dma_wait3A_815 = arith.constant 0 : i32
        %dma_wait3A_816 = arith.constant 0 : i32
        %dma_wait3A_817 = tpu.memref_slice %arg2[%dma_wait3A_815, %dma_wait3A_816] : memref<120000x128xf32, #tpu.memory_space<hbm>> -> memref<120000x128xf32, #tpu.memory_space<hbm>>
        tpu.wait_indirect_dma semaphore(%arg23 : memref<!tpu.dma_semaphore, #tpu.memory_space<semaphore_mem>>) src(%dma_wait3A_817 : memref<120000x128xf32, #tpu.memory_space<hbm>>) dst(%arg19 : memref<96x128xf32, #tpu.memory_space<vmem>>)
        "tpu.region"() ({
          %run_scoped3A = tpu.sem_alloc : memref<!tpu.dma_semaphore, #tpu.memory_space<semaphore_mem>>
          %dma_start3A_1091 = arith.constant 0 : i32
          %dma_start3A_1092 = arith.constant 0 : i32
          %dma_start3A_1093 = tpu.memref_slice %arg8[%dma_start3A_1091, %dma_start3A_1092] : memref<10112x128xf32, #tpu.memory_space<vmem_shared>> -> memref<10112x128xf32, #tpu.memory_space<vmem_shared>>
          tpu.enqueue_indirect_dma source(%arg19 : memref<96x128xf32, #tpu.memory_space<vmem>>) target(%dma_start3A_1093 : memref<10112x128xf32, #tpu.memory_space<vmem_shared>>) offsets(%arg14 : memref<96xi32, #tpu.memory_space<vmem>>) semaphore(%run_scoped3A : memref<!tpu.dma_semaphore, #tpu.memory_space<semaphore_mem>>) {add = true}
          %dma_wait3A_1094 = arith.constant 0 : i32
          %dma_wait3A_1095 = arith.constant 0 : i32
          %dma_wait3A_1096 = tpu.memref_slice %arg8[%dma_wait3A_1094, %dma_wait3A_1095] : memref<10112x128xf32, #tpu.memory_space<vmem_shared>> -> memref<10112x128xf32, #tpu.memory_space<vmem_shared>>
          tpu.wait_indirect_dma semaphore(%run_scoped3A : memref<!tpu.dma_semaphore, #tpu.memory_space<semaphore_mem>>) src(%arg19 : memref<96x128xf32, #tpu.memory_space<vmem>>) dst(%dma_wait3A_1096 : memref<10112x128xf32, #tpu.memory_space<vmem_shared>>)
          tpu.yield
        }) : () -> ()
        %add3A_818 = arith.constant 1 : i32
        %add3A_819 = arith.addi %mul3A_676, %add3A_818 : i32
        %add3A_820 = arith.constant 3 : i32
        %add3A_821 = arith.addi %add3A_819, %add3A_820 : i32
        %mul3A_822 = arith.constant 96 : i32
        %mul3A_823 = arith.muli %add3A_821, %mul3A_822 : i32
        %add3A_824 = arith.constant 0 : i32
        %add3A_825 = arith.addi %mul3A_823, %add3A_824 : i32
        %get3A_826 = arith.index_cast %add3A_825 : i32 to index
        %get3A_827 = tpu.vector_load %arg9[%get3A_826] {strides = array<i32>} : memref<10000xi32, #tpu.memory_space<vmem>>, vector<16xi32>,
        %get3A_828 = vector.shape_cast %get3A_827 : vector<16xi32> to vector<16xi32>
        %and3A_829 = arith.andi %get3A_828, %broadcast_in_dim3A_5 : vector<16xi32>
        %mul3A_830 = arith.constant 12 : i32
        %mul3A_831 = vector.broadcast %mul3A_830 : i32 to vector<16xi32>
        %mul3A_832 = arith.muli %and3A_829, %mul3A_831 : vector<16xi32>
        %add3A_833 = arith.addi %mul3A_832, %broadcast_in_dim3A_34 : vector<16xi32>
        %swap3A_834 = arith.constant 0 : index
        %swap3A_835 = tpu.vector_load %arg11[%swap3A_834] {strides = array<i32>} : memref<96xi32, #tpu.memory_space<vmem>>, vector<16xi32>,
        %swap3A_836 = vector.shape_cast %swap3A_835 : vector<16xi32> to vector<16xi32>
        %swap3A_837 = vector.shape_cast %add3A_833 : vector<16xi32> to vector<16xi32>
        tpu.vector_store %arg11[%swap3A_834], %swap3A_837 {strides = array<i32>} : memref<96xi32, #tpu.memory_space<vmem>>, vector<16xi32>,
        %shift_right_logical3A_838 = arith.constant 16 : i32
        %shift_right_logical3A_839 = vector.broadcast %shift_right_logical3A_838 : i32 to vector<16xi32>
        %shift_right_logical3A_840 = arith.shrui %get3A_828, %shift_right_logical3A_839 : vector<16xi32>
        %swap3A_841 = arith.constant 0 : index
        %swap3A_842 = tpu.vector_load %arg14[%swap3A_841] {strides = array<i32>} : memref<96xi32, #tpu.memory_space<vmem>>, vector<16xi32>,
        %swap3A_843 = vector.shape_cast %swap3A_842 : vector<16xi32> to vector<16xi32>
        %swap3A_844 = vector.shape_cast %shift_right_logical3A_840 : vector<16xi32> to vector<16xi32>
        tpu.vector_store %arg14[%swap3A_841], %swap3A_844 {strides = array<i32>} : memref<96xi32, #tpu.memory_space<vmem>>, vector<16xi32>,
        %add3A_845 = arith.constant 16 : i32
        %add3A_846 = arith.addi %mul3A_823, %add3A_845 : i32
        %get3A_847 = arith.index_cast %add3A_846 : i32 to index
        %get3A_848 = tpu.vector_load %arg9[%get3A_847] {strides = array<i32>} : memref<10000xi32, #tpu.memory_space<vmem>>, vector<16xi32>,
        %get3A_849 = vector.shape_cast %get3A_848 : vector<16xi32> to vector<16xi32>
        %and3A_850 = arith.andi %get3A_849, %broadcast_in_dim3A_5 : vector<16xi32>
        %mul3A_851 = arith.constant 12 : i32
        %mul3A_852 = vector.broadcast %mul3A_851 : i32 to vector<16xi32>
        %mul3A_853 = arith.muli %and3A_850, %mul3A_852 : vector<16xi32>
        %add3A_854 = arith.addi %mul3A_853, %broadcast_in_dim3A_34 : vector<16xi32>
        %swap3A_855 = arith.constant 16 : index
        %swap3A_856 = tpu.vector_load %arg11[%swap3A_855] {strides = array<i32>} : memref<96xi32, #tpu.memory_space<vmem>>, vector<16xi32>,
        %swap3A_857 = vector.shape_cast %swap3A_856 : vector<16xi32> to vector<16xi32>
        %swap3A_858 = vector.shape_cast %add3A_854 : vector<16xi32> to vector<16xi32>
        tpu.vector_store %arg11[%swap3A_855], %swap3A_858 {strides = array<i32>} : memref<96xi32, #tpu.memory_space<vmem>>, vector<16xi32>,
        %shift_right_logical3A_859 = arith.constant 16 : i32
        %shift_right_logical3A_860 = vector.broadcast %shift_right_logical3A_859 : i32 to vector<16xi32>
        %shift_right_logical3A_861 = arith.shrui %get3A_849, %shift_right_logical3A_860 : vector<16xi32>
        %swap3A_862 = arith.constant 16 : index
        %swap3A_863 = tpu.vector_load %arg14[%swap3A_862] {strides = array<i32>} : memref<96xi32, #tpu.memory_space<vmem>>, vector<16xi32>,
        %swap3A_864 = vector.shape_cast %swap3A_863 : vector<16xi32> to vector<16xi32>
        %swap3A_865 = vector.shape_cast %shift_right_logical3A_861 : vector<16xi32> to vector<16xi32>
        tpu.vector_store %arg14[%swap3A_862], %swap3A_865 {strides = array<i32>} : memref<96xi32, #tpu.memory_space<vmem>>, vector<16xi32>,
        %add3A_866 = arith.constant 32 : i32
        %add3A_867 = arith.addi %mul3A_823, %add3A_866 : i32
        %get3A_868 = arith.index_cast %add3A_867 : i32 to index
        %get3A_869 = tpu.vector_load %arg9[%get3A_868] {strides = array<i32>} : memref<10000xi32, #tpu.memory_space<vmem>>, vector<16xi32>,
        %get3A_870 = vector.shape_cast %get3A_869 : vector<16xi32> to vector<16xi32>
        %and3A_871 = arith.andi %get3A_870, %broadcast_in_dim3A_5 : vector<16xi32>
        %mul3A_872 = arith.constant 12 : i32
        %mul3A_873 = vector.broadcast %mul3A_872 : i32 to vector<16xi32>
        %mul3A_874 = arith.muli %and3A_871, %mul3A_873 : vector<16xi32>
        %add3A_875 = arith.addi %mul3A_874, %broadcast_in_dim3A_34 : vector<16xi32>
        %swap3A_876 = arith.constant 32 : index
        %swap3A_877 = tpu.vector_load %arg11[%swap3A_876] {strides = array<i32>} : memref<96xi32, #tpu.memory_space<vmem>>, vector<16xi32>,
        %swap3A_878 = vector.shape_cast %swap3A_877 : vector<16xi32> to vector<16xi32>
        %swap3A_879 = vector.shape_cast %add3A_875 : vector<16xi32> to vector<16xi32>
        tpu.vector_store %arg11[%swap3A_876], %swap3A_879 {strides = array<i32>} : memref<96xi32, #tpu.memory_space<vmem>>, vector<16xi32>,
        %shift_right_logical3A_880 = arith.constant 16 : i32
        %shift_right_logical3A_881 = vector.broadcast %shift_right_logical3A_880 : i32 to vector<16xi32>
        %shift_right_logical3A_882 = arith.shrui %get3A_870, %shift_right_logical3A_881 : vector<16xi32>
        %swap3A_883 = arith.constant 32 : index
        %swap3A_884 = tpu.vector_load %arg14[%swap3A_883] {strides = array<i32>} : memref<96xi32, #tpu.memory_space<vmem>>, vector<16xi32>,
        %swap3A_885 = vector.shape_cast %swap3A_884 : vector<16xi32> to vector<16xi32>
        %swap3A_886 = vector.shape_cast %shift_right_logical3A_882 : vector<16xi32> to vector<16xi32>
        tpu.vector_store %arg14[%swap3A_883], %swap3A_886 {strides = array<i32>} : memref<96xi32, #tpu.memory_space<vmem>>, vector<16xi32>,
        %add3A_887 = arith.constant 48 : i32
        %add3A_888 = arith.addi %mul3A_823, %add3A_887 : i32
        %get3A_889 = arith.index_cast %add3A_888 : i32 to index
        %get3A_890 = tpu.vector_load %arg9[%get3A_889] {strides = array<i32>} : memref<10000xi32, #tpu.memory_space<vmem>>, vector<16xi32>,
        %get3A_891 = vector.shape_cast %get3A_890 : vector<16xi32> to vector<16xi32>
        %and3A_892 = arith.andi %get3A_891, %broadcast_in_dim3A_5 : vector<16xi32>
        %mul3A_893 = arith.constant 12 : i32
        %mul3A_894 = vector.broadcast %mul3A_893 : i32 to vector<16xi32>
        %mul3A_895 = arith.muli %and3A_892, %mul3A_894 : vector<16xi32>
        %add3A_896 = arith.addi %mul3A_895, %broadcast_in_dim3A_34 : vector<16xi32>
        %swap3A_897 = arith.constant 48 : index
        %swap3A_898 = tpu.vector_load %arg11[%swap3A_897] {strides = array<i32>} : memref<96xi32, #tpu.memory_space<vmem>>, vector<16xi32>,
        %swap3A_899 = vector.shape_cast %swap3A_898 : vector<16xi32> to vector<16xi32>
        %swap3A_900 = vector.shape_cast %add3A_896 : vector<16xi32> to vector<16xi32>
        tpu.vector_store %arg11[%swap3A_897], %swap3A_900 {strides = array<i32>} : memref<96xi32, #tpu.memory_space<vmem>>, vector<16xi32>,
        %shift_right_logical3A_901 = arith.constant 16 : i32
        %shift_right_logical3A_902 = vector.broadcast %shift_right_logical3A_901 : i32 to vector<16xi32>
        %shift_right_logical3A_903 = arith.shrui %get3A_891, %shift_right_logical3A_902 : vector<16xi32>
        %swap3A_904 = arith.constant 48 : index
        %swap3A_905 = tpu.vector_load %arg14[%swap3A_904] {strides = array<i32>} : memref<96xi32, #tpu.memory_space<vmem>>, vector<16xi32>,
        %swap3A_906 = vector.shape_cast %swap3A_905 : vector<16xi32> to vector<16xi32>
        %swap3A_907 = vector.shape_cast %shift_right_logical3A_903 : vector<16xi32> to vector<16xi32>
        tpu.vector_store %arg14[%swap3A_904], %swap3A_907 {strides = array<i32>} : memref<96xi32, #tpu.memory_space<vmem>>, vector<16xi32>,
        %add3A_908 = arith.constant 64 : i32
        %add3A_909 = arith.addi %mul3A_823, %add3A_908 : i32
        %get3A_910 = arith.index_cast %add3A_909 : i32 to index
        %get3A_911 = tpu.vector_load %arg9[%get3A_910] {strides = array<i32>} : memref<10000xi32, #tpu.memory_space<vmem>>, vector<16xi32>,
        %get3A_912 = vector.shape_cast %get3A_911 : vector<16xi32> to vector<16xi32>
        %and3A_913 = arith.andi %get3A_912, %broadcast_in_dim3A_5 : vector<16xi32>
        %mul3A_914 = arith.constant 12 : i32
        %mul3A_915 = vector.broadcast %mul3A_914 : i32 to vector<16xi32>
        %mul3A_916 = arith.muli %and3A_913, %mul3A_915 : vector<16xi32>
        %add3A_917 = arith.addi %mul3A_916, %broadcast_in_dim3A_34 : vector<16xi32>
        %swap3A_918 = arith.constant 64 : index
        %swap3A_919 = tpu.vector_load %arg11[%swap3A_918] {strides = array<i32>} : memref<96xi32, #tpu.memory_space<vmem>>, vector<16xi32>,
        %swap3A_920 = vector.shape_cast %swap3A_919 : vector<16xi32> to vector<16xi32>
        %swap3A_921 = vector.shape_cast %add3A_917 : vector<16xi32> to vector<16xi32>
        tpu.vector_store %arg11[%swap3A_918], %swap3A_921 {strides = array<i32>} : memref<96xi32, #tpu.memory_space<vmem>>, vector<16xi32>,
        %shift_right_logical3A_922 = arith.constant 16 : i32
        %shift_right_logical3A_923 = vector.broadcast %shift_right_logical3A_922 : i32 to vector<16xi32>
        %shift_right_logical3A_924 = arith.shrui %get3A_912, %shift_right_logical3A_923 : vector<16xi32>
        %swap3A_925 = arith.constant 64 : index
        %swap3A_926 = tpu.vector_load %arg14[%swap3A_925] {strides = array<i32>} : memref<96xi32, #tpu.memory_space<vmem>>, vector<16xi32>,
        %swap3A_927 = vector.shape_cast %swap3A_926 : vector<16xi32> to vector<16xi32>
        %swap3A_928 = vector.shape_cast %shift_right_logical3A_924 : vector<16xi32> to vector<16xi32>
        tpu.vector_store %arg14[%swap3A_925], %swap3A_928 {strides = array<i32>} : memref<96xi32, #tpu.memory_space<vmem>>, vector<16xi32>,
        %add3A_929 = arith.constant 80 : i32
        %add3A_930 = arith.addi %mul3A_823, %add3A_929 : i32
        %get3A_931 = arith.index_cast %add3A_930 : i32 to index
        %get3A_932 = tpu.vector_load %arg9[%get3A_931] {strides = array<i32>} : memref<10000xi32, #tpu.memory_space<vmem>>, vector<16xi32>,
        %get3A_933 = vector.shape_cast %get3A_932 : vector<16xi32> to vector<16xi32>
        %and3A_934 = arith.andi %get3A_933, %broadcast_in_dim3A_5 : vector<16xi32>
        %mul3A_935 = arith.constant 12 : i32
        %mul3A_936 = vector.broadcast %mul3A_935 : i32 to vector<16xi32>
        %mul3A_937 = arith.muli %and3A_934, %mul3A_936 : vector<16xi32>
        %add3A_938 = arith.addi %mul3A_937, %broadcast_in_dim3A_34 : vector<16xi32>
        %swap3A_939 = arith.constant 80 : index
        %swap3A_940 = tpu.vector_load %arg11[%swap3A_939] {strides = array<i32>} : memref<96xi32, #tpu.memory_space<vmem>>, vector<16xi32>,
        %swap3A_941 = vector.shape_cast %swap3A_940 : vector<16xi32> to vector<16xi32>
        %swap3A_942 = vector.shape_cast %add3A_938 : vector<16xi32> to vector<16xi32>
        tpu.vector_store %arg11[%swap3A_939], %swap3A_942 {strides = array<i32>} : memref<96xi32, #tpu.memory_space<vmem>>, vector<16xi32>,
        %shift_right_logical3A_943 = arith.constant 16 : i32
        %shift_right_logical3A_944 = vector.broadcast %shift_right_logical3A_943 : i32 to vector<16xi32>
        %shift_right_logical3A_945 = arith.shrui %get3A_933, %shift_right_logical3A_944 : vector<16xi32>
        %swap3A_946 = arith.constant 80 : index
        %swap3A_947 = tpu.vector_load %arg14[%swap3A_946] {strides = array<i32>} : memref<96xi32, #tpu.memory_space<vmem>>, vector<16xi32>,
        %swap3A_948 = vector.shape_cast %swap3A_947 : vector<16xi32> to vector<16xi32>
        %swap3A_949 = vector.shape_cast %shift_right_logical3A_945 : vector<16xi32> to vector<16xi32>
        tpu.vector_store %arg14[%swap3A_946], %swap3A_949 {strides = array<i32>} : memref<96xi32, #tpu.memory_space<vmem>>, vector<16xi32>,
        %dma_start3A_950 = arith.constant 0 : i32
        %dma_start3A_951 = arith.constant 0 : i32
        %dma_start3A_952 = tpu.memref_slice %arg2[%dma_start3A_950, %dma_start3A_951] : memref<120000x128xf32, #tpu.memory_space<hbm>> -> memref<120000x128xf32, #tpu.memory_space<hbm>>
        tpu.enqueue_indirect_dma source(%dma_start3A_952 : memref<120000x128xf32, #tpu.memory_space<hbm>>) target(%arg19 : memref<96x128xf32, #tpu.memory_space<vmem>>) offsets(%arg11 : memref<96xi32, #tpu.memory_space<vmem>>) semaphore(%arg23 : memref<!tpu.dma_semaphore, #tpu.memory_space<semaphore_mem>>)
        %dma_wait3A_953 = arith.constant 0 : i32
        %dma_wait3A_954 = arith.constant 0 : i32
        %dma_wait3A_955 = tpu.memref_slice %arg2[%dma_wait3A_953, %dma_wait3A_954] : memref<120000x128xf32, #tpu.memory_space<hbm>> -> memref<120000x128xf32, #tpu.memory_space<hbm>>
        tpu.wait_indirect_dma semaphore(%arg24 : memref<!tpu.dma_semaphore, #tpu.memory_space<semaphore_mem>>) src(%dma_wait3A_955 : memref<120000x128xf32, #tpu.memory_space<hbm>>) dst(%arg20 : memref<96x128xf32, #tpu.memory_space<vmem>>)
        "tpu.region"() ({
          %run_scoped3A = tpu.sem_alloc : memref<!tpu.dma_semaphore, #tpu.memory_space<semaphore_mem>>
          %dma_start3A_1091 = arith.constant 0 : i32
          %dma_start3A_1092 = arith.constant 0 : i32
          %dma_start3A_1093 = tpu.memref_slice %arg8[%dma_start3A_1091, %dma_start3A_1092] : memref<10112x128xf32, #tpu.memory_space<vmem_shared>> -> memref<10112x128xf32, #tpu.memory_space<vmem_shared>>
          tpu.enqueue_indirect_dma source(%arg20 : memref<96x128xf32, #tpu.memory_space<vmem>>) target(%dma_start3A_1093 : memref<10112x128xf32, #tpu.memory_space<vmem_shared>>) offsets(%arg15 : memref<96xi32, #tpu.memory_space<vmem>>) semaphore(%run_scoped3A : memref<!tpu.dma_semaphore, #tpu.memory_space<semaphore_mem>>) {add = true}
          %dma_wait3A_1094 = arith.constant 0 : i32
          %dma_wait3A_1095 = arith.constant 0 : i32
          %dma_wait3A_1096 = tpu.memref_slice %arg8[%dma_wait3A_1094, %dma_wait3A_1095] : memref<10112x128xf32, #tpu.memory_space<vmem_shared>> -> memref<10112x128xf32, #tpu.memory_space<vmem_shared>>
          tpu.wait_indirect_dma semaphore(%run_scoped3A : memref<!tpu.dma_semaphore, #tpu.memory_space<semaphore_mem>>) src(%arg20 : memref<96x128xf32, #tpu.memory_space<vmem>>) dst(%dma_wait3A_1096 : memref<10112x128xf32, #tpu.memory_space<vmem_shared>>)
          tpu.yield
        }) : () -> ()
        %add3A_956 = arith.constant 2 : i32
        %add3A_957 = arith.addi %mul3A_676, %add3A_956 : i32
        %add3A_958 = arith.constant 3 : i32
        %add3A_959 = arith.addi %add3A_957, %add3A_958 : i32
        %mul3A_960 = arith.constant 96 : i32
        %mul3A_961 = arith.muli %add3A_959, %mul3A_960 : i32
        %add3A_962 = arith.constant 0 : i32
        %add3A_963 = arith.addi %mul3A_961, %add3A_962 : i32
        %get3A_964 = arith.index_cast %add3A_963 : i32 to index
        %get3A_965 = tpu.vector_load %arg9[%get3A_964] {strides = array<i32>} : memref<10000xi32, #tpu.memory_space<vmem>>, vector<16xi32>,
        %get3A_966 = vector.shape_cast %get3A_965 : vector<16xi32> to vector<16xi32>
        %and3A_967 = arith.andi %get3A_966, %broadcast_in_dim3A_5 : vector<16xi32>
        %mul3A_968 = arith.constant 12 : i32
        %mul3A_969 = vector.broadcast %mul3A_968 : i32 to vector<16xi32>
        %mul3A_970 = arith.muli %and3A_967, %mul3A_969 : vector<16xi32>
        %add3A_971 = arith.addi %mul3A_970, %broadcast_in_dim3A_34 : vector<16xi32>
        %swap3A_972 = arith.constant 0 : index
        %swap3A_973 = tpu.vector_load %arg12[%swap3A_972] {strides = array<i32>} : memref<96xi32, #tpu.memory_space<vmem>>, vector<16xi32>,
        %swap3A_974 = vector.shape_cast %swap3A_973 : vector<16xi32> to vector<16xi32>
        %swap3A_975 = vector.shape_cast %add3A_971 : vector<16xi32> to vector<16xi32>
        tpu.vector_store %arg12[%swap3A_972], %swap3A_975 {strides = array<i32>} : memref<96xi32, #tpu.memory_space<vmem>>, vector<16xi32>,
        %shift_right_logical3A_976 = arith.constant 16 : i32
        %shift_right_logical3A_977 = vector.broadcast %shift_right_logical3A_976 : i32 to vector<16xi32>
        %shift_right_logical3A_978 = arith.shrui %get3A_966, %shift_right_logical3A_977 : vector<16xi32>
        %swap3A_979 = arith.constant 0 : index
        %swap3A_980 = tpu.vector_load %arg15[%swap3A_979] {strides = array<i32>} : memref<96xi32, #tpu.memory_space<vmem>>, vector<16xi32>,
        %swap3A_981 = vector.shape_cast %swap3A_980 : vector<16xi32> to vector<16xi32>
        %swap3A_982 = vector.shape_cast %shift_right_logical3A_978 : vector<16xi32> to vector<16xi32>
        tpu.vector_store %arg15[%swap3A_979], %swap3A_982 {strides = array<i32>} : memref<96xi32, #tpu.memory_space<vmem>>, vector<16xi32>,
        %add3A_983 = arith.constant 16 : i32
        %add3A_984 = arith.addi %mul3A_961, %add3A_983 : i32
        %get3A_985 = arith.index_cast %add3A_984 : i32 to index
        %get3A_986 = tpu.vector_load %arg9[%get3A_985] {strides = array<i32>} : memref<10000xi32, #tpu.memory_space<vmem>>, vector<16xi32>,
        %get3A_987 = vector.shape_cast %get3A_986 : vector<16xi32> to vector<16xi32>
        %and3A_988 = arith.andi %get3A_987, %broadcast_in_dim3A_5 : vector<16xi32>
        %mul3A_989 = arith.constant 12 : i32
        %mul3A_990 = vector.broadcast %mul3A_989 : i32 to vector<16xi32>
        %mul3A_991 = arith.muli %and3A_988, %mul3A_990 : vector<16xi32>
        %add3A_992 = arith.addi %mul3A_991, %broadcast_in_dim3A_34 : vector<16xi32>
        %swap3A_993 = arith.constant 16 : index
        %swap3A_994 = tpu.vector_load %arg12[%swap3A_993] {strides = array<i32>} : memref<96xi32, #tpu.memory_space<vmem>>, vector<16xi32>,
        %swap3A_995 = vector.shape_cast %swap3A_994 : vector<16xi32> to vector<16xi32>
        %swap3A_996 = vector.shape_cast %add3A_992 : vector<16xi32> to vector<16xi32>
        tpu.vector_store %arg12[%swap3A_993], %swap3A_996 {strides = array<i32>} : memref<96xi32, #tpu.memory_space<vmem>>, vector<16xi32>,
        %shift_right_logical3A_997 = arith.constant 16 : i32
        %shift_right_logical3A_998 = vector.broadcast %shift_right_logical3A_997 : i32 to vector<16xi32>
        %shift_right_logical3A_999 = arith.shrui %get3A_987, %shift_right_logical3A_998 : vector<16xi32>
        %swap3A_1000 = arith.constant 16 : index
        %swap3A_1001 = tpu.vector_load %arg15[%swap3A_1000] {strides = array<i32>} : memref<96xi32, #tpu.memory_space<vmem>>, vector<16xi32>,
        %swap3A_1002 = vector.shape_cast %swap3A_1001 : vector<16xi32> to vector<16xi32>
        %swap3A_1003 = vector.shape_cast %shift_right_logical3A_999 : vector<16xi32> to vector<16xi32>
        tpu.vector_store %arg15[%swap3A_1000], %swap3A_1003 {strides = array<i32>} : memref<96xi32, #tpu.memory_space<vmem>>, vector<16xi32>,
        %add3A_1004 = arith.constant 32 : i32
        %add3A_1005 = arith.addi %mul3A_961, %add3A_1004 : i32
        %get3A_1006 = arith.index_cast %add3A_1005 : i32 to index
        %get3A_1007 = tpu.vector_load %arg9[%get3A_1006] {strides = array<i32>} : memref<10000xi32, #tpu.memory_space<vmem>>, vector<16xi32>,
        %get3A_1008 = vector.shape_cast %get3A_1007 : vector<16xi32> to vector<16xi32>
        %and3A_1009 = arith.andi %get3A_1008, %broadcast_in_dim3A_5 : vector<16xi32>
        %mul3A_1010 = arith.constant 12 : i32
        %mul3A_1011 = vector.broadcast %mul3A_1010 : i32 to vector<16xi32>
        %mul3A_1012 = arith.muli %and3A_1009, %mul3A_1011 : vector<16xi32>
        %add3A_1013 = arith.addi %mul3A_1012, %broadcast_in_dim3A_34 : vector<16xi32>
        %swap3A_1014 = arith.constant 32 : index
        %swap3A_1015 = tpu.vector_load %arg12[%swap3A_1014] {strides = array<i32>} : memref<96xi32, #tpu.memory_space<vmem>>, vector<16xi32>,
        %swap3A_1016 = vector.shape_cast %swap3A_1015 : vector<16xi32> to vector<16xi32>
        %swap3A_1017 = vector.shape_cast %add3A_1013 : vector<16xi32> to vector<16xi32>
        tpu.vector_store %arg12[%swap3A_1014], %swap3A_1017 {strides = array<i32>} : memref<96xi32, #tpu.memory_space<vmem>>, vector<16xi32>,
        %shift_right_logical3A_1018 = arith.constant 16 : i32
        %shift_right_logical3A_1019 = vector.broadcast %shift_right_logical3A_1018 : i32 to vector<16xi32>
        %shift_right_logical3A_1020 = arith.shrui %get3A_1008, %shift_right_logical3A_1019 : vector<16xi32>
        %swap3A_1021 = arith.constant 32 : index
        %swap3A_1022 = tpu.vector_load %arg15[%swap3A_1021] {strides = array<i32>} : memref<96xi32, #tpu.memory_space<vmem>>, vector<16xi32>,
        %swap3A_1023 = vector.shape_cast %swap3A_1022 : vector<16xi32> to vector<16xi32>
        %swap3A_1024 = vector.shape_cast %shift_right_logical3A_1020 : vector<16xi32> to vector<16xi32>
        tpu.vector_store %arg15[%swap3A_1021], %swap3A_1024 {strides = array<i32>} : memref<96xi32, #tpu.memory_space<vmem>>, vector<16xi32>,
        %add3A_1025 = arith.constant 48 : i32
        %add3A_1026 = arith.addi %mul3A_961, %add3A_1025 : i32
        %get3A_1027 = arith.index_cast %add3A_1026 : i32 to index
        %get3A_1028 = tpu.vector_load %arg9[%get3A_1027] {strides = array<i32>} : memref<10000xi32, #tpu.memory_space<vmem>>, vector<16xi32>,
        %get3A_1029 = vector.shape_cast %get3A_1028 : vector<16xi32> to vector<16xi32>
        %and3A_1030 = arith.andi %get3A_1029, %broadcast_in_dim3A_5 : vector<16xi32>
        %mul3A_1031 = arith.constant 12 : i32
        %mul3A_1032 = vector.broadcast %mul3A_1031 : i32 to vector<16xi32>
        %mul3A_1033 = arith.muli %and3A_1030, %mul3A_1032 : vector<16xi32>
        %add3A_1034 = arith.addi %mul3A_1033, %broadcast_in_dim3A_34 : vector<16xi32>
        %swap3A_1035 = arith.constant 48 : index
        %swap3A_1036 = tpu.vector_load %arg12[%swap3A_1035] {strides = array<i32>} : memref<96xi32, #tpu.memory_space<vmem>>, vector<16xi32>,
        %swap3A_1037 = vector.shape_cast %swap3A_1036 : vector<16xi32> to vector<16xi32>
        %swap3A_1038 = vector.shape_cast %add3A_1034 : vector<16xi32> to vector<16xi32>
        tpu.vector_store %arg12[%swap3A_1035], %swap3A_1038 {strides = array<i32>} : memref<96xi32, #tpu.memory_space<vmem>>, vector<16xi32>,
        %shift_right_logical3A_1039 = arith.constant 16 : i32
        %shift_right_logical3A_1040 = vector.broadcast %shift_right_logical3A_1039 : i32 to vector<16xi32>
        %shift_right_logical3A_1041 = arith.shrui %get3A_1029, %shift_right_logical3A_1040 : vector<16xi32>
        %swap3A_1042 = arith.constant 48 : index
        %swap3A_1043 = tpu.vector_load %arg15[%swap3A_1042] {strides = array<i32>} : memref<96xi32, #tpu.memory_space<vmem>>, vector<16xi32>,
        %swap3A_1044 = vector.shape_cast %swap3A_1043 : vector<16xi32> to vector<16xi32>
        %swap3A_1045 = vector.shape_cast %shift_right_logical3A_1041 : vector<16xi32> to vector<16xi32>
        tpu.vector_store %arg15[%swap3A_1042], %swap3A_1045 {strides = array<i32>} : memref<96xi32, #tpu.memory_space<vmem>>, vector<16xi32>,
        %add3A_1046 = arith.constant 64 : i32
        %add3A_1047 = arith.addi %mul3A_961, %add3A_1046 : i32
        %get3A_1048 = arith.index_cast %add3A_1047 : i32 to index
        %get3A_1049 = tpu.vector_load %arg9[%get3A_1048] {strides = array<i32>} : memref<10000xi32, #tpu.memory_space<vmem>>, vector<16xi32>,
        %get3A_1050 = vector.shape_cast %get3A_1049 : vector<16xi32> to vector<16xi32>
        %and3A_1051 = arith.andi %get3A_1050, %broadcast_in_dim3A_5 : vector<16xi32>
        %mul3A_1052 = arith.constant 12 : i32
        %mul3A_1053 = vector.broadcast %mul3A_1052 : i32 to vector<16xi32>
        %mul3A_1054 = arith.muli %and3A_1051, %mul3A_1053 : vector<16xi32>
        %add3A_1055 = arith.addi %mul3A_1054, %broadcast_in_dim3A_34 : vector<16xi32>
        %swap3A_1056 = arith.constant 64 : index
        %swap3A_1057 = tpu.vector_load %arg12[%swap3A_1056] {strides = array<i32>} : memref<96xi32, #tpu.memory_space<vmem>>, vector<16xi32>,
        %swap3A_1058 = vector.shape_cast %swap3A_1057 : vector<16xi32> to vector<16xi32>
        %swap3A_1059 = vector.shape_cast %add3A_1055 : vector<16xi32> to vector<16xi32>
        tpu.vector_store %arg12[%swap3A_1056], %swap3A_1059 {strides = array<i32>} : memref<96xi32, #tpu.memory_space<vmem>>, vector<16xi32>,
        %shift_right_logical3A_1060 = arith.constant 16 : i32
        %shift_right_logical3A_1061 = vector.broadcast %shift_right_logical3A_1060 : i32 to vector<16xi32>
        %shift_right_logical3A_1062 = arith.shrui %get3A_1050, %shift_right_logical3A_1061 : vector<16xi32>
        %swap3A_1063 = arith.constant 64 : index
        %swap3A_1064 = tpu.vector_load %arg15[%swap3A_1063] {strides = array<i32>} : memref<96xi32, #tpu.memory_space<vmem>>, vector<16xi32>,
        %swap3A_1065 = vector.shape_cast %swap3A_1064 : vector<16xi32> to vector<16xi32>
        %swap3A_1066 = vector.shape_cast %shift_right_logical3A_1062 : vector<16xi32> to vector<16xi32>
        tpu.vector_store %arg15[%swap3A_1063], %swap3A_1066 {strides = array<i32>} : memref<96xi32, #tpu.memory_space<vmem>>, vector<16xi32>,
        %add3A_1067 = arith.constant 80 : i32
        %add3A_1068 = arith.addi %mul3A_961, %add3A_1067 : i32
        %get3A_1069 = arith.index_cast %add3A_1068 : i32 to index
        %get3A_1070 = tpu.vector_load %arg9[%get3A_1069] {strides = array<i32>} : memref<10000xi32, #tpu.memory_space<vmem>>, vector<16xi32>,
        %get3A_1071 = vector.shape_cast %get3A_1070 : vector<16xi32> to vector<16xi32>
        %and3A_1072 = arith.andi %get3A_1071, %broadcast_in_dim3A_5 : vector<16xi32>
        %mul3A_1073 = arith.constant 12 : i32
        %mul3A_1074 = vector.broadcast %mul3A_1073 : i32 to vector<16xi32>
        %mul3A_1075 = arith.muli %and3A_1072, %mul3A_1074 : vector<16xi32>
        %add3A_1076 = arith.addi %mul3A_1075, %broadcast_in_dim3A_34 : vector<16xi32>
        %swap3A_1077 = arith.constant 80 : index
        %swap3A_1078 = tpu.vector_load %arg12[%swap3A_1077] {strides = array<i32>} : memref<96xi32, #tpu.memory_space<vmem>>, vector<16xi32>,
        %swap3A_1079 = vector.shape_cast %swap3A_1078 : vector<16xi32> to vector<16xi32>
        %swap3A_1080 = vector.shape_cast %add3A_1076 : vector<16xi32> to vector<16xi32>
        tpu.vector_store %arg12[%swap3A_1077], %swap3A_1080 {strides = array<i32>} : memref<96xi32, #tpu.memory_space<vmem>>, vector<16xi32>,
        %shift_right_logical3A_1081 = arith.constant 16 : i32
        %shift_right_logical3A_1082 = vector.broadcast %shift_right_logical3A_1081 : i32 to vector<16xi32>
        %shift_right_logical3A_1083 = arith.shrui %get3A_1071, %shift_right_logical3A_1082 : vector<16xi32>
        %swap3A_1084 = arith.constant 80 : index
        %swap3A_1085 = tpu.vector_load %arg15[%swap3A_1084] {strides = array<i32>} : memref<96xi32, #tpu.memory_space<vmem>>, vector<16xi32>,
        %swap3A_1086 = vector.shape_cast %swap3A_1085 : vector<16xi32> to vector<16xi32>
        %swap3A_1087 = vector.shape_cast %shift_right_logical3A_1083 : vector<16xi32> to vector<16xi32>
        tpu.vector_store %arg15[%swap3A_1084], %swap3A_1087 {strides = array<i32>} : memref<96xi32, #tpu.memory_space<vmem>>, vector<16xi32>,
        %dma_start3A_1088 = arith.constant 0 : i32
        %dma_start3A_1089 = arith.constant 0 : i32
        %dma_start3A_1090 = tpu.memref_slice %arg2[%dma_start3A_1088, %dma_start3A_1089] : memref<120000x128xf32, #tpu.memory_space<hbm>> -> memref<120000x128xf32, #tpu.memory_space<hbm>>
        tpu.enqueue_indirect_dma source(%dma_start3A_1090 : memref<120000x128xf32, #tpu.memory_space<hbm>>) target(%arg20 : memref<96x128xf32, #tpu.memory_space<vmem>>) offsets(%arg12 : memref<96xi32, #tpu.memory_space<vmem>>) semaphore(%arg24 : memref<!tpu.dma_semaphore, #tpu.memory_space<semaphore_mem>>)
      }
      %scan3A_396 = arith.constant 33 : i32
      %dma_wait3A_397 = arith.constant 0 : i32
      %dma_wait3A_398 = arith.constant 0 : i32
      %dma_wait3A_399 = tpu.memref_slice %arg2[%dma_wait3A_397, %dma_wait3A_398] : memref<120000x128xf32, #tpu.memory_space<hbm>> -> memref<120000x128xf32, #tpu.memory_space<hbm>>
      tpu.wait_indirect_dma semaphore(%arg22 : memref<!tpu.dma_semaphore, #tpu.memory_space<semaphore_mem>>) src(%dma_wait3A_399 : memref<120000x128xf32, #tpu.memory_space<hbm>>) dst(%arg18 : memref<96x128xf32, #tpu.memory_space<vmem>>)
      "tpu.region"() ({
        %run_scoped3A = tpu.sem_alloc : memref<!tpu.dma_semaphore, #tpu.memory_space<semaphore_mem>>
        %dma_start3A_674 = arith.constant 0 : i32
        %dma_start3A_675 = arith.constant 0 : i32
        %dma_start3A_676 = tpu.memref_slice %arg8[%dma_start3A_674, %dma_start3A_675] : memref<10112x128xf32, #tpu.memory_space<vmem_shared>> -> memref<10112x128xf32, #tpu.memory_space<vmem_shared>>
        tpu.enqueue_indirect_dma source(%arg18 : memref<96x128xf32, #tpu.memory_space<vmem>>) target(%dma_start3A_676 : memref<10112x128xf32, #tpu.memory_space<vmem_shared>>) offsets(%arg13 : memref<96xi32, #tpu.memory_space<vmem>>) semaphore(%run_scoped3A : memref<!tpu.dma_semaphore, #tpu.memory_space<semaphore_mem>>) {add = true}
        %dma_wait3A_677 = arith.constant 0 : i32
        %dma_wait3A_678 = arith.constant 0 : i32
        %dma_wait3A_679 = tpu.memref_slice %arg8[%dma_wait3A_677, %dma_wait3A_678] : memref<10112x128xf32, #tpu.memory_space<vmem_shared>> -> memref<10112x128xf32, #tpu.memory_space<vmem_shared>>
        tpu.wait_indirect_dma semaphore(%run_scoped3A : memref<!tpu.dma_semaphore, #tpu.memory_space<semaphore_mem>>) src(%arg18 : memref<96x128xf32, #tpu.memory_space<vmem>>) dst(%dma_wait3A_679 : memref<10112x128xf32, #tpu.memory_space<vmem_shared>>)
        tpu.yield
      }) : () -> ()
      %get3A_400 = arith.constant 9792 : index
      %get3A_401 = tpu.vector_load %arg9[%get3A_400] {strides = array<i32>} : memref<10000xi32, #tpu.memory_space<vmem>>, vector<16xi32>,
      %get3A_402 = vector.shape_cast %get3A_401 : vector<16xi32> to vector<16xi32>
      %and3A_403 = arith.andi %get3A_402, %broadcast_in_dim3A_5 : vector<16xi32>
      %mul3A_404 = arith.constant 12 : i32
      %mul3A_405 = vector.broadcast %mul3A_404 : i32 to vector<16xi32>
      %mul3A_406 = arith.muli %and3A_403, %mul3A_405 : vector<16xi32>
      %add3A_407 = arith.addi %mul3A_406, %broadcast_in_dim3A_34 : vector<16xi32>
      %swap3A_408 = arith.constant 0 : index
      %swap3A_409 = tpu.vector_load %arg10[%swap3A_408] {strides = array<i32>} : memref<96xi32, #tpu.memory_space<vmem>>, vector<16xi32>,
      %swap3A_410 = vector.shape_cast %swap3A_409 : vector<16xi32> to vector<16xi32>
      %swap3A_411 = vector.shape_cast %add3A_407 : vector<16xi32> to vector<16xi32>
      tpu.vector_store %arg10[%swap3A_408], %swap3A_411 {strides = array<i32>} : memref<96xi32, #tpu.memory_space<vmem>>, vector<16xi32>,
      %shift_right_logical3A_412 = arith.constant 16 : i32
      %shift_right_logical3A_413 = vector.broadcast %shift_right_logical3A_412 : i32 to vector<16xi32>
      %shift_right_logical3A_414 = arith.shrui %get3A_402, %shift_right_logical3A_413 : vector<16xi32>
      %swap3A_415 = arith.constant 0 : index
      %swap3A_416 = tpu.vector_load %arg13[%swap3A_415] {strides = array<i32>} : memref<96xi32, #tpu.memory_space<vmem>>, vector<16xi32>,
      %swap3A_417 = vector.shape_cast %swap3A_416 : vector<16xi32> to vector<16xi32>
      %swap3A_418 = vector.shape_cast %shift_right_logical3A_414 : vector<16xi32> to vector<16xi32>
      tpu.vector_store %arg13[%swap3A_415], %swap3A_418 {strides = array<i32>} : memref<96xi32, #tpu.memory_space<vmem>>, vector<16xi32>,
      %get3A_419 = arith.constant 9808 : index
      %get3A_420 = tpu.vector_load %arg9[%get3A_419] {strides = array<i32>} : memref<10000xi32, #tpu.memory_space<vmem>>, vector<16xi32>,
      %get3A_421 = vector.shape_cast %get3A_420 : vector<16xi32> to vector<16xi32>
      %and3A_422 = arith.andi %get3A_421, %broadcast_in_dim3A_5 : vector<16xi32>
      %mul3A_423 = arith.constant 12 : i32
      %mul3A_424 = vector.broadcast %mul3A_423 : i32 to vector<16xi32>
      %mul3A_425 = arith.muli %and3A_422, %mul3A_424 : vector<16xi32>
      %add3A_426 = arith.addi %mul3A_425, %broadcast_in_dim3A_34 : vector<16xi32>
      %swap3A_427 = arith.constant 16 : index
      %swap3A_428 = tpu.vector_load %arg10[%swap3A_427] {strides = array<i32>} : memref<96xi32, #tpu.memory_space<vmem>>, vector<16xi32>,
      %swap3A_429 = vector.shape_cast %swap3A_428 : vector<16xi32> to vector<16xi32>
      %swap3A_430 = vector.shape_cast %add3A_426 : vector<16xi32> to vector<16xi32>
      tpu.vector_store %arg10[%swap3A_427], %swap3A_430 {strides = array<i32>} : memref<96xi32, #tpu.memory_space<vmem>>, vector<16xi32>,
      %shift_right_logical3A_431 = arith.constant 16 : i32
      %shift_right_logical3A_432 = vector.broadcast %shift_right_logical3A_431 : i32 to vector<16xi32>
      %shift_right_logical3A_433 = arith.shrui %get3A_421, %shift_right_logical3A_432 : vector<16xi32>
      %swap3A_434 = arith.constant 16 : index
      %swap3A_435 = tpu.vector_load %arg13[%swap3A_434] {strides = array<i32>} : memref<96xi32, #tpu.memory_space<vmem>>, vector<16xi32>,
      %swap3A_436 = vector.shape_cast %swap3A_435 : vector<16xi32> to vector<16xi32>
      %swap3A_437 = vector.shape_cast %shift_right_logical3A_433 : vector<16xi32> to vector<16xi32>
      tpu.vector_store %arg13[%swap3A_434], %swap3A_437 {strides = array<i32>} : memref<96xi32, #tpu.memory_space<vmem>>, vector<16xi32>,
      %get3A_438 = arith.constant 9824 : index
      %get3A_439 = tpu.vector_load %arg9[%get3A_438] {strides = array<i32>} : memref<10000xi32, #tpu.memory_space<vmem>>, vector<16xi32>,
      %get3A_440 = vector.shape_cast %get3A_439 : vector<16xi32> to vector<16xi32>
      %and3A_441 = arith.andi %get3A_440, %broadcast_in_dim3A_5 : vector<16xi32>
      %mul3A_442 = arith.constant 12 : i32
      %mul3A_443 = vector.broadcast %mul3A_442 : i32 to vector<16xi32>
      %mul3A_444 = arith.muli %and3A_441, %mul3A_443 : vector<16xi32>
      %add3A_445 = arith.addi %mul3A_444, %broadcast_in_dim3A_34 : vector<16xi32>
      %swap3A_446 = arith.constant 32 : index
      %swap3A_447 = tpu.vector_load %arg10[%swap3A_446] {strides = array<i32>} : memref<96xi32, #tpu.memory_space<vmem>>, vector<16xi32>,
      %swap3A_448 = vector.shape_cast %swap3A_447 : vector<16xi32> to vector<16xi32>
      %swap3A_449 = vector.shape_cast %add3A_445 : vector<16xi32> to vector<16xi32>
      tpu.vector_store %arg10[%swap3A_446], %swap3A_449 {strides = array<i32>} : memref<96xi32, #tpu.memory_space<vmem>>, vector<16xi32>,
      %shift_right_logical3A_450 = arith.constant 16 : i32
      %shift_right_logical3A_451 = vector.broadcast %shift_right_logical3A_450 : i32 to vector<16xi32>
      %shift_right_logical3A_452 = arith.shrui %get3A_440, %shift_right_logical3A_451 : vector<16xi32>
      %swap3A_453 = arith.constant 32 : index
      %swap3A_454 = tpu.vector_load %arg13[%swap3A_453] {strides = array<i32>} : memref<96xi32, #tpu.memory_space<vmem>>, vector<16xi32>,
      %swap3A_455 = vector.shape_cast %swap3A_454 : vector<16xi32> to vector<16xi32>
      %swap3A_456 = vector.shape_cast %shift_right_logical3A_452 : vector<16xi32> to vector<16xi32>
      tpu.vector_store %arg13[%swap3A_453], %swap3A_456 {strides = array<i32>} : memref<96xi32, #tpu.memory_space<vmem>>, vector<16xi32>,
      %get3A_457 = arith.constant 9840 : index
      %get3A_458 = tpu.vector_load %arg9[%get3A_457] {strides = array<i32>} : memref<10000xi32, #tpu.memory_space<vmem>>, vector<16xi32>,
      %get3A_459 = vector.shape_cast %get3A_458 : vector<16xi32> to vector<16xi32>
      %and3A_460 = arith.andi %get3A_459, %broadcast_in_dim3A_5 : vector<16xi32>
      %mul3A_461 = arith.constant 12 : i32
      %mul3A_462 = vector.broadcast %mul3A_461 : i32 to vector<16xi32>
      %mul3A_463 = arith.muli %and3A_460, %mul3A_462 : vector<16xi32>
      %add3A_464 = arith.addi %mul3A_463, %broadcast_in_dim3A_34 : vector<16xi32>
      %swap3A_465 = arith.constant 48 : index
      %swap3A_466 = tpu.vector_load %arg10[%swap3A_465] {strides = array<i32>} : memref<96xi32, #tpu.memory_space<vmem>>, vector<16xi32>,
      %swap3A_467 = vector.shape_cast %swap3A_466 : vector<16xi32> to vector<16xi32>
      %swap3A_468 = vector.shape_cast %add3A_464 : vector<16xi32> to vector<16xi32>
      tpu.vector_store %arg10[%swap3A_465], %swap3A_468 {strides = array<i32>} : memref<96xi32, #tpu.memory_space<vmem>>, vector<16xi32>,
      %shift_right_logical3A_469 = arith.constant 16 : i32
      %shift_right_logical3A_470 = vector.broadcast %shift_right_logical3A_469 : i32 to vector<16xi32>
      %shift_right_logical3A_471 = arith.shrui %get3A_459, %shift_right_logical3A_470 : vector<16xi32>
      %swap3A_472 = arith.constant 48 : index
      %swap3A_473 = tpu.vector_load %arg13[%swap3A_472] {strides = array<i32>} : memref<96xi32, #tpu.memory_space<vmem>>, vector<16xi32>,
      %swap3A_474 = vector.shape_cast %swap3A_473 : vector<16xi32> to vector<16xi32>
      %swap3A_475 = vector.shape_cast %shift_right_logical3A_471 : vector<16xi32> to vector<16xi32>
      tpu.vector_store %arg13[%swap3A_472], %swap3A_475 {strides = array<i32>} : memref<96xi32, #tpu.memory_space<vmem>>, vector<16xi32>,
      %get3A_476 = arith.constant 9856 : index
      %get3A_477 = tpu.vector_load %arg9[%get3A_476] {strides = array<i32>} : memref<10000xi32, #tpu.memory_space<vmem>>, vector<16xi32>,
      %get3A_478 = vector.shape_cast %get3A_477 : vector<16xi32> to vector<16xi32>
      %and3A_479 = arith.andi %get3A_478, %broadcast_in_dim3A_5 : vector<16xi32>
      %mul3A_480 = arith.constant 12 : i32
      %mul3A_481 = vector.broadcast %mul3A_480 : i32 to vector<16xi32>
      %mul3A_482 = arith.muli %and3A_479, %mul3A_481 : vector<16xi32>
      %add3A_483 = arith.addi %mul3A_482, %broadcast_in_dim3A_34 : vector<16xi32>
      %swap3A_484 = arith.constant 64 : index
      %swap3A_485 = tpu.vector_load %arg10[%swap3A_484] {strides = array<i32>} : memref<96xi32, #tpu.memory_space<vmem>>, vector<16xi32>,
      %swap3A_486 = vector.shape_cast %swap3A_485 : vector<16xi32> to vector<16xi32>
      %swap3A_487 = vector.shape_cast %add3A_483 : vector<16xi32> to vector<16xi32>
      tpu.vector_store %arg10[%swap3A_484], %swap3A_487 {strides = array<i32>} : memref<96xi32, #tpu.memory_space<vmem>>, vector<16xi32>,
      %shift_right_logical3A_488 = arith.constant 16 : i32
      %shift_right_logical3A_489 = vector.broadcast %shift_right_logical3A_488 : i32 to vector<16xi32>
      %shift_right_logical3A_490 = arith.shrui %get3A_478, %shift_right_logical3A_489 : vector<16xi32>
      %swap3A_491 = arith.constant 64 : index
      %swap3A_492 = tpu.vector_load %arg13[%swap3A_491] {strides = array<i32>} : memref<96xi32, #tpu.memory_space<vmem>>, vector<16xi32>,
      %swap3A_493 = vector.shape_cast %swap3A_492 : vector<16xi32> to vector<16xi32>
      %swap3A_494 = vector.shape_cast %shift_right_logical3A_490 : vector<16xi32> to vector<16xi32>
      tpu.vector_store %arg13[%swap3A_491], %swap3A_494 {strides = array<i32>} : memref<96xi32, #tpu.memory_space<vmem>>, vector<16xi32>,
      %get3A_495 = arith.constant 9872 : index
      %get3A_496 = tpu.vector_load %arg9[%get3A_495] {strides = array<i32>} : memref<10000xi32, #tpu.memory_space<vmem>>, vector<16xi32>,
      %get3A_497 = vector.shape_cast %get3A_496 : vector<16xi32> to vector<16xi32>
      %and3A_498 = arith.andi %get3A_497, %broadcast_in_dim3A_5 : vector<16xi32>
      %mul3A_499 = arith.constant 12 : i32
      %mul3A_500 = vector.broadcast %mul3A_499 : i32 to vector<16xi32>
      %mul3A_501 = arith.muli %and3A_498, %mul3A_500 : vector<16xi32>
      %add3A_502 = arith.addi %mul3A_501, %broadcast_in_dim3A_34 : vector<16xi32>
      %swap3A_503 = arith.constant 80 : index
      %swap3A_504 = tpu.vector_load %arg10[%swap3A_503] {strides = array<i32>} : memref<96xi32, #tpu.memory_space<vmem>>, vector<16xi32>,
      %swap3A_505 = vector.shape_cast %swap3A_504 : vector<16xi32> to vector<16xi32>
      %swap3A_506 = vector.shape_cast %add3A_502 : vector<16xi32> to vector<16xi32>
      tpu.vector_store %arg10[%swap3A_503], %swap3A_506 {strides = array<i32>} : memref<96xi32, #tpu.memory_space<vmem>>, vector<16xi32>,
      %shift_right_logical3A_507 = arith.constant 16 : i32
      %shift_right_logical3A_508 = vector.broadcast %shift_right_logical3A_507 : i32 to vector<16xi32>
      %shift_right_logical3A_509 = arith.shrui %get3A_497, %shift_right_logical3A_508 : vector<16xi32>
      %swap3A_510 = arith.constant 80 : index
      %swap3A_511 = tpu.vector_load %arg13[%swap3A_510] {strides = array<i32>} : memref<96xi32, #tpu.memory_space<vmem>>, vector<16xi32>,
      %swap3A_512 = vector.shape_cast %swap3A_511 : vector<16xi32> to vector<16xi32>
      %swap3A_513 = vector.shape_cast %shift_right_logical3A_509 : vector<16xi32> to vector<16xi32>
      tpu.vector_store %arg13[%swap3A_510], %swap3A_513 {strides = array<i32>} : memref<96xi32, #tpu.memory_space<vmem>>, vector<16xi32>,
      %dma_start3A_514 = arith.constant 0 : i32
      %dma_start3A_515 = arith.constant 0 : i32
      %dma_start3A_516 = tpu.memref_slice %arg2[%dma_start3A_514, %dma_start3A_515] : memref<120000x128xf32, #tpu.memory_space<hbm>> -> memref<120000x128xf32, #tpu.memory_space<hbm>>
      tpu.enqueue_indirect_dma source(%dma_start3A_516 : memref<120000x128xf32, #tpu.memory_space<hbm>>) target(%arg18 : memref<96x128xf32, #tpu.memory_space<vmem>>) offsets(%arg10 : memref<96xi32, #tpu.memory_space<vmem>>) semaphore(%arg22 : memref<!tpu.dma_semaphore, #tpu.memory_space<semaphore_mem>>)
      %dma_wait3A_517 = arith.constant 0 : i32
      %dma_wait3A_518 = arith.constant 0 : i32
      %dma_wait3A_519 = tpu.memref_slice %arg2[%dma_wait3A_517, %dma_wait3A_518] : memref<120000x128xf32, #tpu.memory_space<hbm>> -> memref<120000x128xf32, #tpu.memory_space<hbm>>
      tpu.wait_indirect_dma semaphore(%arg23 : memref<!tpu.dma_semaphore, #tpu.memory_space<semaphore_mem>>) src(%dma_wait3A_519 : memref<120000x128xf32, #tpu.memory_space<hbm>>) dst(%arg19 : memref<96x128xf32, #tpu.memory_space<vmem>>)
      "tpu.region"() ({
        %run_scoped3A = tpu.sem_alloc : memref<!tpu.dma_semaphore, #tpu.memory_space<semaphore_mem>>
        %dma_start3A_674 = arith.constant 0 : i32
        %dma_start3A_675 = arith.constant 0 : i32
        %dma_start3A_676 = tpu.memref_slice %arg8[%dma_start3A_674, %dma_start3A_675] : memref<10112x128xf32, #tpu.memory_space<vmem_shared>> -> memref<10112x128xf32, #tpu.memory_space<vmem_shared>>
        tpu.enqueue_indirect_dma source(%arg19 : memref<96x128xf32, #tpu.memory_space<vmem>>) target(%dma_start3A_676 : memref<10112x128xf32, #tpu.memory_space<vmem_shared>>) offsets(%arg14 : memref<96xi32, #tpu.memory_space<vmem>>) semaphore(%run_scoped3A : memref<!tpu.dma_semaphore, #tpu.memory_space<semaphore_mem>>) {add = true}
        %dma_wait3A_677 = arith.constant 0 : i32
        %dma_wait3A_678 = arith.constant 0 : i32
        %dma_wait3A_679 = tpu.memref_slice %arg8[%dma_wait3A_677, %dma_wait3A_678] : memref<10112x128xf32, #tpu.memory_space<vmem_shared>> -> memref<10112x128xf32, #tpu.memory_space<vmem_shared>>
        tpu.wait_indirect_dma semaphore(%run_scoped3A : memref<!tpu.dma_semaphore, #tpu.memory_space<semaphore_mem>>) src(%arg19 : memref<96x128xf32, #tpu.memory_space<vmem>>) dst(%dma_wait3A_679 : memref<10112x128xf32, #tpu.memory_space<vmem_shared>>)
        tpu.yield
      }) : () -> ()
      %get3A_520 = arith.constant 9888 : index
      %get3A_521 = tpu.vector_load %arg9[%get3A_520] {strides = array<i32>} : memref<10000xi32, #tpu.memory_space<vmem>>, vector<16xi32>,
      %get3A_522 = vector.shape_cast %get3A_521 : vector<16xi32> to vector<16xi32>
      %and3A_523 = arith.andi %get3A_522, %broadcast_in_dim3A_5 : vector<16xi32>
      %mul3A_524 = arith.constant 12 : i32
      %mul3A_525 = vector.broadcast %mul3A_524 : i32 to vector<16xi32>
      %mul3A_526 = arith.muli %and3A_523, %mul3A_525 : vector<16xi32>
      %add3A_527 = arith.addi %mul3A_526, %broadcast_in_dim3A_34 : vector<16xi32>
      %swap3A_528 = arith.constant 0 : index
      %swap3A_529 = tpu.vector_load %arg11[%swap3A_528] {strides = array<i32>} : memref<96xi32, #tpu.memory_space<vmem>>, vector<16xi32>,
      %swap3A_530 = vector.shape_cast %swap3A_529 : vector<16xi32> to vector<16xi32>
      %swap3A_531 = vector.shape_cast %add3A_527 : vector<16xi32> to vector<16xi32>
      tpu.vector_store %arg11[%swap3A_528], %swap3A_531 {strides = array<i32>} : memref<96xi32, #tpu.memory_space<vmem>>, vector<16xi32>,
      %shift_right_logical3A_532 = arith.constant 16 : i32
      %shift_right_logical3A_533 = vector.broadcast %shift_right_logical3A_532 : i32 to vector<16xi32>
      %shift_right_logical3A_534 = arith.shrui %get3A_522, %shift_right_logical3A_533 : vector<16xi32>
      %swap3A_535 = arith.constant 0 : index
      %swap3A_536 = tpu.vector_load %arg14[%swap3A_535] {strides = array<i32>} : memref<96xi32, #tpu.memory_space<vmem>>, vector<16xi32>,
      %swap3A_537 = vector.shape_cast %swap3A_536 : vector<16xi32> to vector<16xi32>
      %swap3A_538 = vector.shape_cast %shift_right_logical3A_534 : vector<16xi32> to vector<16xi32>
      tpu.vector_store %arg14[%swap3A_535], %swap3A_538 {strides = array<i32>} : memref<96xi32, #tpu.memory_space<vmem>>, vector<16xi32>,
      %get3A_539 = arith.constant 9904 : index
      %get3A_540 = tpu.vector_load %arg9[%get3A_539] {strides = array<i32>} : memref<10000xi32, #tpu.memory_space<vmem>>, vector<16xi32>,
      %get3A_541 = vector.shape_cast %get3A_540 : vector<16xi32> to vector<16xi32>
      %and3A_542 = arith.andi %get3A_541, %broadcast_in_dim3A_5 : vector<16xi32>
      %mul3A_543 = arith.constant 12 : i32
      %mul3A_544 = vector.broadcast %mul3A_543 : i32 to vector<16xi32>
      %mul3A_545 = arith.muli %and3A_542, %mul3A_544 : vector<16xi32>
      %add3A_546 = arith.addi %mul3A_545, %broadcast_in_dim3A_34 : vector<16xi32>
      %swap3A_547 = arith.constant 16 : index
      %swap3A_548 = tpu.vector_load %arg11[%swap3A_547] {strides = array<i32>} : memref<96xi32, #tpu.memory_space<vmem>>, vector<16xi32>,
      %swap3A_549 = vector.shape_cast %swap3A_548 : vector<16xi32> to vector<16xi32>
      %swap3A_550 = vector.shape_cast %add3A_546 : vector<16xi32> to vector<16xi32>
      tpu.vector_store %arg11[%swap3A_547], %swap3A_550 {strides = array<i32>} : memref<96xi32, #tpu.memory_space<vmem>>, vector<16xi32>,
      %shift_right_logical3A_551 = arith.constant 16 : i32
      %shift_right_logical3A_552 = vector.broadcast %shift_right_logical3A_551 : i32 to vector<16xi32>
      %shift_right_logical3A_553 = arith.shrui %get3A_541, %shift_right_logical3A_552 : vector<16xi32>
      %swap3A_554 = arith.constant 16 : index
      %swap3A_555 = tpu.vector_load %arg14[%swap3A_554] {strides = array<i32>} : memref<96xi32, #tpu.memory_space<vmem>>, vector<16xi32>,
      %swap3A_556 = vector.shape_cast %swap3A_555 : vector<16xi32> to vector<16xi32>
      %swap3A_557 = vector.shape_cast %shift_right_logical3A_553 : vector<16xi32> to vector<16xi32>
      tpu.vector_store %arg14[%swap3A_554], %swap3A_557 {strides = array<i32>} : memref<96xi32, #tpu.memory_space<vmem>>, vector<16xi32>,
      %get3A_558 = arith.constant 9920 : index
      %get3A_559 = tpu.vector_load %arg9[%get3A_558] {strides = array<i32>} : memref<10000xi32, #tpu.memory_space<vmem>>, vector<16xi32>,
      %get3A_560 = vector.shape_cast %get3A_559 : vector<16xi32> to vector<16xi32>
      %and3A_561 = arith.andi %get3A_560, %broadcast_in_dim3A_5 : vector<16xi32>
      %mul3A_562 = arith.constant 12 : i32
      %mul3A_563 = vector.broadcast %mul3A_562 : i32 to vector<16xi32>
      %mul3A_564 = arith.muli %and3A_561, %mul3A_563 : vector<16xi32>
      %add3A_565 = arith.addi %mul3A_564, %broadcast_in_dim3A_34 : vector<16xi32>
      %swap3A_566 = arith.constant 32 : index
      %swap3A_567 = tpu.vector_load %arg11[%swap3A_566] {strides = array<i32>} : memref<96xi32, #tpu.memory_space<vmem>>, vector<16xi32>,
      %swap3A_568 = vector.shape_cast %swap3A_567 : vector<16xi32> to vector<16xi32>
      %swap3A_569 = vector.shape_cast %add3A_565 : vector<16xi32> to vector<16xi32>
      tpu.vector_store %arg11[%swap3A_566], %swap3A_569 {strides = array<i32>} : memref<96xi32, #tpu.memory_space<vmem>>, vector<16xi32>,
      %shift_right_logical3A_570 = arith.constant 16 : i32
      %shift_right_logical3A_571 = vector.broadcast %shift_right_logical3A_570 : i32 to vector<16xi32>
      %shift_right_logical3A_572 = arith.shrui %get3A_560, %shift_right_logical3A_571 : vector<16xi32>
      %swap3A_573 = arith.constant 32 : index
      %swap3A_574 = tpu.vector_load %arg14[%swap3A_573] {strides = array<i32>} : memref<96xi32, #tpu.memory_space<vmem>>, vector<16xi32>,
      %swap3A_575 = vector.shape_cast %swap3A_574 : vector<16xi32> to vector<16xi32>
      %swap3A_576 = vector.shape_cast %shift_right_logical3A_572 : vector<16xi32> to vector<16xi32>
      tpu.vector_store %arg14[%swap3A_573], %swap3A_576 {strides = array<i32>} : memref<96xi32, #tpu.memory_space<vmem>>, vector<16xi32>,
      %get3A_577 = arith.constant 9936 : index
      %get3A_578 = tpu.vector_load %arg9[%get3A_577] {strides = array<i32>} : memref<10000xi32, #tpu.memory_space<vmem>>, vector<16xi32>,
      %get3A_579 = vector.shape_cast %get3A_578 : vector<16xi32> to vector<16xi32>
      %and3A_580 = arith.andi %get3A_579, %broadcast_in_dim3A_5 : vector<16xi32>
      %mul3A_581 = arith.constant 12 : i32
      %mul3A_582 = vector.broadcast %mul3A_581 : i32 to vector<16xi32>
      %mul3A_583 = arith.muli %and3A_580, %mul3A_582 : vector<16xi32>
      %add3A_584 = arith.addi %mul3A_583, %broadcast_in_dim3A_34 : vector<16xi32>
      %swap3A_585 = arith.constant 48 : index
      %swap3A_586 = tpu.vector_load %arg11[%swap3A_585] {strides = array<i32>} : memref<96xi32, #tpu.memory_space<vmem>>, vector<16xi32>,
      %swap3A_587 = vector.shape_cast %swap3A_586 : vector<16xi32> to vector<16xi32>
      %swap3A_588 = vector.shape_cast %add3A_584 : vector<16xi32> to vector<16xi32>
      tpu.vector_store %arg11[%swap3A_585], %swap3A_588 {strides = array<i32>} : memref<96xi32, #tpu.memory_space<vmem>>, vector<16xi32>,
      %shift_right_logical3A_589 = arith.constant 16 : i32
      %shift_right_logical3A_590 = vector.broadcast %shift_right_logical3A_589 : i32 to vector<16xi32>
      %shift_right_logical3A_591 = arith.shrui %get3A_579, %shift_right_logical3A_590 : vector<16xi32>
      %swap3A_592 = arith.constant 48 : index
      %swap3A_593 = tpu.vector_load %arg14[%swap3A_592] {strides = array<i32>} : memref<96xi32, #tpu.memory_space<vmem>>, vector<16xi32>,
      %swap3A_594 = vector.shape_cast %swap3A_593 : vector<16xi32> to vector<16xi32>
      %swap3A_595 = vector.shape_cast %shift_right_logical3A_591 : vector<16xi32> to vector<16xi32>
      tpu.vector_store %arg14[%swap3A_592], %swap3A_595 {strides = array<i32>} : memref<96xi32, #tpu.memory_space<vmem>>, vector<16xi32>,
      %get3A_596 = arith.constant 9952 : index
      %get3A_597 = tpu.vector_load %arg9[%get3A_596] {strides = array<i32>} : memref<10000xi32, #tpu.memory_space<vmem>>, vector<16xi32>,
      %get3A_598 = vector.shape_cast %get3A_597 : vector<16xi32> to vector<16xi32>
      %and3A_599 = arith.andi %get3A_598, %broadcast_in_dim3A_5 : vector<16xi32>
      %mul3A_600 = arith.constant 12 : i32
      %mul3A_601 = vector.broadcast %mul3A_600 : i32 to vector<16xi32>
      %mul3A_602 = arith.muli %and3A_599, %mul3A_601 : vector<16xi32>
      %add3A_603 = arith.addi %mul3A_602, %broadcast_in_dim3A_34 : vector<16xi32>
      %swap3A_604 = arith.constant 64 : index
      %swap3A_605 = tpu.vector_load %arg11[%swap3A_604] {strides = array<i32>} : memref<96xi32, #tpu.memory_space<vmem>>, vector<16xi32>,
      %swap3A_606 = vector.shape_cast %swap3A_605 : vector<16xi32> to vector<16xi32>
      %swap3A_607 = vector.shape_cast %add3A_603 : vector<16xi32> to vector<16xi32>
      tpu.vector_store %arg11[%swap3A_604], %swap3A_607 {strides = array<i32>} : memref<96xi32, #tpu.memory_space<vmem>>, vector<16xi32>,
      %shift_right_logical3A_608 = arith.constant 16 : i32
      %shift_right_logical3A_609 = vector.broadcast %shift_right_logical3A_608 : i32 to vector<16xi32>
      %shift_right_logical3A_610 = arith.shrui %get3A_598, %shift_right_logical3A_609 : vector<16xi32>
      %swap3A_611 = arith.constant 64 : index
      %swap3A_612 = tpu.vector_load %arg14[%swap3A_611] {strides = array<i32>} : memref<96xi32, #tpu.memory_space<vmem>>, vector<16xi32>,
      %swap3A_613 = vector.shape_cast %swap3A_612 : vector<16xi32> to vector<16xi32>
      %swap3A_614 = vector.shape_cast %shift_right_logical3A_610 : vector<16xi32> to vector<16xi32>
      tpu.vector_store %arg14[%swap3A_611], %swap3A_614 {strides = array<i32>} : memref<96xi32, #tpu.memory_space<vmem>>, vector<16xi32>,
      %get3A_615 = arith.constant 9968 : index
      %get3A_616 = tpu.vector_load %arg9[%get3A_615] {strides = array<i32>} : memref<10000xi32, #tpu.memory_space<vmem>>, vector<16xi32>,
      %get3A_617 = vector.shape_cast %get3A_616 : vector<16xi32> to vector<16xi32>
      %and3A_618 = arith.andi %get3A_617, %broadcast_in_dim3A_5 : vector<16xi32>
      %mul3A_619 = arith.constant 12 : i32
      %mul3A_620 = vector.broadcast %mul3A_619 : i32 to vector<16xi32>
      %mul3A_621 = arith.muli %and3A_618, %mul3A_620 : vector<16xi32>
      %add3A_622 = arith.addi %mul3A_621, %broadcast_in_dim3A_34 : vector<16xi32>
      %swap3A_623 = arith.constant 80 : index
      %swap3A_624 = tpu.vector_load %arg11[%swap3A_623] {strides = array<i32>} : memref<96xi32, #tpu.memory_space<vmem>>, vector<16xi32>,
      %swap3A_625 = vector.shape_cast %swap3A_624 : vector<16xi32> to vector<16xi32>
      %swap3A_626 = vector.shape_cast %add3A_622 : vector<16xi32> to vector<16xi32>
      tpu.vector_store %arg11[%swap3A_623], %swap3A_626 {strides = array<i32>} : memref<96xi32, #tpu.memory_space<vmem>>, vector<16xi32>,
      %shift_right_logical3A_627 = arith.constant 16 : i32
      %shift_right_logical3A_628 = vector.broadcast %shift_right_logical3A_627 : i32 to vector<16xi32>
      %shift_right_logical3A_629 = arith.shrui %get3A_617, %shift_right_logical3A_628 : vector<16xi32>
      %swap3A_630 = arith.constant 80 : index
      %swap3A_631 = tpu.vector_load %arg14[%swap3A_630] {strides = array<i32>} : memref<96xi32, #tpu.memory_space<vmem>>, vector<16xi32>,
      %swap3A_632 = vector.shape_cast %swap3A_631 : vector<16xi32> to vector<16xi32>
      %swap3A_633 = vector.shape_cast %shift_right_logical3A_629 : vector<16xi32> to vector<16xi32>
      tpu.vector_store %arg14[%swap3A_630], %swap3A_633 {strides = array<i32>} : memref<96xi32, #tpu.memory_space<vmem>>, vector<16xi32>,
      %dma_start3A_634 = arith.constant 0 : i32
      %dma_start3A_635 = arith.constant 0 : i32
      %dma_start3A_636 = tpu.memref_slice %arg2[%dma_start3A_634, %dma_start3A_635] : memref<120000x128xf32, #tpu.memory_space<hbm>> -> memref<120000x128xf32, #tpu.memory_space<hbm>>
      tpu.enqueue_indirect_dma source(%dma_start3A_636 : memref<120000x128xf32, #tpu.memory_space<hbm>>) target(%arg19 : memref<96x128xf32, #tpu.memory_space<vmem>>) offsets(%arg11 : memref<96xi32, #tpu.memory_space<vmem>>) semaphore(%arg23 : memref<!tpu.dma_semaphore, #tpu.memory_space<semaphore_mem>>)
      %dma_wait3A_637 = arith.constant 0 : i32
      %dma_wait3A_638 = arith.constant 0 : i32
      %dma_wait3A_639 = tpu.memref_slice %arg2[%dma_wait3A_637, %dma_wait3A_638] : memref<120000x128xf32, #tpu.memory_space<hbm>> -> memref<120000x128xf32, #tpu.memory_space<hbm>>
      tpu.wait_indirect_dma semaphore(%arg24 : memref<!tpu.dma_semaphore, #tpu.memory_space<semaphore_mem>>) src(%dma_wait3A_639 : memref<120000x128xf32, #tpu.memory_space<hbm>>) dst(%arg20 : memref<96x128xf32, #tpu.memory_space<vmem>>)
      "tpu.region"() ({
        %run_scoped3A = tpu.sem_alloc : memref<!tpu.dma_semaphore, #tpu.memory_space<semaphore_mem>>
        %dma_start3A_674 = arith.constant 0 : i32
        %dma_start3A_675 = arith.constant 0 : i32
        %dma_start3A_676 = tpu.memref_slice %arg8[%dma_start3A_674, %dma_start3A_675] : memref<10112x128xf32, #tpu.memory_space<vmem_shared>> -> memref<10112x128xf32, #tpu.memory_space<vmem_shared>>
        tpu.enqueue_indirect_dma source(%arg20 : memref<96x128xf32, #tpu.memory_space<vmem>>) target(%dma_start3A_676 : memref<10112x128xf32, #tpu.memory_space<vmem_shared>>) offsets(%arg15 : memref<96xi32, #tpu.memory_space<vmem>>) semaphore(%run_scoped3A : memref<!tpu.dma_semaphore, #tpu.memory_space<semaphore_mem>>) {add = true}
        %dma_wait3A_677 = arith.constant 0 : i32
        %dma_wait3A_678 = arith.constant 0 : i32
        %dma_wait3A_679 = tpu.memref_slice %arg8[%dma_wait3A_677, %dma_wait3A_678] : memref<10112x128xf32, #tpu.memory_space<vmem_shared>> -> memref<10112x128xf32, #tpu.memory_space<vmem_shared>>
        tpu.wait_indirect_dma semaphore(%run_scoped3A : memref<!tpu.dma_semaphore, #tpu.memory_space<semaphore_mem>>) src(%arg20 : memref<96x128xf32, #tpu.memory_space<vmem>>) dst(%dma_wait3A_679 : memref<10112x128xf32, #tpu.memory_space<vmem_shared>>)
        tpu.yield
      }) : () -> ()
      %dma_wait3A_640 = arith.constant 0 : i32
      %dma_wait3A_641 = arith.constant 0 : i32
      %dma_wait3A_642 = tpu.memref_slice %arg2[%dma_wait3A_640, %dma_wait3A_641] : memref<120000x128xf32, #tpu.memory_space<hbm>> -> memref<120000x128xf32, #tpu.memory_space<hbm>>
      tpu.wait_indirect_dma semaphore(%arg22 : memref<!tpu.dma_semaphore, #tpu.memory_space<semaphore_mem>>) src(%dma_wait3A_642 : memref<120000x128xf32, #tpu.memory_space<hbm>>) dst(%arg18 : memref<96x128xf32, #tpu.memory_space<vmem>>)
      "tpu.region"() ({
        %run_scoped3A = tpu.sem_alloc : memref<!tpu.dma_semaphore, #tpu.memory_space<semaphore_mem>>
        %dma_start3A_674 = arith.constant 0 : i32
        %dma_start3A_675 = arith.constant 0 : i32
        %dma_start3A_676 = tpu.memref_slice %arg8[%dma_start3A_674, %dma_start3A_675] : memref<10112x128xf32, #tpu.memory_space<vmem_shared>> -> memref<10112x128xf32, #tpu.memory_space<vmem_shared>>
        tpu.enqueue_indirect_dma source(%arg18 : memref<96x128xf32, #tpu.memory_space<vmem>>) target(%dma_start3A_676 : memref<10112x128xf32, #tpu.memory_space<vmem_shared>>) offsets(%arg13 : memref<96xi32, #tpu.memory_space<vmem>>) semaphore(%run_scoped3A : memref<!tpu.dma_semaphore, #tpu.memory_space<semaphore_mem>>) {add = true}
        %dma_wait3A_677 = arith.constant 0 : i32
        %dma_wait3A_678 = arith.constant 0 : i32
        %dma_wait3A_679 = tpu.memref_slice %arg8[%dma_wait3A_677, %dma_wait3A_678] : memref<10112x128xf32, #tpu.memory_space<vmem_shared>> -> memref<10112x128xf32, #tpu.memory_space<vmem_shared>>
        tpu.wait_indirect_dma semaphore(%run_scoped3A : memref<!tpu.dma_semaphore, #tpu.memory_space<semaphore_mem>>) src(%arg18 : memref<96x128xf32, #tpu.memory_space<vmem>>) dst(%dma_wait3A_679 : memref<10112x128xf32, #tpu.memory_space<vmem_shared>>)
        tpu.yield
      }) : () -> ()
      %dma_wait3A_643 = arith.constant 0 : i32
      %dma_wait3A_644 = arith.constant 0 : i32
      %dma_wait3A_645 = tpu.memref_slice %arg2[%dma_wait3A_643, %dma_wait3A_644] : memref<120000x128xf32, #tpu.memory_space<hbm>> -> memref<120000x128xf32, #tpu.memory_space<hbm>>
      tpu.wait_indirect_dma semaphore(%arg23 : memref<!tpu.dma_semaphore, #tpu.memory_space<semaphore_mem>>) src(%dma_wait3A_645 : memref<120000x128xf32, #tpu.memory_space<hbm>>) dst(%arg19 : memref<96x128xf32, #tpu.memory_space<vmem>>)
      "tpu.region"() ({
        %run_scoped3A = tpu.sem_alloc : memref<!tpu.dma_semaphore, #tpu.memory_space<semaphore_mem>>
        %dma_start3A_674 = arith.constant 0 : i32
        %dma_start3A_675 = arith.constant 0 : i32
        %dma_start3A_676 = tpu.memref_slice %arg8[%dma_start3A_674, %dma_start3A_675] : memref<10112x128xf32, #tpu.memory_space<vmem_shared>> -> memref<10112x128xf32, #tpu.memory_space<vmem_shared>>
        tpu.enqueue_indirect_dma source(%arg19 : memref<96x128xf32, #tpu.memory_space<vmem>>) target(%dma_start3A_676 : memref<10112x128xf32, #tpu.memory_space<vmem_shared>>) offsets(%arg14 : memref<96xi32, #tpu.memory_space<vmem>>) semaphore(%run_scoped3A : memref<!tpu.dma_semaphore, #tpu.memory_space<semaphore_mem>>) {add = true}
        %dma_wait3A_677 = arith.constant 0 : i32
        %dma_wait3A_678 = arith.constant 0 : i32
        %dma_wait3A_679 = tpu.memref_slice %arg8[%dma_wait3A_677, %dma_wait3A_678] : memref<10112x128xf32, #tpu.memory_space<vmem_shared>> -> memref<10112x128xf32, #tpu.memory_space<vmem_shared>>
        tpu.wait_indirect_dma semaphore(%run_scoped3A : memref<!tpu.dma_semaphore, #tpu.memory_space<semaphore_mem>>) src(%arg19 : memref<96x128xf32, #tpu.memory_space<vmem>>) dst(%dma_wait3A_679 : memref<10112x128xf32, #tpu.memory_space<vmem_shared>>)
        tpu.yield
      }) : () -> ()
      %get3A_646 = arith.constant 9984 : index
      %get3A_647 = tpu.vector_load %arg9[%get3A_646] {strides = array<i32>} : memref<10000xi32, #tpu.memory_space<vmem>>, vector<16xi32>,
      %get3A_648 = vector.shape_cast %get3A_647 : vector<16xi32> to vector<16xi32>
      %and3A_649 = arith.andi %get3A_648, %broadcast_in_dim3A_5 : vector<16xi32>
      %mul3A_650 = arith.constant 12 : i32
      %mul3A_651 = vector.broadcast %mul3A_650 : i32 to vector<16xi32>
      %mul3A_652 = arith.muli %and3A_649, %mul3A_651 : vector<16xi32>
      %add3A_653 = arith.addi %mul3A_652, %broadcast_in_dim3A_34 : vector<16xi32>
      %swap3A_654 = arith.constant 0 : index
      %swap3A_655 = tpu.vector_load %arg16[%swap3A_654] {strides = array<i32>} : memref<16xi32, #tpu.memory_space<vmem>>, vector<16xi32>,
      %swap3A_656 = vector.shape_cast %swap3A_655 : vector<16xi32> to vector<16xi32>
      %swap3A_657 = vector.shape_cast %add3A_653 : vector<16xi32> to vector<16xi32>
      tpu.vector_store %arg16[%swap3A_654], %swap3A_657 {strides = array<i32>} : memref<16xi32, #tpu.memory_space<vmem>>, vector<16xi32>,
      %shift_right_logical3A_658 = arith.constant 16 : i32
      %shift_right_logical3A_659 = vector.broadcast %shift_right_logical3A_658 : i32 to vector<16xi32>
      %shift_right_logical3A_660 = arith.shrui %get3A_648, %shift_right_logical3A_659 : vector<16xi32>
      %swap3A_661 = arith.constant 0 : index
      %swap3A_662 = tpu.vector_load %arg17[%swap3A_661] {strides = array<i32>} : memref<16xi32, #tpu.memory_space<vmem>>, vector<16xi32>,
      %swap3A_663 = vector.shape_cast %swap3A_662 : vector<16xi32> to vector<16xi32>
      %swap3A_664 = vector.shape_cast %shift_right_logical3A_660 : vector<16xi32> to vector<16xi32>
      tpu.vector_store %arg17[%swap3A_661], %swap3A_664 {strides = array<i32>} : memref<16xi32, #tpu.memory_space<vmem>>, vector<16xi32>,
      "tpu.region"() ({
        %run_scoped3A = tpu.sem_alloc : memref<!tpu.dma_semaphore, #tpu.memory_space<semaphore_mem>>
        %dma_start3A_674 = arith.constant 0 : i32
        %dma_start3A_675 = arith.constant 0 : i32
        %dma_start3A_676 = tpu.memref_slice %arg2[%dma_start3A_674, %dma_start3A_675] : memref<120000x128xf32, #tpu.memory_space<hbm>> -> memref<120000x128xf32, #tpu.memory_space<hbm>>
        tpu.enqueue_indirect_dma source(%dma_start3A_676 : memref<120000x128xf32, #tpu.memory_space<hbm>>) target(%arg21 : memref<16x128xf32, #tpu.memory_space<vmem>>) offsets(%arg16 : memref<16xi32, #tpu.memory_space<vmem>>) semaphore(%run_scoped3A : memref<!tpu.dma_semaphore, #tpu.memory_space<semaphore_mem>>)
        %dma_wait3A_677 = arith.constant 0 : i32
        %dma_wait3A_678 = arith.constant 0 : i32
        %dma_wait3A_679 = tpu.memref_slice %arg2[%dma_wait3A_677, %dma_wait3A_678] : memref<120000x128xf32, #tpu.memory_space<hbm>> -> memref<120000x128xf32, #tpu.memory_space<hbm>>
        tpu.wait_indirect_dma semaphore(%run_scoped3A : memref<!tpu.dma_semaphore, #tpu.memory_space<semaphore_mem>>) src(%dma_wait3A_679 : memref<120000x128xf32, #tpu.memory_space<hbm>>) dst(%arg21 : memref<16x128xf32, #tpu.memory_space<vmem>>)
        tpu.yield
      }) : () -> ()
      "tpu.region"() ({
        %run_scoped3A = tpu.sem_alloc : memref<!tpu.dma_semaphore, #tpu.memory_space<semaphore_mem>>
        %dma_start3A_674 = arith.constant 0 : i32
        %dma_start3A_675 = arith.constant 0 : i32
        %dma_start3A_676 = tpu.memref_slice %arg8[%dma_start3A_674, %dma_start3A_675] : memref<10112x128xf32, #tpu.memory_space<vmem_shared>> -> memref<10112x128xf32, #tpu.memory_space<vmem_shared>>
        tpu.enqueue_indirect_dma source(%arg21 : memref<16x128xf32, #tpu.memory_space<vmem>>) target(%dma_start3A_676 : memref<10112x128xf32, #tpu.memory_space<vmem_shared>>) offsets(%arg17 : memref<16xi32, #tpu.memory_space<vmem>>) semaphore(%run_scoped3A : memref<!tpu.dma_semaphore, #tpu.memory_space<semaphore_mem>>) {add = true}
        %dma_wait3A_677 = arith.constant 0 : i32
        %dma_wait3A_678 = arith.constant 0 : i32
        %dma_wait3A_679 = tpu.memref_slice %arg8[%dma_wait3A_677, %dma_wait3A_678] : memref<10112x128xf32, #tpu.memory_space<vmem_shared>> -> memref<10112x128xf32, #tpu.memory_space<vmem_shared>>
        tpu.wait_indirect_dma semaphore(%run_scoped3A : memref<!tpu.dma_semaphore, #tpu.memory_space<semaphore_mem>>) src(%arg21 : memref<16x128xf32, #tpu.memory_space<vmem>>) dst(%dma_wait3A_679 : memref<10112x128xf32, #tpu.memory_space<vmem_shared>>)
        tpu.yield
      }) : () -> ()
      %barrier3A_665 = arith.constant 0 : index
      tpu.barrier barrier_id(%barrier3A_665)
      %mul3A_666 = arith.constant 12 : i32
      %mul3A_667 = arith.muli %arg0, %mul3A_666 : i32
      %add3A_668 = arith.addi %mul3A_667, %scan3A_33 : i32
      %dma_start3A_669 = arith.constant 0 : i32
      %dma_start3A_670 = tpu.memref_slice %arg6[%add3A_668, %mul3A_0, %dma_start3A_669] : memref<24x10112x128xf32, #tpu.memory_space<hbm>> -> memref<1x632x128xf32, #tpu.memory_space<hbm>>
      %dma_start3A_671 = tpu.memref_squeeze %dma_start3A_670 : memref<1x632x128xf32, #tpu.memory_space<hbm>> -> memref<632x128xf32, #tpu.memory_space<hbm>>
      %dma_start3A_672 = arith.constant 0 : i32
      %dma_start3A_673 = tpu.memref_slice %arg8[%mul3A_0, %dma_start3A_672] : memref<10112x128xf32, #tpu.memory_space<vmem_shared>> -> memref<632x128xf32, #tpu.memory_space<vmem_shared>>
      tpu.enqueue_dma source(%dma_start3A_673 : memref<632x128xf32, #tpu.memory_space<vmem_shared>>) target(%dma_start3A_671 : memref<632x128xf32, #tpu.memory_space<hbm>>) target_semaphore(%arg25 : memref<!tpu.dma_semaphore, #tpu.memory_space<semaphore_mem>>)
    }
    %scan3A_28 = arith.constant 12 : i32
    %dma_wait3A = arith.constant 0 : i32
    %dma_wait3A_29 = tpu.memref_slice %arg7[%arg0, %mul3A_0, %dma_wait3A] : memref<2x10112x128xf32, #tpu.memory_space<hbm>> -> memref<1x632x128xf32, #tpu.memory_space<hbm>>
    %dma_wait3A_30 = tpu.memref_squeeze %dma_wait3A_29 : memref<1x632x128xf32, #tpu.memory_space<hbm>> -> memref<632x128xf32, #tpu.memory_space<hbm>>
    %dma_wait3A_31 = arith.constant 0 : i32
    %dma_wait3A_32 = tpu.memref_slice %arg8[%mul3A_0, %dma_wait3A_31] : memref<10112x128xf32, #tpu.memory_space<vmem_shared>> -> memref<632x128xf32, #tpu.memory_space<vmem_shared>>
    tpu.wait_dma2 semaphore(%arg25 : memref<!tpu.dma_semaphore, #tpu.memory_space<semaphore_mem>>) src(%dma_wait3A_32 : memref<632x128xf32, #tpu.memory_space<vmem_shared>>) dst(%dma_wait3A_30 : memref<632x128xf32, #tpu.memory_space<hbm>>)
    return
  }
}

module attributes {stable_mosaic.version = 14 : i64} {
  func.func @_dense_body(%arg0: i32, %arg1: memref<400x12x128xf32, #tpu.memory_space<vmem>>, %arg2: memref<24x400x128xf32, #tpu.memory_space<vmem>>, %arg3: memref<2x400x128xf32, #tpu.memory_space<vmem>>, %arg4: memref<128x128xf32, #tpu.memory_space<vmem>>, %arg5: memref<128x128xf32, #tpu.memory_space<vmem>>, %arg6: memref<128x384xf32, #tpu.memory_space<vmem>>, %arg7: memref<128x384xf32, #tpu.memory_space<vmem>>, %arg8: memref<128x128xf32, #tpu.memory_space<vmem>>, %arg9: memref<1x128xf32, #tpu.memory_space<vmem>>, %arg10: memref<1x384xf32, #tpu.memory_space<vmem>>, %arg11: memref<1x384xf32, #tpu.memory_space<vmem>>, %arg12: memref<1x128xf32, #tpu.memory_space<vmem>>, %arg13: memref<400x12x128xf32, #tpu.memory_space<vmem>>) attributes {dimension_semantics = [#tpu.dimension_semantics<arbitrary>], iteration_bounds = array<i64: 25>, scalar_prefetch = 0 : i64, scratch_operands = 0 : i64, tpu.core_type = #tpu.core_type<tc>, window_params = [{transform_indices = @transform_0, window_bounds = array<i64: 400, 12, 128>}, {transform_indices = @transform_1, window_bounds = array<i64: 24, 400, 128>}, {transform_indices = @transform_2, window_bounds = array<i64: 2, 400, 128>}, {pipeline_mode = #tpu.pipeline_mode<synchronous>, transform_indices = @transform_3, window_bounds = array<i64: 128, 128>}, {pipeline_mode = #tpu.pipeline_mode<synchronous>, transform_indices = @transform_4, window_bounds = array<i64: 128, 128>}, {pipeline_mode = #tpu.pipeline_mode<synchronous>, transform_indices = @transform_5, window_bounds = array<i64: 128, 384>}, {pipeline_mode = #tpu.pipeline_mode<synchronous>, transform_indices = @transform_6, window_bounds = array<i64: 128, 384>}, {pipeline_mode = #tpu.pipeline_mode<synchronous>, transform_indices = @transform_7, window_bounds = array<i64: 128, 128>}, {pipeline_mode = #tpu.pipeline_mode<synchronous>, transform_indices = @transform_8, window_bounds = array<i64: 1, 128>}, {pipeline_mode = #tpu.pipeline_mode<synchronous>, transform_indices = @transform_9, window_bounds = array<i64: 1, 384>}, {pipeline_mode = #tpu.pipeline_mode<synchronous>, transform_indices = @transform_10, window_bounds = array<i64: 1, 384>}, {pipeline_mode = #tpu.pipeline_mode<synchronous>, transform_indices = @transform_11, window_bounds = array<i64: 1, 128>}, {transform_indices = @transform_12, window_bounds = array<i64: 400, 12, 128>}]} {
    %get3A = arith.constant 0 : index
    %get3A_0 = arith.constant 0 : index
    %get3A_1 = arith.constant 0 : index
    %get3A_2 = vector.load %arg3[%get3A, %get3A_0, %get3A_1] : memref<2x400x128xf32, #tpu.memory_space<vmem>>, vector<1x400x1xf32>
    %get3A_3 = vector.shape_cast %get3A_2 : vector<1x400x1xf32> to vector<400x1xf32>
    %get3A_4 = arith.constant 1 : index
    %get3A_5 = arith.constant 0 : index
    %get3A_6 = arith.constant 0 : index
    %get3A_7 = vector.load %arg3[%get3A_4, %get3A_5, %get3A_6] : memref<2x400x128xf32, #tpu.memory_space<vmem>>, vector<1x400x1xf32>
    %get3A_8 = vector.shape_cast %get3A_7 : vector<1x400x1xf32> to vector<400x1xf32>
    %add3A = arith.addf %get3A_3, %get3A_8 : vector<400x1xf32>
    %max3A = arith.constant 1.000000e+00 : f32
    %max3A_9 = vector.broadcast %max3A : f32 to vector<400x1xf32>
    %max3A_10 = arith.maximumf %add3A, %max3A_9 : vector<400x1xf32>
    %div3A = arith.constant 1.000000e+00 : f32
    %div3A_11 = vector.broadcast %div3A : f32 to vector<400x1xf32>
    %div3A_12 = arith.divf %div3A_11, %max3A_10 : vector<400x1xf32>
    %broadcast_in_dim3A = arith.constant 0.000000e+00 : f32
    %broadcast_in_dim3A_13 = vector.broadcast %broadcast_in_dim3A : f32 to vector<400x128xf32>
    %get3A_14 = arith.constant 0 : index
    %get3A_15 = arith.constant 0 : index
    %get3A_16 = arith.constant 0 : index
    %get3A_17 = vector.load %arg1[%get3A_14, %get3A_15, %get3A_16] : memref<400x12x128xf32, #tpu.memory_space<vmem>>, vector<400x1x128xf32>
    %get3A_18 = vector.shape_cast %get3A_17 : vector<400x1x128xf32> to vector<400x128xf32>
    %get3A_19 = arith.constant 0 : index
    %get3A_20 = arith.constant 0 : index
    %get3A_21 = arith.constant 0 : index
    %get3A_22 = vector.load %arg2[%get3A_19, %get3A_20, %get3A_21] : memref<24x400x128xf32, #tpu.memory_space<vmem>>, vector<1x400x128xf32>
    %get3A_23 = vector.shape_cast %get3A_22 : vector<1x400x128xf32> to vector<400x128xf32>
    %get3A_24 = arith.constant 12 : index
    %get3A_25 = arith.constant 0 : index
    %get3A_26 = arith.constant 0 : index
    %get3A_27 = vector.load %arg2[%get3A_24, %get3A_25, %get3A_26] : memref<24x400x128xf32, #tpu.memory_space<vmem>>, vector<1x400x128xf32>
    %get3A_28 = vector.shape_cast %get3A_27 : vector<1x400x128xf32> to vector<400x128xf32>
    %add3A_29 = arith.addf %get3A_23, %get3A_28 : vector<400x128xf32>
    %mul3A = vector.broadcast %div3A_12 : vector<400x1xf32> to vector<400x128xf32>
    %mul3A_30 = arith.mulf %add3A_29, %mul3A : vector<400x128xf32>
    %get3A_31 = arith.constant 0 : index
    %get3A_32 = arith.constant 0 : index
    %get3A_33 = vector.load %arg4[%get3A_31, %get3A_32] : memref<128x128xf32, #tpu.memory_space<vmem>>, vector<128x128xf32>
    %dot_general3A = arith.constant dense<0.000000e+00> : vector<400x128xf32>
    %dot_general3A_34 = tpu.matmul %mul3A_30, %get3A_33, %dot_general3A {dimension_numbers = #tpu.dot_dimension_numbers<[1], [0], [0], [1], [0, 0, 1, 1], [], []>, transpose_lhs_hint = false} : vector<400x128xf32>, vector<128x128xf32>, vector<400x128xf32> -> vector<400x128xf32>
    %get3A_35 = arith.constant 0 : index
    %get3A_36 = arith.constant 0 : index
    %get3A_37 = vector.load %arg5[%get3A_35, %get3A_36] : memref<128x128xf32, #tpu.memory_space<vmem>>, vector<128x128xf32>
    %dot_general3A_38 = arith.constant dense<0.000000e+00> : vector<400x128xf32>
    %dot_general3A_39 = tpu.matmul %get3A_18, %get3A_37, %dot_general3A_38 {dimension_numbers = #tpu.dot_dimension_numbers<[1], [0], [0], [1], [0, 0, 1, 1], [], []>, transpose_lhs_hint = false} : vector<400x128xf32>, vector<128x128xf32>, vector<400x128xf32> -> vector<400x128xf32>
    %add3A_40 = arith.addf %dot_general3A_34, %dot_general3A_39 : vector<400x128xf32>
    %get3A_41 = arith.constant 0 : index
    %get3A_42 = arith.constant 0 : index
    %get3A_43 = vector.load %arg9[%get3A_41, %get3A_42] : memref<1x128xf32, #tpu.memory_space<vmem>>, vector<1x128xf32>
    %add3A_44 = vector.broadcast %get3A_43 : vector<1x128xf32> to vector<400x128xf32>
    %add3A_45 = arith.addf %add3A_40, %add3A_44 : vector<400x128xf32>
    %max3A_46 = arith.constant 0.000000e+00 : f32
    %max3A_47 = vector.broadcast %max3A_46 : f32 to vector<400x128xf32>
    %max3A_48 = arith.maximumf %add3A_45, %max3A_47 : vector<400x128xf32>
    %get3A_49 = arith.constant 0 : index
    %get3A_50 = arith.constant 0 : index
    %get3A_51 = vector.load %arg6[%get3A_49, %get3A_50] : memref<128x384xf32, #tpu.memory_space<vmem>>, vector<128x384xf32>
    %dot_general3A_52 = arith.constant dense<0.000000e+00> : vector<400x384xf32>
    %dot_general3A_53 = tpu.matmul %max3A_48, %get3A_51, %dot_general3A_52 {dimension_numbers = #tpu.dot_dimension_numbers<[1], [0], [0], [1], [0, 0, 1, 1], [], []>, transpose_lhs_hint = false} : vector<400x128xf32>, vector<128x384xf32>, vector<400x384xf32> -> vector<400x384xf32>
    %get3A_54 = arith.constant 0 : index
    %get3A_55 = arith.constant 0 : index
    %get3A_56 = vector.load %arg10[%get3A_54, %get3A_55] : memref<1x384xf32, #tpu.memory_space<vmem>>, vector<1x384xf32>
    %add3A_57 = vector.broadcast %get3A_56 : vector<1x384xf32> to vector<400x384xf32>
    %add3A_58 = arith.addf %dot_general3A_53, %add3A_57 : vector<400x384xf32>
    %get3A_59 = arith.constant 0 : index
    %get3A_60 = arith.constant 0 : index
    %get3A_61 = vector.load %arg7[%get3A_59, %get3A_60] : memref<128x384xf32, #tpu.memory_space<vmem>>, vector<128x384xf32>
    %dot_general3A_62 = arith.constant dense<0.000000e+00> : vector<400x384xf32>
    %dot_general3A_63 = tpu.matmul %broadcast_in_dim3A_13, %get3A_61, %dot_general3A_62 {dimension_numbers = #tpu.dot_dimension_numbers<[1], [0], [0], [1], [0, 0, 1, 1], [], []>, transpose_lhs_hint = false} : vector<400x128xf32>, vector<128x384xf32>, vector<400x384xf32> -> vector<400x384xf32>
    %get3A_64 = arith.constant 0 : index
    %get3A_65 = arith.constant 0 : index
    %get3A_66 = vector.load %arg11[%get3A_64, %get3A_65] : memref<1x384xf32, #tpu.memory_space<vmem>>, vector<1x384xf32>
    %add3A_67 = vector.broadcast %get3A_66 : vector<1x384xf32> to vector<400x384xf32>
    %add3A_68 = arith.addf %dot_general3A_63, %add3A_67 : vector<400x384xf32>
    %slice3A = vector.extract_strided_slice %add3A_58 {offsets = [0, 0], sizes = [400, 128], strides = [1, 1]} : vector<400x384xf32> to vector<400x128xf32>
    %slice3A_69 = vector.extract_strided_slice %add3A_68 {offsets = [0, 0], sizes = [400, 128], strides = [1, 1]} : vector<400x384xf32> to vector<400x128xf32>
    %add3A_70 = arith.addf %slice3A, %slice3A_69 : vector<400x128xf32>
    %logistic3A = arith.negf %add3A_70 : vector<400x128xf32>
    %logistic3A_71 = math.exp %logistic3A : vector<400x128xf32>
    %logistic3A_72 = arith.constant 1.000000e+00 : f32
    %logistic3A_73 = vector.broadcast %logistic3A_72 : f32 to vector<400x128xf32>
    %logistic3A_74 = arith.addf %logistic3A_73, %logistic3A_71 : vector<400x128xf32>
    %logistic3A_75 = arith.divf %logistic3A_73, %logistic3A_74 : vector<400x128xf32>
    %slice3A_76 = vector.extract_strided_slice %add3A_58 {offsets = [0, 128], sizes = [400, 128], strides = [1, 1]} : vector<400x384xf32> to vector<400x128xf32>
    %slice3A_77 = vector.extract_strided_slice %add3A_68 {offsets = [0, 128], sizes = [400, 128], strides = [1, 1]} : vector<400x384xf32> to vector<400x128xf32>
    %add3A_78 = arith.addf %slice3A_76, %slice3A_77 : vector<400x128xf32>
    %logistic3A_79 = arith.negf %add3A_78 : vector<400x128xf32>
    %logistic3A_80 = math.exp %logistic3A_79 : vector<400x128xf32>
    %logistic3A_81 = arith.constant 1.000000e+00 : f32
    %logistic3A_82 = vector.broadcast %logistic3A_81 : f32 to vector<400x128xf32>
    %logistic3A_83 = arith.addf %logistic3A_82, %logistic3A_80 : vector<400x128xf32>
    %logistic3A_84 = arith.divf %logistic3A_82, %logistic3A_83 : vector<400x128xf32>
    %slice3A_85 = vector.extract_strided_slice %add3A_58 {offsets = [0, 256], sizes = [400, 128], strides = [1, 1]} : vector<400x384xf32> to vector<400x128xf32>
    %slice3A_86 = vector.extract_strided_slice %add3A_68 {offsets = [0, 256], sizes = [400, 128], strides = [1, 1]} : vector<400x384xf32> to vector<400x128xf32>
    %mul3A_87 = arith.mulf %logistic3A_75, %slice3A_86 : vector<400x128xf32>
    %add3A_88 = arith.addf %slice3A_85, %mul3A_87 : vector<400x128xf32>
    %tanh3A = math.tanh %add3A_88 : vector<400x128xf32>
    %sub3A = arith.constant 1.000000e+00 : f32
    %sub3A_89 = vector.broadcast %sub3A : f32 to vector<400x128xf32>
    %sub3A_90 = arith.subf %sub3A_89, %logistic3A_84 : vector<400x128xf32>
    %mul3A_91 = arith.mulf %sub3A_90, %tanh3A : vector<400x128xf32>
    %mul3A_92 = arith.mulf %logistic3A_84, %broadcast_in_dim3A_13 : vector<400x128xf32>
    %add3A_93 = arith.addf %mul3A_91, %mul3A_92 : vector<400x128xf32>
    %get3A_94 = arith.constant 0 : index
    %get3A_95 = arith.constant 0 : index
    %get3A_96 = vector.load %arg8[%get3A_94, %get3A_95] : memref<128x128xf32, #tpu.memory_space<vmem>>, vector<128x128xf32>
    %dot_general3A_97 = arith.constant dense<0.000000e+00> : vector<400x128xf32>
    %dot_general3A_98 = tpu.matmul %add3A_93, %get3A_96, %dot_general3A_97 {dimension_numbers = #tpu.dot_dimension_numbers<[1], [0], [0], [1], [0, 0, 1, 1], [], []>, transpose_lhs_hint = false} : vector<400x128xf32>, vector<128x128xf32>, vector<400x128xf32> -> vector<400x128xf32>
    %get3A_99 = arith.constant 0 : index
    %get3A_100 = arith.constant 0 : index
    %get3A_101 = vector.load %arg12[%get3A_99, %get3A_100] : memref<1x128xf32, #tpu.memory_space<vmem>>, vector<1x128xf32>
    %add3A_102 = vector.broadcast %get3A_101 : vector<1x128xf32> to vector<400x128xf32>
    %add3A_103 = arith.addf %dot_general3A_98, %add3A_102 : vector<400x128xf32>
    %swap3A = arith.constant 0 : index
    %swap3A_104 = arith.constant 0 : index
    %swap3A_105 = arith.constant 0 : index
    %swap3A_106 = vector.load %arg13[%swap3A, %swap3A_104, %swap3A_105] : memref<400x12x128xf32, #tpu.memory_space<vmem>>, vector<400x1x128xf32>
    %swap3A_107 = vector.shape_cast %swap3A_106 : vector<400x1x128xf32> to vector<400x128xf32>
    %swap3A_108 = vector.shape_cast %add3A_103 : vector<400x128xf32> to vector<400x1x128xf32>
    tpu.vector_store %arg13[%swap3A, %swap3A_104, %swap3A_105], %swap3A_108 {strides = array<i32>} : memref<400x12x128xf32, #tpu.memory_space<vmem>>, vector<400x1x128xf32>,
    %get3A_109 = arith.constant 0 : index
    %get3A_110 = arith.constant 1 : index
    %get3A_111 = arith.constant 0 : index
    %get3A_112 = vector.load %arg1[%get3A_109, %get3A_110, %get3A_111] : memref<400x12x128xf32, #tpu.memory_space<vmem>>, vector<400x1x128xf32>
    %get3A_113 = vector.shape_cast %get3A_112 : vector<400x1x128xf32> to vector<400x128xf32>
    %get3A_114 = arith.constant 1 : index
    %get3A_115 = arith.constant 0 : index
    %get3A_116 = arith.constant 0 : index
    %get3A_117 = vector.load %arg2[%get3A_114, %get3A_115, %get3A_116] : memref<24x400x128xf32, #tpu.memory_space<vmem>>, vector<1x400x128xf32>
    %get3A_118 = vector.shape_cast %get3A_117 : vector<1x400x128xf32> to vector<400x128xf32>
    %get3A_119 = arith.constant 13 : index
    %get3A_120 = arith.constant 0 : index
    %get3A_121 = arith.constant 0 : index
    %get3A_122 = vector.load %arg2[%get3A_119, %get3A_120, %get3A_121] : memref<24x400x128xf32, #tpu.memory_space<vmem>>, vector<1x400x128xf32>
    %get3A_123 = vector.shape_cast %get3A_122 : vector<1x400x128xf32> to vector<400x128xf32>
    %add3A_124 = arith.addf %get3A_118, %get3A_123 : vector<400x128xf32>
    %mul3A_125 = vector.broadcast %div3A_12 : vector<400x1xf32> to vector<400x128xf32>
    %mul3A_126 = arith.mulf %add3A_124, %mul3A_125 : vector<400x128xf32>
    %get3A_127 = arith.constant 0 : index
    %get3A_128 = arith.constant 0 : index
    %get3A_129 = vector.load %arg4[%get3A_127, %get3A_128] : memref<128x128xf32, #tpu.memory_space<vmem>>, vector<128x128xf32>
    %dot_general3A_130 = arith.constant dense<0.000000e+00> : vector<400x128xf32>
    %dot_general3A_131 = tpu.matmul %mul3A_126, %get3A_129, %dot_general3A_130 {dimension_numbers = #tpu.dot_dimension_numbers<[1], [0], [0], [1], [0, 0, 1, 1], [], []>, transpose_lhs_hint = false} : vector<400x128xf32>, vector<128x128xf32>, vector<400x128xf32> -> vector<400x128xf32>
    %get3A_132 = arith.constant 0 : index
    %get3A_133 = arith.constant 0 : index
    %get3A_134 = vector.load %arg5[%get3A_132, %get3A_133] : memref<128x128xf32, #tpu.memory_space<vmem>>, vector<128x128xf32>
    %dot_general3A_135 = arith.constant dense<0.000000e+00> : vector<400x128xf32>
    %dot_general3A_136 = tpu.matmul %get3A_113, %get3A_134, %dot_general3A_135 {dimension_numbers = #tpu.dot_dimension_numbers<[1], [0], [0], [1], [0, 0, 1, 1], [], []>, transpose_lhs_hint = false} : vector<400x128xf32>, vector<128x128xf32>, vector<400x128xf32> -> vector<400x128xf32>
    %add3A_137 = arith.addf %dot_general3A_131, %dot_general3A_136 : vector<400x128xf32>
    %get3A_138 = arith.constant 0 : index
    %get3A_139 = arith.constant 0 : index
    %get3A_140 = vector.load %arg9[%get3A_138, %get3A_139] : memref<1x128xf32, #tpu.memory_space<vmem>>, vector<1x128xf32>
    %add3A_141 = vector.broadcast %get3A_140 : vector<1x128xf32> to vector<400x128xf32>
    %add3A_142 = arith.addf %add3A_137, %add3A_141 : vector<400x128xf32>
    %max3A_143 = arith.constant 0.000000e+00 : f32
    %max3A_144 = vector.broadcast %max3A_143 : f32 to vector<400x128xf32>
    %max3A_145 = arith.maximumf %add3A_142, %max3A_144 : vector<400x128xf32>
    %get3A_146 = arith.constant 0 : index
    %get3A_147 = arith.constant 0 : index
    %get3A_148 = vector.load %arg6[%get3A_146, %get3A_147] : memref<128x384xf32, #tpu.memory_space<vmem>>, vector<128x384xf32>
    %dot_general3A_149 = arith.constant dense<0.000000e+00> : vector<400x384xf32>
    %dot_general3A_150 = tpu.matmul %max3A_145, %get3A_148, %dot_general3A_149 {dimension_numbers = #tpu.dot_dimension_numbers<[1], [0], [0], [1], [0, 0, 1, 1], [], []>, transpose_lhs_hint = false} : vector<400x128xf32>, vector<128x384xf32>, vector<400x384xf32> -> vector<400x384xf32>
    %get3A_151 = arith.constant 0 : index
    %get3A_152 = arith.constant 0 : index
    %get3A_153 = vector.load %arg10[%get3A_151, %get3A_152] : memref<1x384xf32, #tpu.memory_space<vmem>>, vector<1x384xf32>
    %add3A_154 = vector.broadcast %get3A_153 : vector<1x384xf32> to vector<400x384xf32>
    %add3A_155 = arith.addf %dot_general3A_150, %add3A_154 : vector<400x384xf32>
    %get3A_156 = arith.constant 0 : index
    %get3A_157 = arith.constant 0 : index
    %get3A_158 = vector.load %arg7[%get3A_156, %get3A_157] : memref<128x384xf32, #tpu.memory_space<vmem>>, vector<128x384xf32>
    %dot_general3A_159 = arith.constant dense<0.000000e+00> : vector<400x384xf32>
    %dot_general3A_160 = tpu.matmul %add3A_93, %get3A_158, %dot_general3A_159 {dimension_numbers = #tpu.dot_dimension_numbers<[1], [0], [0], [1], [0, 0, 1, 1], [], []>, transpose_lhs_hint = false} : vector<400x128xf32>, vector<128x384xf32>, vector<400x384xf32> -> vector<400x384xf32>
    %get3A_161 = arith.constant 0 : index
    %get3A_162 = arith.constant 0 : index
    %get3A_163 = vector.load %arg11[%get3A_161, %get3A_162] : memref<1x384xf32, #tpu.memory_space<vmem>>, vector<1x384xf32>
    %add3A_164 = vector.broadcast %get3A_163 : vector<1x384xf32> to vector<400x384xf32>
    %add3A_165 = arith.addf %dot_general3A_160, %add3A_164 : vector<400x384xf32>
    %slice3A_166 = vector.extract_strided_slice %add3A_155 {offsets = [0, 0], sizes = [400, 128], strides = [1, 1]} : vector<400x384xf32> to vector<400x128xf32>
    %slice3A_167 = vector.extract_strided_slice %add3A_165 {offsets = [0, 0], sizes = [400, 128], strides = [1, 1]} : vector<400x384xf32> to vector<400x128xf32>
    %add3A_168 = arith.addf %slice3A_166, %slice3A_167 : vector<400x128xf32>
    %logistic3A_169 = arith.negf %add3A_168 : vector<400x128xf32>
    %logistic3A_170 = math.exp %logistic3A_169 : vector<400x128xf32>
    %logistic3A_171 = arith.constant 1.000000e+00 : f32
    %logistic3A_172 = vector.broadcast %logistic3A_171 : f32 to vector<400x128xf32>
    %logistic3A_173 = arith.addf %logistic3A_172, %logistic3A_170 : vector<400x128xf32>
    %logistic3A_174 = arith.divf %logistic3A_172, %logistic3A_173 : vector<400x128xf32>
    %slice3A_175 = vector.extract_strided_slice %add3A_155 {offsets = [0, 128], sizes = [400, 128], strides = [1, 1]} : vector<400x384xf32> to vector<400x128xf32>
    %slice3A_176 = vector.extract_strided_slice %add3A_165 {offsets = [0, 128], sizes = [400, 128], strides = [1, 1]} : vector<400x384xf32> to vector<400x128xf32>
    %add3A_177 = arith.addf %slice3A_175, %slice3A_176 : vector<400x128xf32>
    %logistic3A_178 = arith.negf %add3A_177 : vector<400x128xf32>
    %logistic3A_179 = math.exp %logistic3A_178 : vector<400x128xf32>
    %logistic3A_180 = arith.constant 1.000000e+00 : f32
    %logistic3A_181 = vector.broadcast %logistic3A_180 : f32 to vector<400x128xf32>
    %logistic3A_182 = arith.addf %logistic3A_181, %logistic3A_179 : vector<400x128xf32>
    %logistic3A_183 = arith.divf %logistic3A_181, %logistic3A_182 : vector<400x128xf32>
    %slice3A_184 = vector.extract_strided_slice %add3A_155 {offsets = [0, 256], sizes = [400, 128], strides = [1, 1]} : vector<400x384xf32> to vector<400x128xf32>
    %slice3A_185 = vector.extract_strided_slice %add3A_165 {offsets = [0, 256], sizes = [400, 128], strides = [1, 1]} : vector<400x384xf32> to vector<400x128xf32>
    %mul3A_186 = arith.mulf %logistic3A_174, %slice3A_185 : vector<400x128xf32>
    %add3A_187 = arith.addf %slice3A_184, %mul3A_186 : vector<400x128xf32>
    %tanh3A_188 = math.tanh %add3A_187 : vector<400x128xf32>
    %sub3A_189 = arith.constant 1.000000e+00 : f32
    %sub3A_190 = vector.broadcast %sub3A_189 : f32 to vector<400x128xf32>
    %sub3A_191 = arith.subf %sub3A_190, %logistic3A_183 : vector<400x128xf32>
    %mul3A_192 = arith.mulf %sub3A_191, %tanh3A_188 : vector<400x128xf32>
    %mul3A_193 = arith.mulf %logistic3A_183, %add3A_93 : vector<400x128xf32>
    %add3A_194 = arith.addf %mul3A_192, %mul3A_193 : vector<400x128xf32>
    %get3A_195 = arith.constant 0 : index
    %get3A_196 = arith.constant 0 : index
    %get3A_197 = vector.load %arg8[%get3A_195, %get3A_196] : memref<128x128xf32, #tpu.memory_space<vmem>>, vector<128x128xf32>
    %dot_general3A_198 = arith.constant dense<0.000000e+00> : vector<400x128xf32>
    %dot_general3A_199 = tpu.matmul %add3A_194, %get3A_197, %dot_general3A_198 {dimension_numbers = #tpu.dot_dimension_numbers<[1], [0], [0], [1], [0, 0, 1, 1], [], []>, transpose_lhs_hint = false} : vector<400x128xf32>, vector<128x128xf32>, vector<400x128xf32> -> vector<400x128xf32>
    %get3A_200 = arith.constant 0 : index
    %get3A_201 = arith.constant 0 : index
    %get3A_202 = vector.load %arg12[%get3A_200, %get3A_201] : memref<1x128xf32, #tpu.memory_space<vmem>>, vector<1x128xf32>
    %add3A_203 = vector.broadcast %get3A_202 : vector<1x128xf32> to vector<400x128xf32>
    %add3A_204 = arith.addf %dot_general3A_199, %add3A_203 : vector<400x128xf32>
    %swap3A_205 = arith.constant 0 : index
    %swap3A_206 = arith.constant 1 : index
    %swap3A_207 = arith.constant 0 : index
    %swap3A_208 = vector.load %arg13[%swap3A_205, %swap3A_206, %swap3A_207] : memref<400x12x128xf32, #tpu.memory_space<vmem>>, vector<400x1x128xf32>
    %swap3A_209 = vector.shape_cast %swap3A_208 : vector<400x1x128xf32> to vector<400x128xf32>
    %swap3A_210 = vector.shape_cast %add3A_204 : vector<400x128xf32> to vector<400x1x128xf32>
    tpu.vector_store %arg13[%swap3A_205, %swap3A_206, %swap3A_207], %swap3A_210 {strides = array<i32>} : memref<400x12x128xf32, #tpu.memory_space<vmem>>, vector<400x1x128xf32>,
    %get3A_211 = arith.constant 0 : index
    %get3A_212 = arith.constant 2 : index
    %get3A_213 = arith.constant 0 : index
    %get3A_214 = vector.load %arg1[%get3A_211, %get3A_212, %get3A_213] : memref<400x12x128xf32, #tpu.memory_space<vmem>>, vector<400x1x128xf32>
    %get3A_215 = vector.shape_cast %get3A_214 : vector<400x1x128xf32> to vector<400x128xf32>
    %get3A_216 = arith.constant 2 : index
    %get3A_217 = arith.constant 0 : index
    %get3A_218 = arith.constant 0 : index
    %get3A_219 = vector.load %arg2[%get3A_216, %get3A_217, %get3A_218] : memref<24x400x128xf32, #tpu.memory_space<vmem>>, vector<1x400x128xf32>
    %get3A_220 = vector.shape_cast %get3A_219 : vector<1x400x128xf32> to vector<400x128xf32>
    %get3A_221 = arith.constant 14 : index
    %get3A_222 = arith.constant 0 : index
    %get3A_223 = arith.constant 0 : index
    %get3A_224 = vector.load %arg2[%get3A_221, %get3A_222, %get3A_223] : memref<24x400x128xf32, #tpu.memory_space<vmem>>, vector<1x400x128xf32>
    %get3A_225 = vector.shape_cast %get3A_224 : vector<1x400x128xf32> to vector<400x128xf32>
    %add3A_226 = arith.addf %get3A_220, %get3A_225 : vector<400x128xf32>
    %mul3A_227 = vector.broadcast %div3A_12 : vector<400x1xf32> to vector<400x128xf32>
    %mul3A_228 = arith.mulf %add3A_226, %mul3A_227 : vector<400x128xf32>
    %get3A_229 = arith.constant 0 : index
    %get3A_230 = arith.constant 0 : index
    %get3A_231 = vector.load %arg4[%get3A_229, %get3A_230] : memref<128x128xf32, #tpu.memory_space<vmem>>, vector<128x128xf32>
    %dot_general3A_232 = arith.constant dense<0.000000e+00> : vector<400x128xf32>
    %dot_general3A_233 = tpu.matmul %mul3A_228, %get3A_231, %dot_general3A_232 {dimension_numbers = #tpu.dot_dimension_numbers<[1], [0], [0], [1], [0, 0, 1, 1], [], []>, transpose_lhs_hint = false} : vector<400x128xf32>, vector<128x128xf32>, vector<400x128xf32> -> vector<400x128xf32>
    %get3A_234 = arith.constant 0 : index
    %get3A_235 = arith.constant 0 : index
    %get3A_236 = vector.load %arg5[%get3A_234, %get3A_235] : memref<128x128xf32, #tpu.memory_space<vmem>>, vector<128x128xf32>
    %dot_general3A_237 = arith.constant dense<0.000000e+00> : vector<400x128xf32>
    %dot_general3A_238 = tpu.matmul %get3A_215, %get3A_236, %dot_general3A_237 {dimension_numbers = #tpu.dot_dimension_numbers<[1], [0], [0], [1], [0, 0, 1, 1], [], []>, transpose_lhs_hint = false} : vector<400x128xf32>, vector<128x128xf32>, vector<400x128xf32> -> vector<400x128xf32>
    %add3A_239 = arith.addf %dot_general3A_233, %dot_general3A_238 : vector<400x128xf32>
    %get3A_240 = arith.constant 0 : index
    %get3A_241 = arith.constant 0 : index
    %get3A_242 = vector.load %arg9[%get3A_240, %get3A_241] : memref<1x128xf32, #tpu.memory_space<vmem>>, vector<1x128xf32>
    %add3A_243 = vector.broadcast %get3A_242 : vector<1x128xf32> to vector<400x128xf32>
    %add3A_244 = arith.addf %add3A_239, %add3A_243 : vector<400x128xf32>
    %max3A_245 = arith.constant 0.000000e+00 : f32
    %max3A_246 = vector.broadcast %max3A_245 : f32 to vector<400x128xf32>
    %max3A_247 = arith.maximumf %add3A_244, %max3A_246 : vector<400x128xf32>
    %get3A_248 = arith.constant 0 : index
    %get3A_249 = arith.constant 0 : index
    %get3A_250 = vector.load %arg6[%get3A_248, %get3A_249] : memref<128x384xf32, #tpu.memory_space<vmem>>, vector<128x384xf32>
    %dot_general3A_251 = arith.constant dense<0.000000e+00> : vector<400x384xf32>
    %dot_general3A_252 = tpu.matmul %max3A_247, %get3A_250, %dot_general3A_251 {dimension_numbers = #tpu.dot_dimension_numbers<[1], [0], [0], [1], [0, 0, 1, 1], [], []>, transpose_lhs_hint = false} : vector<400x128xf32>, vector<128x384xf32>, vector<400x384xf32> -> vector<400x384xf32>
    %get3A_253 = arith.constant 0 : index
    %get3A_254 = arith.constant 0 : index
    %get3A_255 = vector.load %arg10[%get3A_253, %get3A_254] : memref<1x384xf32, #tpu.memory_space<vmem>>, vector<1x384xf32>
    %add3A_256 = vector.broadcast %get3A_255 : vector<1x384xf32> to vector<400x384xf32>
    %add3A_257 = arith.addf %dot_general3A_252, %add3A_256 : vector<400x384xf32>
    %get3A_258 = arith.constant 0 : index
    %get3A_259 = arith.constant 0 : index
    %get3A_260 = vector.load %arg7[%get3A_258, %get3A_259] : memref<128x384xf32, #tpu.memory_space<vmem>>, vector<128x384xf32>
    %dot_general3A_261 = arith.constant dense<0.000000e+00> : vector<400x384xf32>
    %dot_general3A_262 = tpu.matmul %add3A_194, %get3A_260, %dot_general3A_261 {dimension_numbers = #tpu.dot_dimension_numbers<[1], [0], [0], [1], [0, 0, 1, 1], [], []>, transpose_lhs_hint = false} : vector<400x128xf32>, vector<128x384xf32>, vector<400x384xf32> -> vector<400x384xf32>
    %get3A_263 = arith.constant 0 : index
    %get3A_264 = arith.constant 0 : index
    %get3A_265 = vector.load %arg11[%get3A_263, %get3A_264] : memref<1x384xf32, #tpu.memory_space<vmem>>, vector<1x384xf32>
    %add3A_266 = vector.broadcast %get3A_265 : vector<1x384xf32> to vector<400x384xf32>
    %add3A_267 = arith.addf %dot_general3A_262, %add3A_266 : vector<400x384xf32>
    %slice3A_268 = vector.extract_strided_slice %add3A_257 {offsets = [0, 0], sizes = [400, 128], strides = [1, 1]} : vector<400x384xf32> to vector<400x128xf32>
    %slice3A_269 = vector.extract_strided_slice %add3A_267 {offsets = [0, 0], sizes = [400, 128], strides = [1, 1]} : vector<400x384xf32> to vector<400x128xf32>
    %add3A_270 = arith.addf %slice3A_268, %slice3A_269 : vector<400x128xf32>
    %logistic3A_271 = arith.negf %add3A_270 : vector<400x128xf32>
    %logistic3A_272 = math.exp %logistic3A_271 : vector<400x128xf32>
    %logistic3A_273 = arith.constant 1.000000e+00 : f32
    %logistic3A_274 = vector.broadcast %logistic3A_273 : f32 to vector<400x128xf32>
    %logistic3A_275 = arith.addf %logistic3A_274, %logistic3A_272 : vector<400x128xf32>
    %logistic3A_276 = arith.divf %logistic3A_274, %logistic3A_275 : vector<400x128xf32>
    %slice3A_277 = vector.extract_strided_slice %add3A_257 {offsets = [0, 128], sizes = [400, 128], strides = [1, 1]} : vector<400x384xf32> to vector<400x128xf32>
    %slice3A_278 = vector.extract_strided_slice %add3A_267 {offsets = [0, 128], sizes = [400, 128], strides = [1, 1]} : vector<400x384xf32> to vector<400x128xf32>
    %add3A_279 = arith.addf %slice3A_277, %slice3A_278 : vector<400x128xf32>
    %logistic3A_280 = arith.negf %add3A_279 : vector<400x128xf32>
    %logistic3A_281 = math.exp %logistic3A_280 : vector<400x128xf32>
    %logistic3A_282 = arith.constant 1.000000e+00 : f32
    %logistic3A_283 = vector.broadcast %logistic3A_282 : f32 to vector<400x128xf32>
    %logistic3A_284 = arith.addf %logistic3A_283, %logistic3A_281 : vector<400x128xf32>
    %logistic3A_285 = arith.divf %logistic3A_283, %logistic3A_284 : vector<400x128xf32>
    %slice3A_286 = vector.extract_strided_slice %add3A_257 {offsets = [0, 256], sizes = [400, 128], strides = [1, 1]} : vector<400x384xf32> to vector<400x128xf32>
    %slice3A_287 = vector.extract_strided_slice %add3A_267 {offsets = [0, 256], sizes = [400, 128], strides = [1, 1]} : vector<400x384xf32> to vector<400x128xf32>
    %mul3A_288 = arith.mulf %logistic3A_276, %slice3A_287 : vector<400x128xf32>
    %add3A_289 = arith.addf %slice3A_286, %mul3A_288 : vector<400x128xf32>
    %tanh3A_290 = math.tanh %add3A_289 : vector<400x128xf32>
    %sub3A_291 = arith.constant 1.000000e+00 : f32
    %sub3A_292 = vector.broadcast %sub3A_291 : f32 to vector<400x128xf32>
    %sub3A_293 = arith.subf %sub3A_292, %logistic3A_285 : vector<400x128xf32>
    %mul3A_294 = arith.mulf %sub3A_293, %tanh3A_290 : vector<400x128xf32>
    %mul3A_295 = arith.mulf %logistic3A_285, %add3A_194 : vector<400x128xf32>
    %add3A_296 = arith.addf %mul3A_294, %mul3A_295 : vector<400x128xf32>
    %get3A_297 = arith.constant 0 : index
    %get3A_298 = arith.constant 0 : index
    %get3A_299 = vector.load %arg8[%get3A_297, %get3A_298] : memref<128x128xf32, #tpu.memory_space<vmem>>, vector<128x128xf32>
    %dot_general3A_300 = arith.constant dense<0.000000e+00> : vector<400x128xf32>
    %dot_general3A_301 = tpu.matmul %add3A_296, %get3A_299, %dot_general3A_300 {dimension_numbers = #tpu.dot_dimension_numbers<[1], [0], [0], [1], [0, 0, 1, 1], [], []>, transpose_lhs_hint = false} : vector<400x128xf32>, vector<128x128xf32>, vector<400x128xf32> -> vector<400x128xf32>
    %get3A_302 = arith.constant 0 : index
    %get3A_303 = arith.constant 0 : index
    %get3A_304 = vector.load %arg12[%get3A_302, %get3A_303] : memref<1x128xf32, #tpu.memory_space<vmem>>, vector<1x128xf32>
    %add3A_305 = vector.broadcast %get3A_304 : vector<1x128xf32> to vector<400x128xf32>
    %add3A_306 = arith.addf %dot_general3A_301, %add3A_305 : vector<400x128xf32>
    %swap3A_307 = arith.constant 0 : index
    %swap3A_308 = arith.constant 2 : index
    %swap3A_309 = arith.constant 0 : index
    %swap3A_310 = vector.load %arg13[%swap3A_307, %swap3A_308, %swap3A_309] : memref<400x12x128xf32, #tpu.memory_space<vmem>>, vector<400x1x128xf32>
    %swap3A_311 = vector.shape_cast %swap3A_310 : vector<400x1x128xf32> to vector<400x128xf32>
    %swap3A_312 = vector.shape_cast %add3A_306 : vector<400x128xf32> to vector<400x1x128xf32>
    tpu.vector_store %arg13[%swap3A_307, %swap3A_308, %swap3A_309], %swap3A_312 {strides = array<i32>} : memref<400x12x128xf32, #tpu.memory_space<vmem>>, vector<400x1x128xf32>,
    %get3A_313 = arith.constant 0 : index
    %get3A_314 = arith.constant 3 : index
    %get3A_315 = arith.constant 0 : index
    %get3A_316 = vector.load %arg1[%get3A_313, %get3A_314, %get3A_315] : memref<400x12x128xf32, #tpu.memory_space<vmem>>, vector<400x1x128xf32>
    %get3A_317 = vector.shape_cast %get3A_316 : vector<400x1x128xf32> to vector<400x128xf32>
    %get3A_318 = arith.constant 3 : index
    %get3A_319 = arith.constant 0 : index
    %get3A_320 = arith.constant 0 : index
    %get3A_321 = vector.load %arg2[%get3A_318, %get3A_319, %get3A_320] : memref<24x400x128xf32, #tpu.memory_space<vmem>>, vector<1x400x128xf32>
    %get3A_322 = vector.shape_cast %get3A_321 : vector<1x400x128xf32> to vector<400x128xf32>
    %get3A_323 = arith.constant 15 : index
    %get3A_324 = arith.constant 0 : index
    %get3A_325 = arith.constant 0 : index
    %get3A_326 = vector.load %arg2[%get3A_323, %get3A_324, %get3A_325] : memref<24x400x128xf32, #tpu.memory_space<vmem>>, vector<1x400x128xf32>
    %get3A_327 = vector.shape_cast %get3A_326 : vector<1x400x128xf32> to vector<400x128xf32>
    %add3A_328 = arith.addf %get3A_322, %get3A_327 : vector<400x128xf32>
    %mul3A_329 = vector.broadcast %div3A_12 : vector<400x1xf32> to vector<400x128xf32>
    %mul3A_330 = arith.mulf %add3A_328, %mul3A_329 : vector<400x128xf32>
    %get3A_331 = arith.constant 0 : index
    %get3A_332 = arith.constant 0 : index
    %get3A_333 = vector.load %arg4[%get3A_331, %get3A_332] : memref<128x128xf32, #tpu.memory_space<vmem>>, vector<128x128xf32>
    %dot_general3A_334 = arith.constant dense<0.000000e+00> : vector<400x128xf32>
    %dot_general3A_335 = tpu.matmul %mul3A_330, %get3A_333, %dot_general3A_334 {dimension_numbers = #tpu.dot_dimension_numbers<[1], [0], [0], [1], [0, 0, 1, 1], [], []>, transpose_lhs_hint = false} : vector<400x128xf32>, vector<128x128xf32>, vector<400x128xf32> -> vector<400x128xf32>
    %get3A_336 = arith.constant 0 : index
    %get3A_337 = arith.constant 0 : index
    %get3A_338 = vector.load %arg5[%get3A_336, %get3A_337] : memref<128x128xf32, #tpu.memory_space<vmem>>, vector<128x128xf32>
    %dot_general3A_339 = arith.constant dense<0.000000e+00> : vector<400x128xf32>
    %dot_general3A_340 = tpu.matmul %get3A_317, %get3A_338, %dot_general3A_339 {dimension_numbers = #tpu.dot_dimension_numbers<[1], [0], [0], [1], [0, 0, 1, 1], [], []>, transpose_lhs_hint = false} : vector<400x128xf32>, vector<128x128xf32>, vector<400x128xf32> -> vector<400x128xf32>
    %add3A_341 = arith.addf %dot_general3A_335, %dot_general3A_340 : vector<400x128xf32>
    %get3A_342 = arith.constant 0 : index
    %get3A_343 = arith.constant 0 : index
    %get3A_344 = vector.load %arg9[%get3A_342, %get3A_343] : memref<1x128xf32, #tpu.memory_space<vmem>>, vector<1x128xf32>
    %add3A_345 = vector.broadcast %get3A_344 : vector<1x128xf32> to vector<400x128xf32>
    %add3A_346 = arith.addf %add3A_341, %add3A_345 : vector<400x128xf32>
    %max3A_347 = arith.constant 0.000000e+00 : f32
    %max3A_348 = vector.broadcast %max3A_347 : f32 to vector<400x128xf32>
    %max3A_349 = arith.maximumf %add3A_346, %max3A_348 : vector<400x128xf32>
    %get3A_350 = arith.constant 0 : index
    %get3A_351 = arith.constant 0 : index
    %get3A_352 = vector.load %arg6[%get3A_350, %get3A_351] : memref<128x384xf32, #tpu.memory_space<vmem>>, vector<128x384xf32>
    %dot_general3A_353 = arith.constant dense<0.000000e+00> : vector<400x384xf32>
    %dot_general3A_354 = tpu.matmul %max3A_349, %get3A_352, %dot_general3A_353 {dimension_numbers = #tpu.dot_dimension_numbers<[1], [0], [0], [1], [0, 0, 1, 1], [], []>, transpose_lhs_hint = false} : vector<400x128xf32>, vector<128x384xf32>, vector<400x384xf32> -> vector<400x384xf32>
    %get3A_355 = arith.constant 0 : index
    %get3A_356 = arith.constant 0 : index
    %get3A_357 = vector.load %arg10[%get3A_355, %get3A_356] : memref<1x384xf32, #tpu.memory_space<vmem>>, vector<1x384xf32>
    %add3A_358 = vector.broadcast %get3A_357 : vector<1x384xf32> to vector<400x384xf32>
    %add3A_359 = arith.addf %dot_general3A_354, %add3A_358 : vector<400x384xf32>
    %get3A_360 = arith.constant 0 : index
    %get3A_361 = arith.constant 0 : index
    %get3A_362 = vector.load %arg7[%get3A_360, %get3A_361] : memref<128x384xf32, #tpu.memory_space<vmem>>, vector<128x384xf32>
    %dot_general3A_363 = arith.constant dense<0.000000e+00> : vector<400x384xf32>
    %dot_general3A_364 = tpu.matmul %add3A_296, %get3A_362, %dot_general3A_363 {dimension_numbers = #tpu.dot_dimension_numbers<[1], [0], [0], [1], [0, 0, 1, 1], [], []>, transpose_lhs_hint = false} : vector<400x128xf32>, vector<128x384xf32>, vector<400x384xf32> -> vector<400x384xf32>
    %get3A_365 = arith.constant 0 : index
    %get3A_366 = arith.constant 0 : index
    %get3A_367 = vector.load %arg11[%get3A_365, %get3A_366] : memref<1x384xf32, #tpu.memory_space<vmem>>, vector<1x384xf32>
    %add3A_368 = vector.broadcast %get3A_367 : vector<1x384xf32> to vector<400x384xf32>
    %add3A_369 = arith.addf %dot_general3A_364, %add3A_368 : vector<400x384xf32>
    %slice3A_370 = vector.extract_strided_slice %add3A_359 {offsets = [0, 0], sizes = [400, 128], strides = [1, 1]} : vector<400x384xf32> to vector<400x128xf32>
    %slice3A_371 = vector.extract_strided_slice %add3A_369 {offsets = [0, 0], sizes = [400, 128], strides = [1, 1]} : vector<400x384xf32> to vector<400x128xf32>
    %add3A_372 = arith.addf %slice3A_370, %slice3A_371 : vector<400x128xf32>
    %logistic3A_373 = arith.negf %add3A_372 : vector<400x128xf32>
    %logistic3A_374 = math.exp %logistic3A_373 : vector<400x128xf32>
    %logistic3A_375 = arith.constant 1.000000e+00 : f32
    %logistic3A_376 = vector.broadcast %logistic3A_375 : f32 to vector<400x128xf32>
    %logistic3A_377 = arith.addf %logistic3A_376, %logistic3A_374 : vector<400x128xf32>
    %logistic3A_378 = arith.divf %logistic3A_376, %logistic3A_377 : vector<400x128xf32>
    %slice3A_379 = vector.extract_strided_slice %add3A_359 {offsets = [0, 128], sizes = [400, 128], strides = [1, 1]} : vector<400x384xf32> to vector<400x128xf32>
    %slice3A_380 = vector.extract_strided_slice %add3A_369 {offsets = [0, 128], sizes = [400, 128], strides = [1, 1]} : vector<400x384xf32> to vector<400x128xf32>
    %add3A_381 = arith.addf %slice3A_379, %slice3A_380 : vector<400x128xf32>
    %logistic3A_382 = arith.negf %add3A_381 : vector<400x128xf32>
    %logistic3A_383 = math.exp %logistic3A_382 : vector<400x128xf32>
    %logistic3A_384 = arith.constant 1.000000e+00 : f32
    %logistic3A_385 = vector.broadcast %logistic3A_384 : f32 to vector<400x128xf32>
    %logistic3A_386 = arith.addf %logistic3A_385, %logistic3A_383 : vector<400x128xf32>
    %logistic3A_387 = arith.divf %logistic3A_385, %logistic3A_386 : vector<400x128xf32>
    %slice3A_388 = vector.extract_strided_slice %add3A_359 {offsets = [0, 256], sizes = [400, 128], strides = [1, 1]} : vector<400x384xf32> to vector<400x128xf32>
    %slice3A_389 = vector.extract_strided_slice %add3A_369 {offsets = [0, 256], sizes = [400, 128], strides = [1, 1]} : vector<400x384xf32> to vector<400x128xf32>
    %mul3A_390 = arith.mulf %logistic3A_378, %slice3A_389 : vector<400x128xf32>
    %add3A_391 = arith.addf %slice3A_388, %mul3A_390 : vector<400x128xf32>
    %tanh3A_392 = math.tanh %add3A_391 : vector<400x128xf32>
    %sub3A_393 = arith.constant 1.000000e+00 : f32
    %sub3A_394 = vector.broadcast %sub3A_393 : f32 to vector<400x128xf32>
    %sub3A_395 = arith.subf %sub3A_394, %logistic3A_387 : vector<400x128xf32>
    %mul3A_396 = arith.mulf %sub3A_395, %tanh3A_392 : vector<400x128xf32>
    %mul3A_397 = arith.mulf %logistic3A_387, %add3A_296 : vector<400x128xf32>
    %add3A_398 = arith.addf %mul3A_396, %mul3A_397 : vector<400x128xf32>
    %get3A_399 = arith.constant 0 : index
    %get3A_400 = arith.constant 0 : index
    %get3A_401 = vector.load %arg8[%get3A_399, %get3A_400] : memref<128x128xf32, #tpu.memory_space<vmem>>, vector<128x128xf32>
    %dot_general3A_402 = arith.constant dense<0.000000e+00> : vector<400x128xf32>
    %dot_general3A_403 = tpu.matmul %add3A_398, %get3A_401, %dot_general3A_402 {dimension_numbers = #tpu.dot_dimension_numbers<[1], [0], [0], [1], [0, 0, 1, 1], [], []>, transpose_lhs_hint = false} : vector<400x128xf32>, vector<128x128xf32>, vector<400x128xf32> -> vector<400x128xf32>
    %get3A_404 = arith.constant 0 : index
    %get3A_405 = arith.constant 0 : index
    %get3A_406 = vector.load %arg12[%get3A_404, %get3A_405] : memref<1x128xf32, #tpu.memory_space<vmem>>, vector<1x128xf32>
    %add3A_407 = vector.broadcast %get3A_406 : vector<1x128xf32> to vector<400x128xf32>
    %add3A_408 = arith.addf %dot_general3A_403, %add3A_407 : vector<400x128xf32>
    %swap3A_409 = arith.constant 0 : index
    %swap3A_410 = arith.constant 3 : index
    %swap3A_411 = arith.constant 0 : index
    %swap3A_412 = vector.load %arg13[%swap3A_409, %swap3A_410, %swap3A_411] : memref<400x12x128xf32, #tpu.memory_space<vmem>>, vector<400x1x128xf32>
    %swap3A_413 = vector.shape_cast %swap3A_412 : vector<400x1x128xf32> to vector<400x128xf32>
    %swap3A_414 = vector.shape_cast %add3A_408 : vector<400x128xf32> to vector<400x1x128xf32>
    tpu.vector_store %arg13[%swap3A_409, %swap3A_410, %swap3A_411], %swap3A_414 {strides = array<i32>} : memref<400x12x128xf32, #tpu.memory_space<vmem>>, vector<400x1x128xf32>,
    %get3A_415 = arith.constant 0 : index
    %get3A_416 = arith.constant 4 : index
    %get3A_417 = arith.constant 0 : index
    %get3A_418 = vector.load %arg1[%get3A_415, %get3A_416, %get3A_417] : memref<400x12x128xf32, #tpu.memory_space<vmem>>, vector<400x1x128xf32>
    %get3A_419 = vector.shape_cast %get3A_418 : vector<400x1x128xf32> to vector<400x128xf32>
    %get3A_420 = arith.constant 4 : index
    %get3A_421 = arith.constant 0 : index
    %get3A_422 = arith.constant 0 : index
    %get3A_423 = vector.load %arg2[%get3A_420, %get3A_421, %get3A_422] : memref<24x400x128xf32, #tpu.memory_space<vmem>>, vector<1x400x128xf32>
    %get3A_424 = vector.shape_cast %get3A_423 : vector<1x400x128xf32> to vector<400x128xf32>
    %get3A_425 = arith.constant 16 : index
    %get3A_426 = arith.constant 0 : index
    %get3A_427 = arith.constant 0 : index
    %get3A_428 = vector.load %arg2[%get3A_425, %get3A_426, %get3A_427] : memref<24x400x128xf32, #tpu.memory_space<vmem>>, vector<1x400x128xf32>
    %get3A_429 = vector.shape_cast %get3A_428 : vector<1x400x128xf32> to vector<400x128xf32>
    %add3A_430 = arith.addf %get3A_424, %get3A_429 : vector<400x128xf32>
    %mul3A_431 = vector.broadcast %div3A_12 : vector<400x1xf32> to vector<400x128xf32>
    %mul3A_432 = arith.mulf %add3A_430, %mul3A_431 : vector<400x128xf32>
    %get3A_433 = arith.constant 0 : index
    %get3A_434 = arith.constant 0 : index
    %get3A_435 = vector.load %arg4[%get3A_433, %get3A_434] : memref<128x128xf32, #tpu.memory_space<vmem>>, vector<128x128xf32>
    %dot_general3A_436 = arith.constant dense<0.000000e+00> : vector<400x128xf32>
    %dot_general3A_437 = tpu.matmul %mul3A_432, %get3A_435, %dot_general3A_436 {dimension_numbers = #tpu.dot_dimension_numbers<[1], [0], [0], [1], [0, 0, 1, 1], [], []>, transpose_lhs_hint = false} : vector<400x128xf32>, vector<128x128xf32>, vector<400x128xf32> -> vector<400x128xf32>
    %get3A_438 = arith.constant 0 : index
    %get3A_439 = arith.constant 0 : index
    %get3A_440 = vector.load %arg5[%get3A_438, %get3A_439] : memref<128x128xf32, #tpu.memory_space<vmem>>, vector<128x128xf32>
    %dot_general3A_441 = arith.constant dense<0.000000e+00> : vector<400x128xf32>
    %dot_general3A_442 = tpu.matmul %get3A_419, %get3A_440, %dot_general3A_441 {dimension_numbers = #tpu.dot_dimension_numbers<[1], [0], [0], [1], [0, 0, 1, 1], [], []>, transpose_lhs_hint = false} : vector<400x128xf32>, vector<128x128xf32>, vector<400x128xf32> -> vector<400x128xf32>
    %add3A_443 = arith.addf %dot_general3A_437, %dot_general3A_442 : vector<400x128xf32>
    %get3A_444 = arith.constant 0 : index
    %get3A_445 = arith.constant 0 : index
    %get3A_446 = vector.load %arg9[%get3A_444, %get3A_445] : memref<1x128xf32, #tpu.memory_space<vmem>>, vector<1x128xf32>
    %add3A_447 = vector.broadcast %get3A_446 : vector<1x128xf32> to vector<400x128xf32>
    %add3A_448 = arith.addf %add3A_443, %add3A_447 : vector<400x128xf32>
    %max3A_449 = arith.constant 0.000000e+00 : f32
    %max3A_450 = vector.broadcast %max3A_449 : f32 to vector<400x128xf32>
    %max3A_451 = arith.maximumf %add3A_448, %max3A_450 : vector<400x128xf32>
    %get3A_452 = arith.constant 0 : index
    %get3A_453 = arith.constant 0 : index
    %get3A_454 = vector.load %arg6[%get3A_452, %get3A_453] : memref<128x384xf32, #tpu.memory_space<vmem>>, vector<128x384xf32>
    %dot_general3A_455 = arith.constant dense<0.000000e+00> : vector<400x384xf32>
    %dot_general3A_456 = tpu.matmul %max3A_451, %get3A_454, %dot_general3A_455 {dimension_numbers = #tpu.dot_dimension_numbers<[1], [0], [0], [1], [0, 0, 1, 1], [], []>, transpose_lhs_hint = false} : vector<400x128xf32>, vector<128x384xf32>, vector<400x384xf32> -> vector<400x384xf32>
    %get3A_457 = arith.constant 0 : index
    %get3A_458 = arith.constant 0 : index
    %get3A_459 = vector.load %arg10[%get3A_457, %get3A_458] : memref<1x384xf32, #tpu.memory_space<vmem>>, vector<1x384xf32>
    %add3A_460 = vector.broadcast %get3A_459 : vector<1x384xf32> to vector<400x384xf32>
    %add3A_461 = arith.addf %dot_general3A_456, %add3A_460 : vector<400x384xf32>
    %get3A_462 = arith.constant 0 : index
    %get3A_463 = arith.constant 0 : index
    %get3A_464 = vector.load %arg7[%get3A_462, %get3A_463] : memref<128x384xf32, #tpu.memory_space<vmem>>, vector<128x384xf32>
    %dot_general3A_465 = arith.constant dense<0.000000e+00> : vector<400x384xf32>
    %dot_general3A_466 = tpu.matmul %add3A_398, %get3A_464, %dot_general3A_465 {dimension_numbers = #tpu.dot_dimension_numbers<[1], [0], [0], [1], [0, 0, 1, 1], [], []>, transpose_lhs_hint = false} : vector<400x128xf32>, vector<128x384xf32>, vector<400x384xf32> -> vector<400x384xf32>
    %get3A_467 = arith.constant 0 : index
    %get3A_468 = arith.constant 0 : index
    %get3A_469 = vector.load %arg11[%get3A_467, %get3A_468] : memref<1x384xf32, #tpu.memory_space<vmem>>, vector<1x384xf32>
    %add3A_470 = vector.broadcast %get3A_469 : vector<1x384xf32> to vector<400x384xf32>
    %add3A_471 = arith.addf %dot_general3A_466, %add3A_470 : vector<400x384xf32>
    %slice3A_472 = vector.extract_strided_slice %add3A_461 {offsets = [0, 0], sizes = [400, 128], strides = [1, 1]} : vector<400x384xf32> to vector<400x128xf32>
    %slice3A_473 = vector.extract_strided_slice %add3A_471 {offsets = [0, 0], sizes = [400, 128], strides = [1, 1]} : vector<400x384xf32> to vector<400x128xf32>
    %add3A_474 = arith.addf %slice3A_472, %slice3A_473 : vector<400x128xf32>
    %logistic3A_475 = arith.negf %add3A_474 : vector<400x128xf32>
    %logistic3A_476 = math.exp %logistic3A_475 : vector<400x128xf32>
    %logistic3A_477 = arith.constant 1.000000e+00 : f32
    %logistic3A_478 = vector.broadcast %logistic3A_477 : f32 to vector<400x128xf32>
    %logistic3A_479 = arith.addf %logistic3A_478, %logistic3A_476 : vector<400x128xf32>
    %logistic3A_480 = arith.divf %logistic3A_478, %logistic3A_479 : vector<400x128xf32>
    %slice3A_481 = vector.extract_strided_slice %add3A_461 {offsets = [0, 128], sizes = [400, 128], strides = [1, 1]} : vector<400x384xf32> to vector<400x128xf32>
    %slice3A_482 = vector.extract_strided_slice %add3A_471 {offsets = [0, 128], sizes = [400, 128], strides = [1, 1]} : vector<400x384xf32> to vector<400x128xf32>
    %add3A_483 = arith.addf %slice3A_481, %slice3A_482 : vector<400x128xf32>
    %logistic3A_484 = arith.negf %add3A_483 : vector<400x128xf32>
    %logistic3A_485 = math.exp %logistic3A_484 : vector<400x128xf32>
    %logistic3A_486 = arith.constant 1.000000e+00 : f32
    %logistic3A_487 = vector.broadcast %logistic3A_486 : f32 to vector<400x128xf32>
    %logistic3A_488 = arith.addf %logistic3A_487, %logistic3A_485 : vector<400x128xf32>
    %logistic3A_489 = arith.divf %logistic3A_487, %logistic3A_488 : vector<400x128xf32>
    %slice3A_490 = vector.extract_strided_slice %add3A_461 {offsets = [0, 256], sizes = [400, 128], strides = [1, 1]} : vector<400x384xf32> to vector<400x128xf32>
    %slice3A_491 = vector.extract_strided_slice %add3A_471 {offsets = [0, 256], sizes = [400, 128], strides = [1, 1]} : vector<400x384xf32> to vector<400x128xf32>
    %mul3A_492 = arith.mulf %logistic3A_480, %slice3A_491 : vector<400x128xf32>
    %add3A_493 = arith.addf %slice3A_490, %mul3A_492 : vector<400x128xf32>
    %tanh3A_494 = math.tanh %add3A_493 : vector<400x128xf32>
    %sub3A_495 = arith.constant 1.000000e+00 : f32
    %sub3A_496 = vector.broadcast %sub3A_495 : f32 to vector<400x128xf32>
    %sub3A_497 = arith.subf %sub3A_496, %logistic3A_489 : vector<400x128xf32>
    %mul3A_498 = arith.mulf %sub3A_497, %tanh3A_494 : vector<400x128xf32>
    %mul3A_499 = arith.mulf %logistic3A_489, %add3A_398 : vector<400x128xf32>
    %add3A_500 = arith.addf %mul3A_498, %mul3A_499 : vector<400x128xf32>
    %get3A_501 = arith.constant 0 : index
    %get3A_502 = arith.constant 0 : index
    %get3A_503 = vector.load %arg8[%get3A_501, %get3A_502] : memref<128x128xf32, #tpu.memory_space<vmem>>, vector<128x128xf32>
    %dot_general3A_504 = arith.constant dense<0.000000e+00> : vector<400x128xf32>
    %dot_general3A_505 = tpu.matmul %add3A_500, %get3A_503, %dot_general3A_504 {dimension_numbers = #tpu.dot_dimension_numbers<[1], [0], [0], [1], [0, 0, 1, 1], [], []>, transpose_lhs_hint = false} : vector<400x128xf32>, vector<128x128xf32>, vector<400x128xf32> -> vector<400x128xf32>
    %get3A_506 = arith.constant 0 : index
    %get3A_507 = arith.constant 0 : index
    %get3A_508 = vector.load %arg12[%get3A_506, %get3A_507] : memref<1x128xf32, #tpu.memory_space<vmem>>, vector<1x128xf32>
    %add3A_509 = vector.broadcast %get3A_508 : vector<1x128xf32> to vector<400x128xf32>
    %add3A_510 = arith.addf %dot_general3A_505, %add3A_509 : vector<400x128xf32>
    %swap3A_511 = arith.constant 0 : index
    %swap3A_512 = arith.constant 4 : index
    %swap3A_513 = arith.constant 0 : index
    %swap3A_514 = vector.load %arg13[%swap3A_511, %swap3A_512, %swap3A_513] : memref<400x12x128xf32, #tpu.memory_space<vmem>>, vector<400x1x128xf32>
    %swap3A_515 = vector.shape_cast %swap3A_514 : vector<400x1x128xf32> to vector<400x128xf32>
    %swap3A_516 = vector.shape_cast %add3A_510 : vector<400x128xf32> to vector<400x1x128xf32>
    tpu.vector_store %arg13[%swap3A_511, %swap3A_512, %swap3A_513], %swap3A_516 {strides = array<i32>} : memref<400x12x128xf32, #tpu.memory_space<vmem>>, vector<400x1x128xf32>,
    %get3A_517 = arith.constant 0 : index
    %get3A_518 = arith.constant 5 : index
    %get3A_519 = arith.constant 0 : index
    %get3A_520 = vector.load %arg1[%get3A_517, %get3A_518, %get3A_519] : memref<400x12x128xf32, #tpu.memory_space<vmem>>, vector<400x1x128xf32>
    %get3A_521 = vector.shape_cast %get3A_520 : vector<400x1x128xf32> to vector<400x128xf32>
    %get3A_522 = arith.constant 5 : index
    %get3A_523 = arith.constant 0 : index
    %get3A_524 = arith.constant 0 : index
    %get3A_525 = vector.load %arg2[%get3A_522, %get3A_523, %get3A_524] : memref<24x400x128xf32, #tpu.memory_space<vmem>>, vector<1x400x128xf32>
    %get3A_526 = vector.shape_cast %get3A_525 : vector<1x400x128xf32> to vector<400x128xf32>
    %get3A_527 = arith.constant 17 : index
    %get3A_528 = arith.constant 0 : index
    %get3A_529 = arith.constant 0 : index
    %get3A_530 = vector.load %arg2[%get3A_527, %get3A_528, %get3A_529] : memref<24x400x128xf32, #tpu.memory_space<vmem>>, vector<1x400x128xf32>
    %get3A_531 = vector.shape_cast %get3A_530 : vector<1x400x128xf32> to vector<400x128xf32>
    %add3A_532 = arith.addf %get3A_526, %get3A_531 : vector<400x128xf32>
    %mul3A_533 = vector.broadcast %div3A_12 : vector<400x1xf32> to vector<400x128xf32>
    %mul3A_534 = arith.mulf %add3A_532, %mul3A_533 : vector<400x128xf32>
    %get3A_535 = arith.constant 0 : index
    %get3A_536 = arith.constant 0 : index
    %get3A_537 = vector.load %arg4[%get3A_535, %get3A_536] : memref<128x128xf32, #tpu.memory_space<vmem>>, vector<128x128xf32>
    %dot_general3A_538 = arith.constant dense<0.000000e+00> : vector<400x128xf32>
    %dot_general3A_539 = tpu.matmul %mul3A_534, %get3A_537, %dot_general3A_538 {dimension_numbers = #tpu.dot_dimension_numbers<[1], [0], [0], [1], [0, 0, 1, 1], [], []>, transpose_lhs_hint = false} : vector<400x128xf32>, vector<128x128xf32>, vector<400x128xf32> -> vector<400x128xf32>
    %get3A_540 = arith.constant 0 : index
    %get3A_541 = arith.constant 0 : index
    %get3A_542 = vector.load %arg5[%get3A_540, %get3A_541] : memref<128x128xf32, #tpu.memory_space<vmem>>, vector<128x128xf32>
    %dot_general3A_543 = arith.constant dense<0.000000e+00> : vector<400x128xf32>
    %dot_general3A_544 = tpu.matmul %get3A_521, %get3A_542, %dot_general3A_543 {dimension_numbers = #tpu.dot_dimension_numbers<[1], [0], [0], [1], [0, 0, 1, 1], [], []>, transpose_lhs_hint = false} : vector<400x128xf32>, vector<128x128xf32>, vector<400x128xf32> -> vector<400x128xf32>
    %add3A_545 = arith.addf %dot_general3A_539, %dot_general3A_544 : vector<400x128xf32>
    %get3A_546 = arith.constant 0 : index
    %get3A_547 = arith.constant 0 : index
    %get3A_548 = vector.load %arg9[%get3A_546, %get3A_547] : memref<1x128xf32, #tpu.memory_space<vmem>>, vector<1x128xf32>
    %add3A_549 = vector.broadcast %get3A_548 : vector<1x128xf32> to vector<400x128xf32>
    %add3A_550 = arith.addf %add3A_545, %add3A_549 : vector<400x128xf32>
    %max3A_551 = arith.constant 0.000000e+00 : f32
    %max3A_552 = vector.broadcast %max3A_551 : f32 to vector<400x128xf32>
    %max3A_553 = arith.maximumf %add3A_550, %max3A_552 : vector<400x128xf32>
    %get3A_554 = arith.constant 0 : index
    %get3A_555 = arith.constant 0 : index
    %get3A_556 = vector.load %arg6[%get3A_554, %get3A_555] : memref<128x384xf32, #tpu.memory_space<vmem>>, vector<128x384xf32>
    %dot_general3A_557 = arith.constant dense<0.000000e+00> : vector<400x384xf32>
    %dot_general3A_558 = tpu.matmul %max3A_553, %get3A_556, %dot_general3A_557 {dimension_numbers = #tpu.dot_dimension_numbers<[1], [0], [0], [1], [0, 0, 1, 1], [], []>, transpose_lhs_hint = false} : vector<400x128xf32>, vector<128x384xf32>, vector<400x384xf32> -> vector<400x384xf32>
    %get3A_559 = arith.constant 0 : index
    %get3A_560 = arith.constant 0 : index
    %get3A_561 = vector.load %arg10[%get3A_559, %get3A_560] : memref<1x384xf32, #tpu.memory_space<vmem>>, vector<1x384xf32>
    %add3A_562 = vector.broadcast %get3A_561 : vector<1x384xf32> to vector<400x384xf32>
    %add3A_563 = arith.addf %dot_general3A_558, %add3A_562 : vector<400x384xf32>
    %get3A_564 = arith.constant 0 : index
    %get3A_565 = arith.constant 0 : index
    %get3A_566 = vector.load %arg7[%get3A_564, %get3A_565] : memref<128x384xf32, #tpu.memory_space<vmem>>, vector<128x384xf32>
    %dot_general3A_567 = arith.constant dense<0.000000e+00> : vector<400x384xf32>
    %dot_general3A_568 = tpu.matmul %add3A_500, %get3A_566, %dot_general3A_567 {dimension_numbers = #tpu.dot_dimension_numbers<[1], [0], [0], [1], [0, 0, 1, 1], [], []>, transpose_lhs_hint = false} : vector<400x128xf32>, vector<128x384xf32>, vector<400x384xf32> -> vector<400x384xf32>
    %get3A_569 = arith.constant 0 : index
    %get3A_570 = arith.constant 0 : index
    %get3A_571 = vector.load %arg11[%get3A_569, %get3A_570] : memref<1x384xf32, #tpu.memory_space<vmem>>, vector<1x384xf32>
    %add3A_572 = vector.broadcast %get3A_571 : vector<1x384xf32> to vector<400x384xf32>
    %add3A_573 = arith.addf %dot_general3A_568, %add3A_572 : vector<400x384xf32>
    %slice3A_574 = vector.extract_strided_slice %add3A_563 {offsets = [0, 0], sizes = [400, 128], strides = [1, 1]} : vector<400x384xf32> to vector<400x128xf32>
    %slice3A_575 = vector.extract_strided_slice %add3A_573 {offsets = [0, 0], sizes = [400, 128], strides = [1, 1]} : vector<400x384xf32> to vector<400x128xf32>
    %add3A_576 = arith.addf %slice3A_574, %slice3A_575 : vector<400x128xf32>
    %logistic3A_577 = arith.negf %add3A_576 : vector<400x128xf32>
    %logistic3A_578 = math.exp %logistic3A_577 : vector<400x128xf32>
    %logistic3A_579 = arith.constant 1.000000e+00 : f32
    %logistic3A_580 = vector.broadcast %logistic3A_579 : f32 to vector<400x128xf32>
    %logistic3A_581 = arith.addf %logistic3A_580, %logistic3A_578 : vector<400x128xf32>
    %logistic3A_582 = arith.divf %logistic3A_580, %logistic3A_581 : vector<400x128xf32>
    %slice3A_583 = vector.extract_strided_slice %add3A_563 {offsets = [0, 128], sizes = [400, 128], strides = [1, 1]} : vector<400x384xf32> to vector<400x128xf32>
    %slice3A_584 = vector.extract_strided_slice %add3A_573 {offsets = [0, 128], sizes = [400, 128], strides = [1, 1]} : vector<400x384xf32> to vector<400x128xf32>
    %add3A_585 = arith.addf %slice3A_583, %slice3A_584 : vector<400x128xf32>
    %logistic3A_586 = arith.negf %add3A_585 : vector<400x128xf32>
    %logistic3A_587 = math.exp %logistic3A_586 : vector<400x128xf32>
    %logistic3A_588 = arith.constant 1.000000e+00 : f32
    %logistic3A_589 = vector.broadcast %logistic3A_588 : f32 to vector<400x128xf32>
    %logistic3A_590 = arith.addf %logistic3A_589, %logistic3A_587 : vector<400x128xf32>
    %logistic3A_591 = arith.divf %logistic3A_589, %logistic3A_590 : vector<400x128xf32>
    %slice3A_592 = vector.extract_strided_slice %add3A_563 {offsets = [0, 256], sizes = [400, 128], strides = [1, 1]} : vector<400x384xf32> to vector<400x128xf32>
    %slice3A_593 = vector.extract_strided_slice %add3A_573 {offsets = [0, 256], sizes = [400, 128], strides = [1, 1]} : vector<400x384xf32> to vector<400x128xf32>
    %mul3A_594 = arith.mulf %logistic3A_582, %slice3A_593 : vector<400x128xf32>
    %add3A_595 = arith.addf %slice3A_592, %mul3A_594 : vector<400x128xf32>
    %tanh3A_596 = math.tanh %add3A_595 : vector<400x128xf32>
    %sub3A_597 = arith.constant 1.000000e+00 : f32
    %sub3A_598 = vector.broadcast %sub3A_597 : f32 to vector<400x128xf32>
    %sub3A_599 = arith.subf %sub3A_598, %logistic3A_591 : vector<400x128xf32>
    %mul3A_600 = arith.mulf %sub3A_599, %tanh3A_596 : vector<400x128xf32>
    %mul3A_601 = arith.mulf %logistic3A_591, %add3A_500 : vector<400x128xf32>
    %add3A_602 = arith.addf %mul3A_600, %mul3A_601 : vector<400x128xf32>
    %get3A_603 = arith.constant 0 : index
    %get3A_604 = arith.constant 0 : index
    %get3A_605 = vector.load %arg8[%get3A_603, %get3A_604] : memref<128x128xf32, #tpu.memory_space<vmem>>, vector<128x128xf32>
    %dot_general3A_606 = arith.constant dense<0.000000e+00> : vector<400x128xf32>
    %dot_general3A_607 = tpu.matmul %add3A_602, %get3A_605, %dot_general3A_606 {dimension_numbers = #tpu.dot_dimension_numbers<[1], [0], [0], [1], [0, 0, 1, 1], [], []>, transpose_lhs_hint = false} : vector<400x128xf32>, vector<128x128xf32>, vector<400x128xf32> -> vector<400x128xf32>
    %get3A_608 = arith.constant 0 : index
    %get3A_609 = arith.constant 0 : index
    %get3A_610 = vector.load %arg12[%get3A_608, %get3A_609] : memref<1x128xf32, #tpu.memory_space<vmem>>, vector<1x128xf32>
    %add3A_611 = vector.broadcast %get3A_610 : vector<1x128xf32> to vector<400x128xf32>
    %add3A_612 = arith.addf %dot_general3A_607, %add3A_611 : vector<400x128xf32>
    %swap3A_613 = arith.constant 0 : index
    %swap3A_614 = arith.constant 5 : index
    %swap3A_615 = arith.constant 0 : index
    %swap3A_616 = vector.load %arg13[%swap3A_613, %swap3A_614, %swap3A_615] : memref<400x12x128xf32, #tpu.memory_space<vmem>>, vector<400x1x128xf32>
    %swap3A_617 = vector.shape_cast %swap3A_616 : vector<400x1x128xf32> to vector<400x128xf32>
    %swap3A_618 = vector.shape_cast %add3A_612 : vector<400x128xf32> to vector<400x1x128xf32>
    tpu.vector_store %arg13[%swap3A_613, %swap3A_614, %swap3A_615], %swap3A_618 {strides = array<i32>} : memref<400x12x128xf32, #tpu.memory_space<vmem>>, vector<400x1x128xf32>,
    %get3A_619 = arith.constant 0 : index
    %get3A_620 = arith.constant 6 : index
    %get3A_621 = arith.constant 0 : index
    %get3A_622 = vector.load %arg1[%get3A_619, %get3A_620, %get3A_621] : memref<400x12x128xf32, #tpu.memory_space<vmem>>, vector<400x1x128xf32>
    %get3A_623 = vector.shape_cast %get3A_622 : vector<400x1x128xf32> to vector<400x128xf32>
    %get3A_624 = arith.constant 6 : index
    %get3A_625 = arith.constant 0 : index
    %get3A_626 = arith.constant 0 : index
    %get3A_627 = vector.load %arg2[%get3A_624, %get3A_625, %get3A_626] : memref<24x400x128xf32, #tpu.memory_space<vmem>>, vector<1x400x128xf32>
    %get3A_628 = vector.shape_cast %get3A_627 : vector<1x400x128xf32> to vector<400x128xf32>
    %get3A_629 = arith.constant 18 : index
    %get3A_630 = arith.constant 0 : index
    %get3A_631 = arith.constant 0 : index
    %get3A_632 = vector.load %arg2[%get3A_629, %get3A_630, %get3A_631] : memref<24x400x128xf32, #tpu.memory_space<vmem>>, vector<1x400x128xf32>
    %get3A_633 = vector.shape_cast %get3A_632 : vector<1x400x128xf32> to vector<400x128xf32>
    %add3A_634 = arith.addf %get3A_628, %get3A_633 : vector<400x128xf32>
    %mul3A_635 = vector.broadcast %div3A_12 : vector<400x1xf32> to vector<400x128xf32>
    %mul3A_636 = arith.mulf %add3A_634, %mul3A_635 : vector<400x128xf32>
    %get3A_637 = arith.constant 0 : index
    %get3A_638 = arith.constant 0 : index
    %get3A_639 = vector.load %arg4[%get3A_637, %get3A_638] : memref<128x128xf32, #tpu.memory_space<vmem>>, vector<128x128xf32>
    %dot_general3A_640 = arith.constant dense<0.000000e+00> : vector<400x128xf32>
    %dot_general3A_641 = tpu.matmul %mul3A_636, %get3A_639, %dot_general3A_640 {dimension_numbers = #tpu.dot_dimension_numbers<[1], [0], [0], [1], [0, 0, 1, 1], [], []>, transpose_lhs_hint = false} : vector<400x128xf32>, vector<128x128xf32>, vector<400x128xf32> -> vector<400x128xf32>
    %get3A_642 = arith.constant 0 : index
    %get3A_643 = arith.constant 0 : index
    %get3A_644 = vector.load %arg5[%get3A_642, %get3A_643] : memref<128x128xf32, #tpu.memory_space<vmem>>, vector<128x128xf32>
    %dot_general3A_645 = arith.constant dense<0.000000e+00> : vector<400x128xf32>
    %dot_general3A_646 = tpu.matmul %get3A_623, %get3A_644, %dot_general3A_645 {dimension_numbers = #tpu.dot_dimension_numbers<[1], [0], [0], [1], [0, 0, 1, 1], [], []>, transpose_lhs_hint = false} : vector<400x128xf32>, vector<128x128xf32>, vector<400x128xf32> -> vector<400x128xf32>
    %add3A_647 = arith.addf %dot_general3A_641, %dot_general3A_646 : vector<400x128xf32>
    %get3A_648 = arith.constant 0 : index
    %get3A_649 = arith.constant 0 : index
    %get3A_650 = vector.load %arg9[%get3A_648, %get3A_649] : memref<1x128xf32, #tpu.memory_space<vmem>>, vector<1x128xf32>
    %add3A_651 = vector.broadcast %get3A_650 : vector<1x128xf32> to vector<400x128xf32>
    %add3A_652 = arith.addf %add3A_647, %add3A_651 : vector<400x128xf32>
    %max3A_653 = arith.constant 0.000000e+00 : f32
    %max3A_654 = vector.broadcast %max3A_653 : f32 to vector<400x128xf32>
    %max3A_655 = arith.maximumf %add3A_652, %max3A_654 : vector<400x128xf32>
    %get3A_656 = arith.constant 0 : index
    %get3A_657 = arith.constant 0 : index
    %get3A_658 = vector.load %arg6[%get3A_656, %get3A_657] : memref<128x384xf32, #tpu.memory_space<vmem>>, vector<128x384xf32>
    %dot_general3A_659 = arith.constant dense<0.000000e+00> : vector<400x384xf32>
    %dot_general3A_660 = tpu.matmul %max3A_655, %get3A_658, %dot_general3A_659 {dimension_numbers = #tpu.dot_dimension_numbers<[1], [0], [0], [1], [0, 0, 1, 1], [], []>, transpose_lhs_hint = false} : vector<400x128xf32>, vector<128x384xf32>, vector<400x384xf32> -> vector<400x384xf32>
    %get3A_661 = arith.constant 0 : index
    %get3A_662 = arith.constant 0 : index
    %get3A_663 = vector.load %arg10[%get3A_661, %get3A_662] : memref<1x384xf32, #tpu.memory_space<vmem>>, vector<1x384xf32>
    %add3A_664 = vector.broadcast %get3A_663 : vector<1x384xf32> to vector<400x384xf32>
    %add3A_665 = arith.addf %dot_general3A_660, %add3A_664 : vector<400x384xf32>
    %get3A_666 = arith.constant 0 : index
    %get3A_667 = arith.constant 0 : index
    %get3A_668 = vector.load %arg7[%get3A_666, %get3A_667] : memref<128x384xf32, #tpu.memory_space<vmem>>, vector<128x384xf32>
    %dot_general3A_669 = arith.constant dense<0.000000e+00> : vector<400x384xf32>
    %dot_general3A_670 = tpu.matmul %add3A_602, %get3A_668, %dot_general3A_669 {dimension_numbers = #tpu.dot_dimension_numbers<[1], [0], [0], [1], [0, 0, 1, 1], [], []>, transpose_lhs_hint = false} : vector<400x128xf32>, vector<128x384xf32>, vector<400x384xf32> -> vector<400x384xf32>
    %get3A_671 = arith.constant 0 : index
    %get3A_672 = arith.constant 0 : index
    %get3A_673 = vector.load %arg11[%get3A_671, %get3A_672] : memref<1x384xf32, #tpu.memory_space<vmem>>, vector<1x384xf32>
    %add3A_674 = vector.broadcast %get3A_673 : vector<1x384xf32> to vector<400x384xf32>
    %add3A_675 = arith.addf %dot_general3A_670, %add3A_674 : vector<400x384xf32>
    %slice3A_676 = vector.extract_strided_slice %add3A_665 {offsets = [0, 0], sizes = [400, 128], strides = [1, 1]} : vector<400x384xf32> to vector<400x128xf32>
    %slice3A_677 = vector.extract_strided_slice %add3A_675 {offsets = [0, 0], sizes = [400, 128], strides = [1, 1]} : vector<400x384xf32> to vector<400x128xf32>
    %add3A_678 = arith.addf %slice3A_676, %slice3A_677 : vector<400x128xf32>
    %logistic3A_679 = arith.negf %add3A_678 : vector<400x128xf32>
    %logistic3A_680 = math.exp %logistic3A_679 : vector<400x128xf32>
    %logistic3A_681 = arith.constant 1.000000e+00 : f32
    %logistic3A_682 = vector.broadcast %logistic3A_681 : f32 to vector<400x128xf32>
    %logistic3A_683 = arith.addf %logistic3A_682, %logistic3A_680 : vector<400x128xf32>
    %logistic3A_684 = arith.divf %logistic3A_682, %logistic3A_683 : vector<400x128xf32>
    %slice3A_685 = vector.extract_strided_slice %add3A_665 {offsets = [0, 128], sizes = [400, 128], strides = [1, 1]} : vector<400x384xf32> to vector<400x128xf32>
    %slice3A_686 = vector.extract_strided_slice %add3A_675 {offsets = [0, 128], sizes = [400, 128], strides = [1, 1]} : vector<400x384xf32> to vector<400x128xf32>
    %add3A_687 = arith.addf %slice3A_685, %slice3A_686 : vector<400x128xf32>
    %logistic3A_688 = arith.negf %add3A_687 : vector<400x128xf32>
    %logistic3A_689 = math.exp %logistic3A_688 : vector<400x128xf32>
    %logistic3A_690 = arith.constant 1.000000e+00 : f32
    %logistic3A_691 = vector.broadcast %logistic3A_690 : f32 to vector<400x128xf32>
    %logistic3A_692 = arith.addf %logistic3A_691, %logistic3A_689 : vector<400x128xf32>
    %logistic3A_693 = arith.divf %logistic3A_691, %logistic3A_692 : vector<400x128xf32>
    %slice3A_694 = vector.extract_strided_slice %add3A_665 {offsets = [0, 256], sizes = [400, 128], strides = [1, 1]} : vector<400x384xf32> to vector<400x128xf32>
    %slice3A_695 = vector.extract_strided_slice %add3A_675 {offsets = [0, 256], sizes = [400, 128], strides = [1, 1]} : vector<400x384xf32> to vector<400x128xf32>
    %mul3A_696 = arith.mulf %logistic3A_684, %slice3A_695 : vector<400x128xf32>
    %add3A_697 = arith.addf %slice3A_694, %mul3A_696 : vector<400x128xf32>
    %tanh3A_698 = math.tanh %add3A_697 : vector<400x128xf32>
    %sub3A_699 = arith.constant 1.000000e+00 : f32
    %sub3A_700 = vector.broadcast %sub3A_699 : f32 to vector<400x128xf32>
    %sub3A_701 = arith.subf %sub3A_700, %logistic3A_693 : vector<400x128xf32>
    %mul3A_702 = arith.mulf %sub3A_701, %tanh3A_698 : vector<400x128xf32>
    %mul3A_703 = arith.mulf %logistic3A_693, %add3A_602 : vector<400x128xf32>
    %add3A_704 = arith.addf %mul3A_702, %mul3A_703 : vector<400x128xf32>
    %get3A_705 = arith.constant 0 : index
    %get3A_706 = arith.constant 0 : index
    %get3A_707 = vector.load %arg8[%get3A_705, %get3A_706] : memref<128x128xf32, #tpu.memory_space<vmem>>, vector<128x128xf32>
    %dot_general3A_708 = arith.constant dense<0.000000e+00> : vector<400x128xf32>
    %dot_general3A_709 = tpu.matmul %add3A_704, %get3A_707, %dot_general3A_708 {dimension_numbers = #tpu.dot_dimension_numbers<[1], [0], [0], [1], [0, 0, 1, 1], [], []>, transpose_lhs_hint = false} : vector<400x128xf32>, vector<128x128xf32>, vector<400x128xf32> -> vector<400x128xf32>
    %get3A_710 = arith.constant 0 : index
    %get3A_711 = arith.constant 0 : index
    %get3A_712 = vector.load %arg12[%get3A_710, %get3A_711] : memref<1x128xf32, #tpu.memory_space<vmem>>, vector<1x128xf32>
    %add3A_713 = vector.broadcast %get3A_712 : vector<1x128xf32> to vector<400x128xf32>
    %add3A_714 = arith.addf %dot_general3A_709, %add3A_713 : vector<400x128xf32>
    %swap3A_715 = arith.constant 0 : index
    %swap3A_716 = arith.constant 6 : index
    %swap3A_717 = arith.constant 0 : index
    %swap3A_718 = vector.load %arg13[%swap3A_715, %swap3A_716, %swap3A_717] : memref<400x12x128xf32, #tpu.memory_space<vmem>>, vector<400x1x128xf32>
    %swap3A_719 = vector.shape_cast %swap3A_718 : vector<400x1x128xf32> to vector<400x128xf32>
    %swap3A_720 = vector.shape_cast %add3A_714 : vector<400x128xf32> to vector<400x1x128xf32>
    tpu.vector_store %arg13[%swap3A_715, %swap3A_716, %swap3A_717], %swap3A_720 {strides = array<i32>} : memref<400x12x128xf32, #tpu.memory_space<vmem>>, vector<400x1x128xf32>,
    %get3A_721 = arith.constant 0 : index
    %get3A_722 = arith.constant 7 : index
    %get3A_723 = arith.constant 0 : index
    %get3A_724 = vector.load %arg1[%get3A_721, %get3A_722, %get3A_723] : memref<400x12x128xf32, #tpu.memory_space<vmem>>, vector<400x1x128xf32>
    %get3A_725 = vector.shape_cast %get3A_724 : vector<400x1x128xf32> to vector<400x128xf32>
    %get3A_726 = arith.constant 7 : index
    %get3A_727 = arith.constant 0 : index
    %get3A_728 = arith.constant 0 : index
    %get3A_729 = vector.load %arg2[%get3A_726, %get3A_727, %get3A_728] : memref<24x400x128xf32, #tpu.memory_space<vmem>>, vector<1x400x128xf32>
    %get3A_730 = vector.shape_cast %get3A_729 : vector<1x400x128xf32> to vector<400x128xf32>
    %get3A_731 = arith.constant 19 : index
    %get3A_732 = arith.constant 0 : index
    %get3A_733 = arith.constant 0 : index
    %get3A_734 = vector.load %arg2[%get3A_731, %get3A_732, %get3A_733] : memref<24x400x128xf32, #tpu.memory_space<vmem>>, vector<1x400x128xf32>
    %get3A_735 = vector.shape_cast %get3A_734 : vector<1x400x128xf32> to vector<400x128xf32>
    %add3A_736 = arith.addf %get3A_730, %get3A_735 : vector<400x128xf32>
    %mul3A_737 = vector.broadcast %div3A_12 : vector<400x1xf32> to vector<400x128xf32>
    %mul3A_738 = arith.mulf %add3A_736, %mul3A_737 : vector<400x128xf32>
    %get3A_739 = arith.constant 0 : index
    %get3A_740 = arith.constant 0 : index
    %get3A_741 = vector.load %arg4[%get3A_739, %get3A_740] : memref<128x128xf32, #tpu.memory_space<vmem>>, vector<128x128xf32>
    %dot_general3A_742 = arith.constant dense<0.000000e+00> : vector<400x128xf32>
    %dot_general3A_743 = tpu.matmul %mul3A_738, %get3A_741, %dot_general3A_742 {dimension_numbers = #tpu.dot_dimension_numbers<[1], [0], [0], [1], [0, 0, 1, 1], [], []>, transpose_lhs_hint = false} : vector<400x128xf32>, vector<128x128xf32>, vector<400x128xf32> -> vector<400x128xf32>
    %get3A_744 = arith.constant 0 : index
    %get3A_745 = arith.constant 0 : index
    %get3A_746 = vector.load %arg5[%get3A_744, %get3A_745] : memref<128x128xf32, #tpu.memory_space<vmem>>, vector<128x128xf32>
    %dot_general3A_747 = arith.constant dense<0.000000e+00> : vector<400x128xf32>
    %dot_general3A_748 = tpu.matmul %get3A_725, %get3A_746, %dot_general3A_747 {dimension_numbers = #tpu.dot_dimension_numbers<[1], [0], [0], [1], [0, 0, 1, 1], [], []>, transpose_lhs_hint = false} : vector<400x128xf32>, vector<128x128xf32>, vector<400x128xf32> -> vector<400x128xf32>
    %add3A_749 = arith.addf %dot_general3A_743, %dot_general3A_748 : vector<400x128xf32>
    %get3A_750 = arith.constant 0 : index
    %get3A_751 = arith.constant 0 : index
    %get3A_752 = vector.load %arg9[%get3A_750, %get3A_751] : memref<1x128xf32, #tpu.memory_space<vmem>>, vector<1x128xf32>
    %add3A_753 = vector.broadcast %get3A_752 : vector<1x128xf32> to vector<400x128xf32>
    %add3A_754 = arith.addf %add3A_749, %add3A_753 : vector<400x128xf32>
    %max3A_755 = arith.constant 0.000000e+00 : f32
    %max3A_756 = vector.broadcast %max3A_755 : f32 to vector<400x128xf32>
    %max3A_757 = arith.maximumf %add3A_754, %max3A_756 : vector<400x128xf32>
    %get3A_758 = arith.constant 0 : index
    %get3A_759 = arith.constant 0 : index
    %get3A_760 = vector.load %arg6[%get3A_758, %get3A_759] : memref<128x384xf32, #tpu.memory_space<vmem>>, vector<128x384xf32>
    %dot_general3A_761 = arith.constant dense<0.000000e+00> : vector<400x384xf32>
    %dot_general3A_762 = tpu.matmul %max3A_757, %get3A_760, %dot_general3A_761 {dimension_numbers = #tpu.dot_dimension_numbers<[1], [0], [0], [1], [0, 0, 1, 1], [], []>, transpose_lhs_hint = false} : vector<400x128xf32>, vector<128x384xf32>, vector<400x384xf32> -> vector<400x384xf32>
    %get3A_763 = arith.constant 0 : index
    %get3A_764 = arith.constant 0 : index
    %get3A_765 = vector.load %arg10[%get3A_763, %get3A_764] : memref<1x384xf32, #tpu.memory_space<vmem>>, vector<1x384xf32>
    %add3A_766 = vector.broadcast %get3A_765 : vector<1x384xf32> to vector<400x384xf32>
    %add3A_767 = arith.addf %dot_general3A_762, %add3A_766 : vector<400x384xf32>
    %get3A_768 = arith.constant 0 : index
    %get3A_769 = arith.constant 0 : index
    %get3A_770 = vector.load %arg7[%get3A_768, %get3A_769] : memref<128x384xf32, #tpu.memory_space<vmem>>, vector<128x384xf32>
    %dot_general3A_771 = arith.constant dense<0.000000e+00> : vector<400x384xf32>
    %dot_general3A_772 = tpu.matmul %add3A_704, %get3A_770, %dot_general3A_771 {dimension_numbers = #tpu.dot_dimension_numbers<[1], [0], [0], [1], [0, 0, 1, 1], [], []>, transpose_lhs_hint = false} : vector<400x128xf32>, vector<128x384xf32>, vector<400x384xf32> -> vector<400x384xf32>
    %get3A_773 = arith.constant 0 : index
    %get3A_774 = arith.constant 0 : index
    %get3A_775 = vector.load %arg11[%get3A_773, %get3A_774] : memref<1x384xf32, #tpu.memory_space<vmem>>, vector<1x384xf32>
    %add3A_776 = vector.broadcast %get3A_775 : vector<1x384xf32> to vector<400x384xf32>
    %add3A_777 = arith.addf %dot_general3A_772, %add3A_776 : vector<400x384xf32>
    %slice3A_778 = vector.extract_strided_slice %add3A_767 {offsets = [0, 0], sizes = [400, 128], strides = [1, 1]} : vector<400x384xf32> to vector<400x128xf32>
    %slice3A_779 = vector.extract_strided_slice %add3A_777 {offsets = [0, 0], sizes = [400, 128], strides = [1, 1]} : vector<400x384xf32> to vector<400x128xf32>
    %add3A_780 = arith.addf %slice3A_778, %slice3A_779 : vector<400x128xf32>
    %logistic3A_781 = arith.negf %add3A_780 : vector<400x128xf32>
    %logistic3A_782 = math.exp %logistic3A_781 : vector<400x128xf32>
    %logistic3A_783 = arith.constant 1.000000e+00 : f32
    %logistic3A_784 = vector.broadcast %logistic3A_783 : f32 to vector<400x128xf32>
    %logistic3A_785 = arith.addf %logistic3A_784, %logistic3A_782 : vector<400x128xf32>
    %logistic3A_786 = arith.divf %logistic3A_784, %logistic3A_785 : vector<400x128xf32>
    %slice3A_787 = vector.extract_strided_slice %add3A_767 {offsets = [0, 128], sizes = [400, 128], strides = [1, 1]} : vector<400x384xf32> to vector<400x128xf32>
    %slice3A_788 = vector.extract_strided_slice %add3A_777 {offsets = [0, 128], sizes = [400, 128], strides = [1, 1]} : vector<400x384xf32> to vector<400x128xf32>
    %add3A_789 = arith.addf %slice3A_787, %slice3A_788 : vector<400x128xf32>
    %logistic3A_790 = arith.negf %add3A_789 : vector<400x128xf32>
    %logistic3A_791 = math.exp %logistic3A_790 : vector<400x128xf32>
    %logistic3A_792 = arith.constant 1.000000e+00 : f32
    %logistic3A_793 = vector.broadcast %logistic3A_792 : f32 to vector<400x128xf32>
    %logistic3A_794 = arith.addf %logistic3A_793, %logistic3A_791 : vector<400x128xf32>
    %logistic3A_795 = arith.divf %logistic3A_793, %logistic3A_794 : vector<400x128xf32>
    %slice3A_796 = vector.extract_strided_slice %add3A_767 {offsets = [0, 256], sizes = [400, 128], strides = [1, 1]} : vector<400x384xf32> to vector<400x128xf32>
    %slice3A_797 = vector.extract_strided_slice %add3A_777 {offsets = [0, 256], sizes = [400, 128], strides = [1, 1]} : vector<400x384xf32> to vector<400x128xf32>
    %mul3A_798 = arith.mulf %logistic3A_786, %slice3A_797 : vector<400x128xf32>
    %add3A_799 = arith.addf %slice3A_796, %mul3A_798 : vector<400x128xf32>
    %tanh3A_800 = math.tanh %add3A_799 : vector<400x128xf32>
    %sub3A_801 = arith.constant 1.000000e+00 : f32
    %sub3A_802 = vector.broadcast %sub3A_801 : f32 to vector<400x128xf32>
    %sub3A_803 = arith.subf %sub3A_802, %logistic3A_795 : vector<400x128xf32>
    %mul3A_804 = arith.mulf %sub3A_803, %tanh3A_800 : vector<400x128xf32>
    %mul3A_805 = arith.mulf %logistic3A_795, %add3A_704 : vector<400x128xf32>
    %add3A_806 = arith.addf %mul3A_804, %mul3A_805 : vector<400x128xf32>
    %get3A_807 = arith.constant 0 : index
    %get3A_808 = arith.constant 0 : index
    %get3A_809 = vector.load %arg8[%get3A_807, %get3A_808] : memref<128x128xf32, #tpu.memory_space<vmem>>, vector<128x128xf32>
    %dot_general3A_810 = arith.constant dense<0.000000e+00> : vector<400x128xf32>
    %dot_general3A_811 = tpu.matmul %add3A_806, %get3A_809, %dot_general3A_810 {dimension_numbers = #tpu.dot_dimension_numbers<[1], [0], [0], [1], [0, 0, 1, 1], [], []>, transpose_lhs_hint = false} : vector<400x128xf32>, vector<128x128xf32>, vector<400x128xf32> -> vector<400x128xf32>
    %get3A_812 = arith.constant 0 : index
    %get3A_813 = arith.constant 0 : index
    %get3A_814 = vector.load %arg12[%get3A_812, %get3A_813] : memref<1x128xf32, #tpu.memory_space<vmem>>, vector<1x128xf32>
    %add3A_815 = vector.broadcast %get3A_814 : vector<1x128xf32> to vector<400x128xf32>
    %add3A_816 = arith.addf %dot_general3A_811, %add3A_815 : vector<400x128xf32>
    %swap3A_817 = arith.constant 0 : index
    %swap3A_818 = arith.constant 7 : index
    %swap3A_819 = arith.constant 0 : index
    %swap3A_820 = vector.load %arg13[%swap3A_817, %swap3A_818, %swap3A_819] : memref<400x12x128xf32, #tpu.memory_space<vmem>>, vector<400x1x128xf32>
    %swap3A_821 = vector.shape_cast %swap3A_820 : vector<400x1x128xf32> to vector<400x128xf32>
    %swap3A_822 = vector.shape_cast %add3A_816 : vector<400x128xf32> to vector<400x1x128xf32>
    tpu.vector_store %arg13[%swap3A_817, %swap3A_818, %swap3A_819], %swap3A_822 {strides = array<i32>} : memref<400x12x128xf32, #tpu.memory_space<vmem>>, vector<400x1x128xf32>,
    %get3A_823 = arith.constant 0 : index
    %get3A_824 = arith.constant 8 : index
    %get3A_825 = arith.constant 0 : index
    %get3A_826 = vector.load %arg1[%get3A_823, %get3A_824, %get3A_825] : memref<400x12x128xf32, #tpu.memory_space<vmem>>, vector<400x1x128xf32>
    %get3A_827 = vector.shape_cast %get3A_826 : vector<400x1x128xf32> to vector<400x128xf32>
    %get3A_828 = arith.constant 8 : index
    %get3A_829 = arith.constant 0 : index
    %get3A_830 = arith.constant 0 : index
    %get3A_831 = vector.load %arg2[%get3A_828, %get3A_829, %get3A_830] : memref<24x400x128xf32, #tpu.memory_space<vmem>>, vector<1x400x128xf32>
    %get3A_832 = vector.shape_cast %get3A_831 : vector<1x400x128xf32> to vector<400x128xf32>
    %get3A_833 = arith.constant 20 : index
    %get3A_834 = arith.constant 0 : index
    %get3A_835 = arith.constant 0 : index
    %get3A_836 = vector.load %arg2[%get3A_833, %get3A_834, %get3A_835] : memref<24x400x128xf32, #tpu.memory_space<vmem>>, vector<1x400x128xf32>
    %get3A_837 = vector.shape_cast %get3A_836 : vector<1x400x128xf32> to vector<400x128xf32>
    %add3A_838 = arith.addf %get3A_832, %get3A_837 : vector<400x128xf32>
    %mul3A_839 = vector.broadcast %div3A_12 : vector<400x1xf32> to vector<400x128xf32>
    %mul3A_840 = arith.mulf %add3A_838, %mul3A_839 : vector<400x128xf32>
    %get3A_841 = arith.constant 0 : index
    %get3A_842 = arith.constant 0 : index
    %get3A_843 = vector.load %arg4[%get3A_841, %get3A_842] : memref<128x128xf32, #tpu.memory_space<vmem>>, vector<128x128xf32>
    %dot_general3A_844 = arith.constant dense<0.000000e+00> : vector<400x128xf32>
    %dot_general3A_845 = tpu.matmul %mul3A_840, %get3A_843, %dot_general3A_844 {dimension_numbers = #tpu.dot_dimension_numbers<[1], [0], [0], [1], [0, 0, 1, 1], [], []>, transpose_lhs_hint = false} : vector<400x128xf32>, vector<128x128xf32>, vector<400x128xf32> -> vector<400x128xf32>
    %get3A_846 = arith.constant 0 : index
    %get3A_847 = arith.constant 0 : index
    %get3A_848 = vector.load %arg5[%get3A_846, %get3A_847] : memref<128x128xf32, #tpu.memory_space<vmem>>, vector<128x128xf32>
    %dot_general3A_849 = arith.constant dense<0.000000e+00> : vector<400x128xf32>
    %dot_general3A_850 = tpu.matmul %get3A_827, %get3A_848, %dot_general3A_849 {dimension_numbers = #tpu.dot_dimension_numbers<[1], [0], [0], [1], [0, 0, 1, 1], [], []>, transpose_lhs_hint = false} : vector<400x128xf32>, vector<128x128xf32>, vector<400x128xf32> -> vector<400x128xf32>
    %add3A_851 = arith.addf %dot_general3A_845, %dot_general3A_850 : vector<400x128xf32>
    %get3A_852 = arith.constant 0 : index
    %get3A_853 = arith.constant 0 : index
    %get3A_854 = vector.load %arg9[%get3A_852, %get3A_853] : memref<1x128xf32, #tpu.memory_space<vmem>>, vector<1x128xf32>
    %add3A_855 = vector.broadcast %get3A_854 : vector<1x128xf32> to vector<400x128xf32>
    %add3A_856 = arith.addf %add3A_851, %add3A_855 : vector<400x128xf32>
    %max3A_857 = arith.constant 0.000000e+00 : f32
    %max3A_858 = vector.broadcast %max3A_857 : f32 to vector<400x128xf32>
    %max3A_859 = arith.maximumf %add3A_856, %max3A_858 : vector<400x128xf32>
    %get3A_860 = arith.constant 0 : index
    %get3A_861 = arith.constant 0 : index
    %get3A_862 = vector.load %arg6[%get3A_860, %get3A_861] : memref<128x384xf32, #tpu.memory_space<vmem>>, vector<128x384xf32>
    %dot_general3A_863 = arith.constant dense<0.000000e+00> : vector<400x384xf32>
    %dot_general3A_864 = tpu.matmul %max3A_859, %get3A_862, %dot_general3A_863 {dimension_numbers = #tpu.dot_dimension_numbers<[1], [0], [0], [1], [0, 0, 1, 1], [], []>, transpose_lhs_hint = false} : vector<400x128xf32>, vector<128x384xf32>, vector<400x384xf32> -> vector<400x384xf32>
    %get3A_865 = arith.constant 0 : index
    %get3A_866 = arith.constant 0 : index
    %get3A_867 = vector.load %arg10[%get3A_865, %get3A_866] : memref<1x384xf32, #tpu.memory_space<vmem>>, vector<1x384xf32>
    %add3A_868 = vector.broadcast %get3A_867 : vector<1x384xf32> to vector<400x384xf32>
    %add3A_869 = arith.addf %dot_general3A_864, %add3A_868 : vector<400x384xf32>
    %get3A_870 = arith.constant 0 : index
    %get3A_871 = arith.constant 0 : index
    %get3A_872 = vector.load %arg7[%get3A_870, %get3A_871] : memref<128x384xf32, #tpu.memory_space<vmem>>, vector<128x384xf32>
    %dot_general3A_873 = arith.constant dense<0.000000e+00> : vector<400x384xf32>
    %dot_general3A_874 = tpu.matmul %add3A_806, %get3A_872, %dot_general3A_873 {dimension_numbers = #tpu.dot_dimension_numbers<[1], [0], [0], [1], [0, 0, 1, 1], [], []>, transpose_lhs_hint = false} : vector<400x128xf32>, vector<128x384xf32>, vector<400x384xf32> -> vector<400x384xf32>
    %get3A_875 = arith.constant 0 : index
    %get3A_876 = arith.constant 0 : index
    %get3A_877 = vector.load %arg11[%get3A_875, %get3A_876] : memref<1x384xf32, #tpu.memory_space<vmem>>, vector<1x384xf32>
    %add3A_878 = vector.broadcast %get3A_877 : vector<1x384xf32> to vector<400x384xf32>
    %add3A_879 = arith.addf %dot_general3A_874, %add3A_878 : vector<400x384xf32>
    %slice3A_880 = vector.extract_strided_slice %add3A_869 {offsets = [0, 0], sizes = [400, 128], strides = [1, 1]} : vector<400x384xf32> to vector<400x128xf32>
    %slice3A_881 = vector.extract_strided_slice %add3A_879 {offsets = [0, 0], sizes = [400, 128], strides = [1, 1]} : vector<400x384xf32> to vector<400x128xf32>
    %add3A_882 = arith.addf %slice3A_880, %slice3A_881 : vector<400x128xf32>
    %logistic3A_883 = arith.negf %add3A_882 : vector<400x128xf32>
    %logistic3A_884 = math.exp %logistic3A_883 : vector<400x128xf32>
    %logistic3A_885 = arith.constant 1.000000e+00 : f32
    %logistic3A_886 = vector.broadcast %logistic3A_885 : f32 to vector<400x128xf32>
    %logistic3A_887 = arith.addf %logistic3A_886, %logistic3A_884 : vector<400x128xf32>
    %logistic3A_888 = arith.divf %logistic3A_886, %logistic3A_887 : vector<400x128xf32>
    %slice3A_889 = vector.extract_strided_slice %add3A_869 {offsets = [0, 128], sizes = [400, 128], strides = [1, 1]} : vector<400x384xf32> to vector<400x128xf32>
    %slice3A_890 = vector.extract_strided_slice %add3A_879 {offsets = [0, 128], sizes = [400, 128], strides = [1, 1]} : vector<400x384xf32> to vector<400x128xf32>
    %add3A_891 = arith.addf %slice3A_889, %slice3A_890 : vector<400x128xf32>
    %logistic3A_892 = arith.negf %add3A_891 : vector<400x128xf32>
    %logistic3A_893 = math.exp %logistic3A_892 : vector<400x128xf32>
    %logistic3A_894 = arith.constant 1.000000e+00 : f32
    %logistic3A_895 = vector.broadcast %logistic3A_894 : f32 to vector<400x128xf32>
    %logistic3A_896 = arith.addf %logistic3A_895, %logistic3A_893 : vector<400x128xf32>
    %logistic3A_897 = arith.divf %logistic3A_895, %logistic3A_896 : vector<400x128xf32>
    %slice3A_898 = vector.extract_strided_slice %add3A_869 {offsets = [0, 256], sizes = [400, 128], strides = [1, 1]} : vector<400x384xf32> to vector<400x128xf32>
    %slice3A_899 = vector.extract_strided_slice %add3A_879 {offsets = [0, 256], sizes = [400, 128], strides = [1, 1]} : vector<400x384xf32> to vector<400x128xf32>
    %mul3A_900 = arith.mulf %logistic3A_888, %slice3A_899 : vector<400x128xf32>
    %add3A_901 = arith.addf %slice3A_898, %mul3A_900 : vector<400x128xf32>
    %tanh3A_902 = math.tanh %add3A_901 : vector<400x128xf32>
    %sub3A_903 = arith.constant 1.000000e+00 : f32
    %sub3A_904 = vector.broadcast %sub3A_903 : f32 to vector<400x128xf32>
    %sub3A_905 = arith.subf %sub3A_904, %logistic3A_897 : vector<400x128xf32>
    %mul3A_906 = arith.mulf %sub3A_905, %tanh3A_902 : vector<400x128xf32>
    %mul3A_907 = arith.mulf %logistic3A_897, %add3A_806 : vector<400x128xf32>
    %add3A_908 = arith.addf %mul3A_906, %mul3A_907 : vector<400x128xf32>
    %get3A_909 = arith.constant 0 : index
    %get3A_910 = arith.constant 0 : index
    %get3A_911 = vector.load %arg8[%get3A_909, %get3A_910] : memref<128x128xf32, #tpu.memory_space<vmem>>, vector<128x128xf32>
    %dot_general3A_912 = arith.constant dense<0.000000e+00> : vector<400x128xf32>
    %dot_general3A_913 = tpu.matmul %add3A_908, %get3A_911, %dot_general3A_912 {dimension_numbers = #tpu.dot_dimension_numbers<[1], [0], [0], [1], [0, 0, 1, 1], [], []>, transpose_lhs_hint = false} : vector<400x128xf32>, vector<128x128xf32>, vector<400x128xf32> -> vector<400x128xf32>
    %get3A_914 = arith.constant 0 : index
    %get3A_915 = arith.constant 0 : index
    %get3A_916 = vector.load %arg12[%get3A_914, %get3A_915] : memref<1x128xf32, #tpu.memory_space<vmem>>, vector<1x128xf32>
    %add3A_917 = vector.broadcast %get3A_916 : vector<1x128xf32> to vector<400x128xf32>
    %add3A_918 = arith.addf %dot_general3A_913, %add3A_917 : vector<400x128xf32>
    %swap3A_919 = arith.constant 0 : index
    %swap3A_920 = arith.constant 8 : index
    %swap3A_921 = arith.constant 0 : index
    %swap3A_922 = vector.load %arg13[%swap3A_919, %swap3A_920, %swap3A_921] : memref<400x12x128xf32, #tpu.memory_space<vmem>>, vector<400x1x128xf32>
    %swap3A_923 = vector.shape_cast %swap3A_922 : vector<400x1x128xf32> to vector<400x128xf32>
    %swap3A_924 = vector.shape_cast %add3A_918 : vector<400x128xf32> to vector<400x1x128xf32>
    tpu.vector_store %arg13[%swap3A_919, %swap3A_920, %swap3A_921], %swap3A_924 {strides = array<i32>} : memref<400x12x128xf32, #tpu.memory_space<vmem>>, vector<400x1x128xf32>,
    %get3A_925 = arith.constant 0 : index
    %get3A_926 = arith.constant 9 : index
    %get3A_927 = arith.constant 0 : index
    %get3A_928 = vector.load %arg1[%get3A_925, %get3A_926, %get3A_927] : memref<400x12x128xf32, #tpu.memory_space<vmem>>, vector<400x1x128xf32>
    %get3A_929 = vector.shape_cast %get3A_928 : vector<400x1x128xf32> to vector<400x128xf32>
    %get3A_930 = arith.constant 9 : index
    %get3A_931 = arith.constant 0 : index
    %get3A_932 = arith.constant 0 : index
    %get3A_933 = vector.load %arg2[%get3A_930, %get3A_931, %get3A_932] : memref<24x400x128xf32, #tpu.memory_space<vmem>>, vector<1x400x128xf32>
    %get3A_934 = vector.shape_cast %get3A_933 : vector<1x400x128xf32> to vector<400x128xf32>
    %get3A_935 = arith.constant 21 : index
    %get3A_936 = arith.constant 0 : index
    %get3A_937 = arith.constant 0 : index
    %get3A_938 = vector.load %arg2[%get3A_935, %get3A_936, %get3A_937] : memref<24x400x128xf32, #tpu.memory_space<vmem>>, vector<1x400x128xf32>
    %get3A_939 = vector.shape_cast %get3A_938 : vector<1x400x128xf32> to vector<400x128xf32>
    %add3A_940 = arith.addf %get3A_934, %get3A_939 : vector<400x128xf32>
    %mul3A_941 = vector.broadcast %div3A_12 : vector<400x1xf32> to vector<400x128xf32>
    %mul3A_942 = arith.mulf %add3A_940, %mul3A_941 : vector<400x128xf32>
    %get3A_943 = arith.constant 0 : index
    %get3A_944 = arith.constant 0 : index
    %get3A_945 = vector.load %arg4[%get3A_943, %get3A_944] : memref<128x128xf32, #tpu.memory_space<vmem>>, vector<128x128xf32>
    %dot_general3A_946 = arith.constant dense<0.000000e+00> : vector<400x128xf32>
    %dot_general3A_947 = tpu.matmul %mul3A_942, %get3A_945, %dot_general3A_946 {dimension_numbers = #tpu.dot_dimension_numbers<[1], [0], [0], [1], [0, 0, 1, 1], [], []>, transpose_lhs_hint = false} : vector<400x128xf32>, vector<128x128xf32>, vector<400x128xf32> -> vector<400x128xf32>
    %get3A_948 = arith.constant 0 : index
    %get3A_949 = arith.constant 0 : index
    %get3A_950 = vector.load %arg5[%get3A_948, %get3A_949] : memref<128x128xf32, #tpu.memory_space<vmem>>, vector<128x128xf32>
    %dot_general3A_951 = arith.constant dense<0.000000e+00> : vector<400x128xf32>
    %dot_general3A_952 = tpu.matmul %get3A_929, %get3A_950, %dot_general3A_951 {dimension_numbers = #tpu.dot_dimension_numbers<[1], [0], [0], [1], [0, 0, 1, 1], [], []>, transpose_lhs_hint = false} : vector<400x128xf32>, vector<128x128xf32>, vector<400x128xf32> -> vector<400x128xf32>
    %add3A_953 = arith.addf %dot_general3A_947, %dot_general3A_952 : vector<400x128xf32>
    %get3A_954 = arith.constant 0 : index
    %get3A_955 = arith.constant 0 : index
    %get3A_956 = vector.load %arg9[%get3A_954, %get3A_955] : memref<1x128xf32, #tpu.memory_space<vmem>>, vector<1x128xf32>
    %add3A_957 = vector.broadcast %get3A_956 : vector<1x128xf32> to vector<400x128xf32>
    %add3A_958 = arith.addf %add3A_953, %add3A_957 : vector<400x128xf32>
    %max3A_959 = arith.constant 0.000000e+00 : f32
    %max3A_960 = vector.broadcast %max3A_959 : f32 to vector<400x128xf32>
    %max3A_961 = arith.maximumf %add3A_958, %max3A_960 : vector<400x128xf32>
    %get3A_962 = arith.constant 0 : index
    %get3A_963 = arith.constant 0 : index
    %get3A_964 = vector.load %arg6[%get3A_962, %get3A_963] : memref<128x384xf32, #tpu.memory_space<vmem>>, vector<128x384xf32>
    %dot_general3A_965 = arith.constant dense<0.000000e+00> : vector<400x384xf32>
    %dot_general3A_966 = tpu.matmul %max3A_961, %get3A_964, %dot_general3A_965 {dimension_numbers = #tpu.dot_dimension_numbers<[1], [0], [0], [1], [0, 0, 1, 1], [], []>, transpose_lhs_hint = false} : vector<400x128xf32>, vector<128x384xf32>, vector<400x384xf32> -> vector<400x384xf32>
    %get3A_967 = arith.constant 0 : index
    %get3A_968 = arith.constant 0 : index
    %get3A_969 = vector.load %arg10[%get3A_967, %get3A_968] : memref<1x384xf32, #tpu.memory_space<vmem>>, vector<1x384xf32>
    %add3A_970 = vector.broadcast %get3A_969 : vector<1x384xf32> to vector<400x384xf32>
    %add3A_971 = arith.addf %dot_general3A_966, %add3A_970 : vector<400x384xf32>
    %get3A_972 = arith.constant 0 : index
    %get3A_973 = arith.constant 0 : index
    %get3A_974 = vector.load %arg7[%get3A_972, %get3A_973] : memref<128x384xf32, #tpu.memory_space<vmem>>, vector<128x384xf32>
    %dot_general3A_975 = arith.constant dense<0.000000e+00> : vector<400x384xf32>
    %dot_general3A_976 = tpu.matmul %add3A_908, %get3A_974, %dot_general3A_975 {dimension_numbers = #tpu.dot_dimension_numbers<[1], [0], [0], [1], [0, 0, 1, 1], [], []>, transpose_lhs_hint = false} : vector<400x128xf32>, vector<128x384xf32>, vector<400x384xf32> -> vector<400x384xf32>
    %get3A_977 = arith.constant 0 : index
    %get3A_978 = arith.constant 0 : index
    %get3A_979 = vector.load %arg11[%get3A_977, %get3A_978] : memref<1x384xf32, #tpu.memory_space<vmem>>, vector<1x384xf32>
    %add3A_980 = vector.broadcast %get3A_979 : vector<1x384xf32> to vector<400x384xf32>
    %add3A_981 = arith.addf %dot_general3A_976, %add3A_980 : vector<400x384xf32>
    %slice3A_982 = vector.extract_strided_slice %add3A_971 {offsets = [0, 0], sizes = [400, 128], strides = [1, 1]} : vector<400x384xf32> to vector<400x128xf32>
    %slice3A_983 = vector.extract_strided_slice %add3A_981 {offsets = [0, 0], sizes = [400, 128], strides = [1, 1]} : vector<400x384xf32> to vector<400x128xf32>
    %add3A_984 = arith.addf %slice3A_982, %slice3A_983 : vector<400x128xf32>
    %logistic3A_985 = arith.negf %add3A_984 : vector<400x128xf32>
    %logistic3A_986 = math.exp %logistic3A_985 : vector<400x128xf32>
    %logistic3A_987 = arith.constant 1.000000e+00 : f32
    %logistic3A_988 = vector.broadcast %logistic3A_987 : f32 to vector<400x128xf32>
    %logistic3A_989 = arith.addf %logistic3A_988, %logistic3A_986 : vector<400x128xf32>
    %logistic3A_990 = arith.divf %logistic3A_988, %logistic3A_989 : vector<400x128xf32>
    %slice3A_991 = vector.extract_strided_slice %add3A_971 {offsets = [0, 128], sizes = [400, 128], strides = [1, 1]} : vector<400x384xf32> to vector<400x128xf32>
    %slice3A_992 = vector.extract_strided_slice %add3A_981 {offsets = [0, 128], sizes = [400, 128], strides = [1, 1]} : vector<400x384xf32> to vector<400x128xf32>
    %add3A_993 = arith.addf %slice3A_991, %slice3A_992 : vector<400x128xf32>
    %logistic3A_994 = arith.negf %add3A_993 : vector<400x128xf32>
    %logistic3A_995 = math.exp %logistic3A_994 : vector<400x128xf32>
    %logistic3A_996 = arith.constant 1.000000e+00 : f32
    %logistic3A_997 = vector.broadcast %logistic3A_996 : f32 to vector<400x128xf32>
    %logistic3A_998 = arith.addf %logistic3A_997, %logistic3A_995 : vector<400x128xf32>
    %logistic3A_999 = arith.divf %logistic3A_997, %logistic3A_998 : vector<400x128xf32>
    %slice3A_1000 = vector.extract_strided_slice %add3A_971 {offsets = [0, 256], sizes = [400, 128], strides = [1, 1]} : vector<400x384xf32> to vector<400x128xf32>
    %slice3A_1001 = vector.extract_strided_slice %add3A_981 {offsets = [0, 256], sizes = [400, 128], strides = [1, 1]} : vector<400x384xf32> to vector<400x128xf32>
    %mul3A_1002 = arith.mulf %logistic3A_990, %slice3A_1001 : vector<400x128xf32>
    %add3A_1003 = arith.addf %slice3A_1000, %mul3A_1002 : vector<400x128xf32>
    %tanh3A_1004 = math.tanh %add3A_1003 : vector<400x128xf32>
    %sub3A_1005 = arith.constant 1.000000e+00 : f32
    %sub3A_1006 = vector.broadcast %sub3A_1005 : f32 to vector<400x128xf32>
    %sub3A_1007 = arith.subf %sub3A_1006, %logistic3A_999 : vector<400x128xf32>
    %mul3A_1008 = arith.mulf %sub3A_1007, %tanh3A_1004 : vector<400x128xf32>
    %mul3A_1009 = arith.mulf %logistic3A_999, %add3A_908 : vector<400x128xf32>
    %add3A_1010 = arith.addf %mul3A_1008, %mul3A_1009 : vector<400x128xf32>
    %get3A_1011 = arith.constant 0 : index
    %get3A_1012 = arith.constant 0 : index
    %get3A_1013 = vector.load %arg8[%get3A_1011, %get3A_1012] : memref<128x128xf32, #tpu.memory_space<vmem>>, vector<128x128xf32>
    %dot_general3A_1014 = arith.constant dense<0.000000e+00> : vector<400x128xf32>
    %dot_general3A_1015 = tpu.matmul %add3A_1010, %get3A_1013, %dot_general3A_1014 {dimension_numbers = #tpu.dot_dimension_numbers<[1], [0], [0], [1], [0, 0, 1, 1], [], []>, transpose_lhs_hint = false} : vector<400x128xf32>, vector<128x128xf32>, vector<400x128xf32> -> vector<400x128xf32>
    %get3A_1016 = arith.constant 0 : index
    %get3A_1017 = arith.constant 0 : index
    %get3A_1018 = vector.load %arg12[%get3A_1016, %get3A_1017] : memref<1x128xf32, #tpu.memory_space<vmem>>, vector<1x128xf32>
    %add3A_1019 = vector.broadcast %get3A_1018 : vector<1x128xf32> to vector<400x128xf32>
    %add3A_1020 = arith.addf %dot_general3A_1015, %add3A_1019 : vector<400x128xf32>
    %swap3A_1021 = arith.constant 0 : index
    %swap3A_1022 = arith.constant 9 : index
    %swap3A_1023 = arith.constant 0 : index
    %swap3A_1024 = vector.load %arg13[%swap3A_1021, %swap3A_1022, %swap3A_1023] : memref<400x12x128xf32, #tpu.memory_space<vmem>>, vector<400x1x128xf32>
    %swap3A_1025 = vector.shape_cast %swap3A_1024 : vector<400x1x128xf32> to vector<400x128xf32>
    %swap3A_1026 = vector.shape_cast %add3A_1020 : vector<400x128xf32> to vector<400x1x128xf32>
    tpu.vector_store %arg13[%swap3A_1021, %swap3A_1022, %swap3A_1023], %swap3A_1026 {strides = array<i32>} : memref<400x12x128xf32, #tpu.memory_space<vmem>>, vector<400x1x128xf32>,
    %get3A_1027 = arith.constant 0 : index
    %get3A_1028 = arith.constant 10 : index
    %get3A_1029 = arith.constant 0 : index
    %get3A_1030 = vector.load %arg1[%get3A_1027, %get3A_1028, %get3A_1029] : memref<400x12x128xf32, #tpu.memory_space<vmem>>, vector<400x1x128xf32>
    %get3A_1031 = vector.shape_cast %get3A_1030 : vector<400x1x128xf32> to vector<400x128xf32>
    %get3A_1032 = arith.constant 10 : index
    %get3A_1033 = arith.constant 0 : index
    %get3A_1034 = arith.constant 0 : index
    %get3A_1035 = vector.load %arg2[%get3A_1032, %get3A_1033, %get3A_1034] : memref<24x400x128xf32, #tpu.memory_space<vmem>>, vector<1x400x128xf32>
    %get3A_1036 = vector.shape_cast %get3A_1035 : vector<1x400x128xf32> to vector<400x128xf32>
    %get3A_1037 = arith.constant 22 : index
    %get3A_1038 = arith.constant 0 : index
    %get3A_1039 = arith.constant 0 : index
    %get3A_1040 = vector.load %arg2[%get3A_1037, %get3A_1038, %get3A_1039] : memref<24x400x128xf32, #tpu.memory_space<vmem>>, vector<1x400x128xf32>
    %get3A_1041 = vector.shape_cast %get3A_1040 : vector<1x400x128xf32> to vector<400x128xf32>
    %add3A_1042 = arith.addf %get3A_1036, %get3A_1041 : vector<400x128xf32>
    %mul3A_1043 = vector.broadcast %div3A_12 : vector<400x1xf32> to vector<400x128xf32>
    %mul3A_1044 = arith.mulf %add3A_1042, %mul3A_1043 : vector<400x128xf32>
    %get3A_1045 = arith.constant 0 : index
    %get3A_1046 = arith.constant 0 : index
    %get3A_1047 = vector.load %arg4[%get3A_1045, %get3A_1046] : memref<128x128xf32, #tpu.memory_space<vmem>>, vector<128x128xf32>
    %dot_general3A_1048 = arith.constant dense<0.000000e+00> : vector<400x128xf32>
    %dot_general3A_1049 = tpu.matmul %mul3A_1044, %get3A_1047, %dot_general3A_1048 {dimension_numbers = #tpu.dot_dimension_numbers<[1], [0], [0], [1], [0, 0, 1, 1], [], []>, transpose_lhs_hint = false} : vector<400x128xf32>, vector<128x128xf32>, vector<400x128xf32> -> vector<400x128xf32>
    %get3A_1050 = arith.constant 0 : index
    %get3A_1051 = arith.constant 0 : index
    %get3A_1052 = vector.load %arg5[%get3A_1050, %get3A_1051] : memref<128x128xf32, #tpu.memory_space<vmem>>, vector<128x128xf32>
    %dot_general3A_1053 = arith.constant dense<0.000000e+00> : vector<400x128xf32>
    %dot_general3A_1054 = tpu.matmul %get3A_1031, %get3A_1052, %dot_general3A_1053 {dimension_numbers = #tpu.dot_dimension_numbers<[1], [0], [0], [1], [0, 0, 1, 1], [], []>, transpose_lhs_hint = false} : vector<400x128xf32>, vector<128x128xf32>, vector<400x128xf32> -> vector<400x128xf32>
    %add3A_1055 = arith.addf %dot_general3A_1049, %dot_general3A_1054 : vector<400x128xf32>
    %get3A_1056 = arith.constant 0 : index
    %get3A_1057 = arith.constant 0 : index
    %get3A_1058 = vector.load %arg9[%get3A_1056, %get3A_1057] : memref<1x128xf32, #tpu.memory_space<vmem>>, vector<1x128xf32>
    %add3A_1059 = vector.broadcast %get3A_1058 : vector<1x128xf32> to vector<400x128xf32>
    %add3A_1060 = arith.addf %add3A_1055, %add3A_1059 : vector<400x128xf32>
    %max3A_1061 = arith.constant 0.000000e+00 : f32
    %max3A_1062 = vector.broadcast %max3A_1061 : f32 to vector<400x128xf32>
    %max3A_1063 = arith.maximumf %add3A_1060, %max3A_1062 : vector<400x128xf32>
    %get3A_1064 = arith.constant 0 : index
    %get3A_1065 = arith.constant 0 : index
    %get3A_1066 = vector.load %arg6[%get3A_1064, %get3A_1065] : memref<128x384xf32, #tpu.memory_space<vmem>>, vector<128x384xf32>
    %dot_general3A_1067 = arith.constant dense<0.000000e+00> : vector<400x384xf32>
    %dot_general3A_1068 = tpu.matmul %max3A_1063, %get3A_1066, %dot_general3A_1067 {dimension_numbers = #tpu.dot_dimension_numbers<[1], [0], [0], [1], [0, 0, 1, 1], [], []>, transpose_lhs_hint = false} : vector<400x128xf32>, vector<128x384xf32>, vector<400x384xf32> -> vector<400x384xf32>
    %get3A_1069 = arith.constant 0 : index
    %get3A_1070 = arith.constant 0 : index
    %get3A_1071 = vector.load %arg10[%get3A_1069, %get3A_1070] : memref<1x384xf32, #tpu.memory_space<vmem>>, vector<1x384xf32>
    %add3A_1072 = vector.broadcast %get3A_1071 : vector<1x384xf32> to vector<400x384xf32>
    %add3A_1073 = arith.addf %dot_general3A_1068, %add3A_1072 : vector<400x384xf32>
    %get3A_1074 = arith.constant 0 : index
    %get3A_1075 = arith.constant 0 : index
    %get3A_1076 = vector.load %arg7[%get3A_1074, %get3A_1075] : memref<128x384xf32, #tpu.memory_space<vmem>>, vector<128x384xf32>
    %dot_general3A_1077 = arith.constant dense<0.000000e+00> : vector<400x384xf32>
    %dot_general3A_1078 = tpu.matmul %add3A_1010, %get3A_1076, %dot_general3A_1077 {dimension_numbers = #tpu.dot_dimension_numbers<[1], [0], [0], [1], [0, 0, 1, 1], [], []>, transpose_lhs_hint = false} : vector<400x128xf32>, vector<128x384xf32>, vector<400x384xf32> -> vector<400x384xf32>
    %get3A_1079 = arith.constant 0 : index
    %get3A_1080 = arith.constant 0 : index
    %get3A_1081 = vector.load %arg11[%get3A_1079, %get3A_1080] : memref<1x384xf32, #tpu.memory_space<vmem>>, vector<1x384xf32>
    %add3A_1082 = vector.broadcast %get3A_1081 : vector<1x384xf32> to vector<400x384xf32>
    %add3A_1083 = arith.addf %dot_general3A_1078, %add3A_1082 : vector<400x384xf32>
    %slice3A_1084 = vector.extract_strided_slice %add3A_1073 {offsets = [0, 0], sizes = [400, 128], strides = [1, 1]} : vector<400x384xf32> to vector<400x128xf32>
    %slice3A_1085 = vector.extract_strided_slice %add3A_1083 {offsets = [0, 0], sizes = [400, 128], strides = [1, 1]} : vector<400x384xf32> to vector<400x128xf32>
    %add3A_1086 = arith.addf %slice3A_1084, %slice3A_1085 : vector<400x128xf32>
    %logistic3A_1087 = arith.negf %add3A_1086 : vector<400x128xf32>
    %logistic3A_1088 = math.exp %logistic3A_1087 : vector<400x128xf32>
    %logistic3A_1089 = arith.constant 1.000000e+00 : f32
    %logistic3A_1090 = vector.broadcast %logistic3A_1089 : f32 to vector<400x128xf32>
    %logistic3A_1091 = arith.addf %logistic3A_1090, %logistic3A_1088 : vector<400x128xf32>
    %logistic3A_1092 = arith.divf %logistic3A_1090, %logistic3A_1091 : vector<400x128xf32>
    %slice3A_1093 = vector.extract_strided_slice %add3A_1073 {offsets = [0, 128], sizes = [400, 128], strides = [1, 1]} : vector<400x384xf32> to vector<400x128xf32>
    %slice3A_1094 = vector.extract_strided_slice %add3A_1083 {offsets = [0, 128], sizes = [400, 128], strides = [1, 1]} : vector<400x384xf32> to vector<400x128xf32>
    %add3A_1095 = arith.addf %slice3A_1093, %slice3A_1094 : vector<400x128xf32>
    %logistic3A_1096 = arith.negf %add3A_1095 : vector<400x128xf32>
    %logistic3A_1097 = math.exp %logistic3A_1096 : vector<400x128xf32>
    %logistic3A_1098 = arith.constant 1.000000e+00 : f32
    %logistic3A_1099 = vector.broadcast %logistic3A_1098 : f32 to vector<400x128xf32>
    %logistic3A_1100 = arith.addf %logistic3A_1099, %logistic3A_1097 : vector<400x128xf32>
    %logistic3A_1101 = arith.divf %logistic3A_1099, %logistic3A_1100 : vector<400x128xf32>
    %slice3A_1102 = vector.extract_strided_slice %add3A_1073 {offsets = [0, 256], sizes = [400, 128], strides = [1, 1]} : vector<400x384xf32> to vector<400x128xf32>
    %slice3A_1103 = vector.extract_strided_slice %add3A_1083 {offsets = [0, 256], sizes = [400, 128], strides = [1, 1]} : vector<400x384xf32> to vector<400x128xf32>
    %mul3A_1104 = arith.mulf %logistic3A_1092, %slice3A_1103 : vector<400x128xf32>
    %add3A_1105 = arith.addf %slice3A_1102, %mul3A_1104 : vector<400x128xf32>
    %tanh3A_1106 = math.tanh %add3A_1105 : vector<400x128xf32>
    %sub3A_1107 = arith.constant 1.000000e+00 : f32
    %sub3A_1108 = vector.broadcast %sub3A_1107 : f32 to vector<400x128xf32>
    %sub3A_1109 = arith.subf %sub3A_1108, %logistic3A_1101 : vector<400x128xf32>
    %mul3A_1110 = arith.mulf %sub3A_1109, %tanh3A_1106 : vector<400x128xf32>
    %mul3A_1111 = arith.mulf %logistic3A_1101, %add3A_1010 : vector<400x128xf32>
    %add3A_1112 = arith.addf %mul3A_1110, %mul3A_1111 : vector<400x128xf32>
    %get3A_1113 = arith.constant 0 : index
    %get3A_1114 = arith.constant 0 : index
    %get3A_1115 = vector.load %arg8[%get3A_1113, %get3A_1114] : memref<128x128xf32, #tpu.memory_space<vmem>>, vector<128x128xf32>
    %dot_general3A_1116 = arith.constant dense<0.000000e+00> : vector<400x128xf32>
    %dot_general3A_1117 = tpu.matmul %add3A_1112, %get3A_1115, %dot_general3A_1116 {dimension_numbers = #tpu.dot_dimension_numbers<[1], [0], [0], [1], [0, 0, 1, 1], [], []>, transpose_lhs_hint = false} : vector<400x128xf32>, vector<128x128xf32>, vector<400x128xf32> -> vector<400x128xf32>
    %get3A_1118 = arith.constant 0 : index
    %get3A_1119 = arith.constant 0 : index
    %get3A_1120 = vector.load %arg12[%get3A_1118, %get3A_1119] : memref<1x128xf32, #tpu.memory_space<vmem>>, vector<1x128xf32>
    %add3A_1121 = vector.broadcast %get3A_1120 : vector<1x128xf32> to vector<400x128xf32>
    %add3A_1122 = arith.addf %dot_general3A_1117, %add3A_1121 : vector<400x128xf32>
    %swap3A_1123 = arith.constant 0 : index
    %swap3A_1124 = arith.constant 10 : index
    %swap3A_1125 = arith.constant 0 : index
    %swap3A_1126 = vector.load %arg13[%swap3A_1123, %swap3A_1124, %swap3A_1125] : memref<400x12x128xf32, #tpu.memory_space<vmem>>, vector<400x1x128xf32>
    %swap3A_1127 = vector.shape_cast %swap3A_1126 : vector<400x1x128xf32> to vector<400x128xf32>
    %swap3A_1128 = vector.shape_cast %add3A_1122 : vector<400x128xf32> to vector<400x1x128xf32>
    tpu.vector_store %arg13[%swap3A_1123, %swap3A_1124, %swap3A_1125], %swap3A_1128 {strides = array<i32>} : memref<400x12x128xf32, #tpu.memory_space<vmem>>, vector<400x1x128xf32>,
    %get3A_1129 = arith.constant 0 : index
    %get3A_1130 = arith.constant 11 : index
    %get3A_1131 = arith.constant 0 : index
    %get3A_1132 = vector.load %arg1[%get3A_1129, %get3A_1130, %get3A_1131] : memref<400x12x128xf32, #tpu.memory_space<vmem>>, vector<400x1x128xf32>
    %get3A_1133 = vector.shape_cast %get3A_1132 : vector<400x1x128xf32> to vector<400x128xf32>
    %get3A_1134 = arith.constant 11 : index
    %get3A_1135 = arith.constant 0 : index
    %get3A_1136 = arith.constant 0 : index
    %get3A_1137 = vector.load %arg2[%get3A_1134, %get3A_1135, %get3A_1136] : memref<24x400x128xf32, #tpu.memory_space<vmem>>, vector<1x400x128xf32>
    %get3A_1138 = vector.shape_cast %get3A_1137 : vector<1x400x128xf32> to vector<400x128xf32>
    %get3A_1139 = arith.constant 23 : index
    %get3A_1140 = arith.constant 0 : index
    %get3A_1141 = arith.constant 0 : index
    %get3A_1142 = vector.load %arg2[%get3A_1139, %get3A_1140, %get3A_1141] : memref<24x400x128xf32, #tpu.memory_space<vmem>>, vector<1x400x128xf32>
    %get3A_1143 = vector.shape_cast %get3A_1142 : vector<1x400x128xf32> to vector<400x128xf32>
    %add3A_1144 = arith.addf %get3A_1138, %get3A_1143 : vector<400x128xf32>
    %mul3A_1145 = vector.broadcast %div3A_12 : vector<400x1xf32> to vector<400x128xf32>
    %mul3A_1146 = arith.mulf %add3A_1144, %mul3A_1145 : vector<400x128xf32>
    %get3A_1147 = arith.constant 0 : index
    %get3A_1148 = arith.constant 0 : index
    %get3A_1149 = vector.load %arg4[%get3A_1147, %get3A_1148] : memref<128x128xf32, #tpu.memory_space<vmem>>, vector<128x128xf32>
    %dot_general3A_1150 = arith.constant dense<0.000000e+00> : vector<400x128xf32>
    %dot_general3A_1151 = tpu.matmul %mul3A_1146, %get3A_1149, %dot_general3A_1150 {dimension_numbers = #tpu.dot_dimension_numbers<[1], [0], [0], [1], [0, 0, 1, 1], [], []>, transpose_lhs_hint = false} : vector<400x128xf32>, vector<128x128xf32>, vector<400x128xf32> -> vector<400x128xf32>
    %get3A_1152 = arith.constant 0 : index
    %get3A_1153 = arith.constant 0 : index
    %get3A_1154 = vector.load %arg5[%get3A_1152, %get3A_1153] : memref<128x128xf32, #tpu.memory_space<vmem>>, vector<128x128xf32>
    %dot_general3A_1155 = arith.constant dense<0.000000e+00> : vector<400x128xf32>
    %dot_general3A_1156 = tpu.matmul %get3A_1133, %get3A_1154, %dot_general3A_1155 {dimension_numbers = #tpu.dot_dimension_numbers<[1], [0], [0], [1], [0, 0, 1, 1], [], []>, transpose_lhs_hint = false} : vector<400x128xf32>, vector<128x128xf32>, vector<400x128xf32> -> vector<400x128xf32>
    %add3A_1157 = arith.addf %dot_general3A_1151, %dot_general3A_1156 : vector<400x128xf32>
    %get3A_1158 = arith.constant 0 : index
    %get3A_1159 = arith.constant 0 : index
    %get3A_1160 = vector.load %arg9[%get3A_1158, %get3A_1159] : memref<1x128xf32, #tpu.memory_space<vmem>>, vector<1x128xf32>
    %add3A_1161 = vector.broadcast %get3A_1160 : vector<1x128xf32> to vector<400x128xf32>
    %add3A_1162 = arith.addf %add3A_1157, %add3A_1161 : vector<400x128xf32>
    %max3A_1163 = arith.constant 0.000000e+00 : f32
    %max3A_1164 = vector.broadcast %max3A_1163 : f32 to vector<400x128xf32>
    %max3A_1165 = arith.maximumf %add3A_1162, %max3A_1164 : vector<400x128xf32>
    %get3A_1166 = arith.constant 0 : index
    %get3A_1167 = arith.constant 0 : index
    %get3A_1168 = vector.load %arg6[%get3A_1166, %get3A_1167] : memref<128x384xf32, #tpu.memory_space<vmem>>, vector<128x384xf32>
    %dot_general3A_1169 = arith.constant dense<0.000000e+00> : vector<400x384xf32>
    %dot_general3A_1170 = tpu.matmul %max3A_1165, %get3A_1168, %dot_general3A_1169 {dimension_numbers = #tpu.dot_dimension_numbers<[1], [0], [0], [1], [0, 0, 1, 1], [], []>, transpose_lhs_hint = false} : vector<400x128xf32>, vector<128x384xf32>, vector<400x384xf32> -> vector<400x384xf32>
    %get3A_1171 = arith.constant 0 : index
    %get3A_1172 = arith.constant 0 : index
    %get3A_1173 = vector.load %arg10[%get3A_1171, %get3A_1172] : memref<1x384xf32, #tpu.memory_space<vmem>>, vector<1x384xf32>
    %add3A_1174 = vector.broadcast %get3A_1173 : vector<1x384xf32> to vector<400x384xf32>
    %add3A_1175 = arith.addf %dot_general3A_1170, %add3A_1174 : vector<400x384xf32>
    %get3A_1176 = arith.constant 0 : index
    %get3A_1177 = arith.constant 0 : index
    %get3A_1178 = vector.load %arg7[%get3A_1176, %get3A_1177] : memref<128x384xf32, #tpu.memory_space<vmem>>, vector<128x384xf32>
    %dot_general3A_1179 = arith.constant dense<0.000000e+00> : vector<400x384xf32>
    %dot_general3A_1180 = tpu.matmul %add3A_1112, %get3A_1178, %dot_general3A_1179 {dimension_numbers = #tpu.dot_dimension_numbers<[1], [0], [0], [1], [0, 0, 1, 1], [], []>, transpose_lhs_hint = false} : vector<400x128xf32>, vector<128x384xf32>, vector<400x384xf32> -> vector<400x384xf32>
    %get3A_1181 = arith.constant 0 : index
    %get3A_1182 = arith.constant 0 : index
    %get3A_1183 = vector.load %arg11[%get3A_1181, %get3A_1182] : memref<1x384xf32, #tpu.memory_space<vmem>>, vector<1x384xf32>
    %add3A_1184 = vector.broadcast %get3A_1183 : vector<1x384xf32> to vector<400x384xf32>
    %add3A_1185 = arith.addf %dot_general3A_1180, %add3A_1184 : vector<400x384xf32>
    %slice3A_1186 = vector.extract_strided_slice %add3A_1175 {offsets = [0, 0], sizes = [400, 128], strides = [1, 1]} : vector<400x384xf32> to vector<400x128xf32>
    %slice3A_1187 = vector.extract_strided_slice %add3A_1185 {offsets = [0, 0], sizes = [400, 128], strides = [1, 1]} : vector<400x384xf32> to vector<400x128xf32>
    %add3A_1188 = arith.addf %slice3A_1186, %slice3A_1187 : vector<400x128xf32>
    %logistic3A_1189 = arith.negf %add3A_1188 : vector<400x128xf32>
    %logistic3A_1190 = math.exp %logistic3A_1189 : vector<400x128xf32>
    %logistic3A_1191 = arith.constant 1.000000e+00 : f32
    %logistic3A_1192 = vector.broadcast %logistic3A_1191 : f32 to vector<400x128xf32>
    %logistic3A_1193 = arith.addf %logistic3A_1192, %logistic3A_1190 : vector<400x128xf32>
    %logistic3A_1194 = arith.divf %logistic3A_1192, %logistic3A_1193 : vector<400x128xf32>
    %slice3A_1195 = vector.extract_strided_slice %add3A_1175 {offsets = [0, 128], sizes = [400, 128], strides = [1, 1]} : vector<400x384xf32> to vector<400x128xf32>
    %slice3A_1196 = vector.extract_strided_slice %add3A_1185 {offsets = [0, 128], sizes = [400, 128], strides = [1, 1]} : vector<400x384xf32> to vector<400x128xf32>
    %add3A_1197 = arith.addf %slice3A_1195, %slice3A_1196 : vector<400x128xf32>
    %logistic3A_1198 = arith.negf %add3A_1197 : vector<400x128xf32>
    %logistic3A_1199 = math.exp %logistic3A_1198 : vector<400x128xf32>
    %logistic3A_1200 = arith.constant 1.000000e+00 : f32
    %logistic3A_1201 = vector.broadcast %logistic3A_1200 : f32 to vector<400x128xf32>
    %logistic3A_1202 = arith.addf %logistic3A_1201, %logistic3A_1199 : vector<400x128xf32>
    %logistic3A_1203 = arith.divf %logistic3A_1201, %logistic3A_1202 : vector<400x128xf32>
    %slice3A_1204 = vector.extract_strided_slice %add3A_1175 {offsets = [0, 256], sizes = [400, 128], strides = [1, 1]} : vector<400x384xf32> to vector<400x128xf32>
    %slice3A_1205 = vector.extract_strided_slice %add3A_1185 {offsets = [0, 256], sizes = [400, 128], strides = [1, 1]} : vector<400x384xf32> to vector<400x128xf32>
    %mul3A_1206 = arith.mulf %logistic3A_1194, %slice3A_1205 : vector<400x128xf32>
    %add3A_1207 = arith.addf %slice3A_1204, %mul3A_1206 : vector<400x128xf32>
    %tanh3A_1208 = math.tanh %add3A_1207 : vector<400x128xf32>
    %sub3A_1209 = arith.constant 1.000000e+00 : f32
    %sub3A_1210 = vector.broadcast %sub3A_1209 : f32 to vector<400x128xf32>
    %sub3A_1211 = arith.subf %sub3A_1210, %logistic3A_1203 : vector<400x128xf32>
    %mul3A_1212 = arith.mulf %sub3A_1211, %tanh3A_1208 : vector<400x128xf32>
    %mul3A_1213 = arith.mulf %logistic3A_1203, %add3A_1112 : vector<400x128xf32>
    %add3A_1214 = arith.addf %mul3A_1212, %mul3A_1213 : vector<400x128xf32>
    %get3A_1215 = arith.constant 0 : index
    %get3A_1216 = arith.constant 0 : index
    %get3A_1217 = vector.load %arg8[%get3A_1215, %get3A_1216] : memref<128x128xf32, #tpu.memory_space<vmem>>, vector<128x128xf32>
    %dot_general3A_1218 = arith.constant dense<0.000000e+00> : vector<400x128xf32>
    %dot_general3A_1219 = tpu.matmul %add3A_1214, %get3A_1217, %dot_general3A_1218 {dimension_numbers = #tpu.dot_dimension_numbers<[1], [0], [0], [1], [0, 0, 1, 1], [], []>, transpose_lhs_hint = false} : vector<400x128xf32>, vector<128x128xf32>, vector<400x128xf32> -> vector<400x128xf32>
    %get3A_1220 = arith.constant 0 : index
    %get3A_1221 = arith.constant 0 : index
    %get3A_1222 = vector.load %arg12[%get3A_1220, %get3A_1221] : memref<1x128xf32, #tpu.memory_space<vmem>>, vector<1x128xf32>
    %add3A_1223 = vector.broadcast %get3A_1222 : vector<1x128xf32> to vector<400x128xf32>
    %add3A_1224 = arith.addf %dot_general3A_1219, %add3A_1223 : vector<400x128xf32>
    %swap3A_1225 = arith.constant 0 : index
    %swap3A_1226 = arith.constant 11 : index
    %swap3A_1227 = arith.constant 0 : index
    %swap3A_1228 = vector.load %arg13[%swap3A_1225, %swap3A_1226, %swap3A_1227] : memref<400x12x128xf32, #tpu.memory_space<vmem>>, vector<400x1x128xf32>
    %swap3A_1229 = vector.shape_cast %swap3A_1228 : vector<400x1x128xf32> to vector<400x128xf32>
    %swap3A_1230 = vector.shape_cast %add3A_1224 : vector<400x128xf32> to vector<400x1x128xf32>
    tpu.vector_store %arg13[%swap3A_1225, %swap3A_1226, %swap3A_1227], %swap3A_1230 {strides = array<i32>} : memref<400x12x128xf32, #tpu.memory_space<vmem>>, vector<400x1x128xf32>,
    return
  }
  func.func @transform_0(%arg0: i32) -> (i32, i32, i32) {
    %c0_i32 = arith.constant 0 : i32
    %c0_i32_0 = arith.constant 0 : i32
    %c0_i32_1 = arith.constant 0 : i32
    return %arg0, %c0_i32, %c0_i32_0 : i32, i32, i32
  }
  func.func @transform_1(%arg0: i32) -> (i32, i32, i32) {
    %c0_i32 = arith.constant 0 : i32
    %c0_i32_0 = arith.constant 0 : i32
    %c0_i32_1 = arith.constant 0 : i32
    return %c0_i32, %arg0, %c0_i32_0 : i32, i32, i32
  }
  func.func @transform_2(%arg0: i32) -> (i32, i32, i32) {
    %c0_i32 = arith.constant 0 : i32
    %c0_i32_0 = arith.constant 0 : i32
    %c0_i32_1 = arith.constant 0 : i32
    return %c0_i32, %arg0, %c0_i32_0 : i32, i32, i32
  }
  func.func @transform_3(%arg0: i32) -> (i32, i32) {
    %c0_i32 = arith.constant 0 : i32
    %c0_i32_0 = arith.constant 0 : i32
    %c0_i32_1 = arith.constant 0 : i32
    return %c0_i32, %c0_i32_0 : i32, i32
  }
  func.func @transform_4(%arg0: i32) -> (i32, i32) {
    %c0_i32 = arith.constant 0 : i32
    %c0_i32_0 = arith.constant 0 : i32
    %c0_i32_1 = arith.constant 0 : i32
    return %c0_i32, %c0_i32_0 : i32, i32
  }
  func.func @transform_5(%arg0: i32) -> (i32, i32) {
    %c0_i32 = arith.constant 0 : i32
    %c0_i32_0 = arith.constant 0 : i32
    %c0_i32_1 = arith.constant 0 : i32
    return %c0_i32, %c0_i32_0 : i32, i32
  }
  func.func @transform_6(%arg0: i32) -> (i32, i32) {
    %c0_i32 = arith.constant 0 : i32
    %c0_i32_0 = arith.constant 0 : i32
    %c0_i32_1 = arith.constant 0 : i32
    return %c0_i32, %c0_i32_0 : i32, i32
  }
  func.func @transform_7(%arg0: i32) -> (i32, i32) {
    %c0_i32 = arith.constant 0 : i32
    %c0_i32_0 = arith.constant 0 : i32
    %c0_i32_1 = arith.constant 0 : i32
    return %c0_i32, %c0_i32_0 : i32, i32
  }
  func.func @transform_8(%arg0: i32) -> (i32, i32) {
    %c0_i32 = arith.constant 0 : i32
    %c0_i32_0 = arith.constant 0 : i32
    %c0_i32_1 = arith.constant 0 : i32
    return %c0_i32, %c0_i32_0 : i32, i32
  }
  func.func @transform_9(%arg0: i32) -> (i32, i32) {
    %c0_i32 = arith.constant 0 : i32
    %c0_i32_0 = arith.constant 0 : i32
    %c0_i32_1 = arith.constant 0 : i32
    return %c0_i32, %c0_i32_0 : i32, i32
  }
  func.func @transform_10(%arg0: i32) -> (i32, i32) {
    %c0_i32 = arith.constant 0 : i32
    %c0_i32_0 = arith.constant 0 : i32
    %c0_i32_1 = arith.constant 0 : i32
    return %c0_i32, %c0_i32_0 : i32, i32
  }
  func.func @transform_11(%arg0: i32) -> (i32, i32) {
    %c0_i32 = arith.constant 0 : i32
    %c0_i32_0 = arith.constant 0 : i32
    %c0_i32_1 = arith.constant 0 : i32
    return %c0_i32, %c0_i32_0 : i32, i32
  }
  func.func @transform_12(%arg0: i32) -> (i32, i32, i32) {
    %c0_i32 = arith.constant 0 : i32
    %c0_i32_0 = arith.constant 0 : i32
    %c0_i32_1 = arith.constant 0 : i32
    return %arg0, %c0_i32, %c0_i32_0 : i32, i32, i32
  }
}

</mosaic_0001>

<sc_bundles>
// kernel: kernel.4.cloned.1.call-start
scs
__scs_entry_jumppad:
0x0: {  	(pc) =	sbr.rel $0x88, $3  }
0x1: {  	(tag) =	ssettag $0x0;
	lr =	simm.s32 $0x1  }
0x2: {  	[smem:$0x3F96] =	sst lr;
	_ =	strace $0xD0000000  }
0x3: {  	_ = 	snop  }
0x4: {  	_ = 	snop  }
0x5: {  	_ = 	snop  }
0x6: {  	_ = 	snop  }
0x7: {  	_ = 	snop  }
__scs_overlays_trampoline_lowered:
0x8: {  	[smem:$0x3FA5] =	sst s0  }
0x9: {  	[smem:$0x3FA6] =	sst s1  }
0xa: {  	[smem:$0x3FA7] =	sst s2  }
0xb: {  	[smem:$0x3FA8] =	sst s3  }
0xc: {  	[smem:$0x3FA9] =	sst s4  }
0xd: {  	[smem:$0x3FAA] =	sst s5  }
0xe: {  	[smem:$0x3FAB] =	sst s6  }
0xf: {  	[smem:$0x3FAC] =	sst s7  }
0x10: {  	[smem:$0x3FAD] =	sst s8  }
0x11: {  	[smem:$0x3FAE] =	sst s9;
	s0 =	simm.s32 @!p0 $0x0  }
0x12: {  	s1 =	sld [smem:$0x3F94];
	s0 =	simm.s32 @p0 $0x1  }
0x13: {  	[smem:$0x3FAF] =	sst s0;
	s0 =	simm.s32 @!p1 $0x0  }
0x14: {  	s2 =	sld [smem:$0x3F93];
	s0 =	simm.s32 @p1 $0x1  }
0x15: {  	[smem:$0x3FB0] =	sst s0;
	s0 =	simm.s32 @!p2 $0x0  }
0x16: {  	s3 =	sld [smem:$0x3FDB];
	s0 =	simm.s32 @p2 $0x1  }
0x17: {  	s4 =	simm.s32 $0x1BF5;
	[smem:$0x3FB2] =	sst s0  }
0x18: {  	s0 =	sld [smem:$0x3F95];
	_ =	swait.ge [sflag:s4], $0x0  }
0x19: {  	s7 =	sld [smem:$0x3F96]  }
0x1a: {  	s8 =	sadd.s32 $0xFFFFE003, lr  }
0x1b: {  	s9 =	sadd.s32 $0xFFFFFEF7, lr;
	s5 =	simm.s32 $0xFFFFFFFF;
	p2 =	slt.u32 s8, $0xFFFFF086  }
0x1c: {  	p1 =	slt.u32 s9, $0xF7A;
	s5 =	simm.s32 @!p2 $0x0  }
0x1d: {  	s5 =	simm.s32 @p1 $0x1;
	p0 =	seq.s32 s7, s2  }
0x1e: {  	s7 =	smul.u32 @!p0 $0xF7A, s2;
	p2 =	seq.s32 @!p0 s5, $0x0  }
0x1f: {  	s9 =	smul.u32 $0xF7A, s1;
	s8 =	simm.s32 @!p0 $0x1BF5;
	p2 =	por !p2, p0  }
0x20: {  	[sflag:s8] =	ssyncset.s32 @!p0 $0xFFFFF086;
	s6 =	sadd.s32 @!p0 s3, s7;
	s7 =	simm.s32 @!p0 $0x108  }
0x21: {  	s3 =	sadd.s32 s3, s9;
	s6 =	sadd.s32 @!p0 $0x88, s6;
	s7 =	simm.s32 @p2 $0x1082  }
0x22: {  	[simem:s7], [sflag:s8] =	dma.local @!p0 [hbm:s6], $0xF7A  }
0x23: {  	s9 =	sor.u32 $0xD0000000, s2;
	s6 =	simm.s32 $0x108;
	_ =	swait.ge @!p0 [sflag:s8], $0x0  }
0x24: {  	s3 =	sadd.s32 $0x88, s3;
	s6 =	simm.s32 @!p1 $0x1082;
	[sflag:s4] =	ssyncset.s32 $0xFFFFF086  }
0x25: {  	[simem:s6], [sflag:s4] =	dma.local [hbm:s3], $0xF7A  }
0x26: {  	[smem:$0x3F96] =	sst s1;
	(tag) =	ssettag s2;
	_ =	strace s9  }
0x27: {  	s1 =	sld [smem:$0x3FA6]  }
0x28: {  	s2 =	sld [smem:$0x3FA7]  }
0x29: {  	s4 =	sld [smem:$0x3FA9]  }
0x2a: {  	p0 =	seq.s32 s5, $0x0;
	s5 =	sld [smem:$0x3FAA]  }
0x2b: {  	s6 =	sld [smem:$0x3FAB]  }
0x2c: {  	s7 =	sld [smem:$0x3FAC]  }
0x2d: {  	s3 =	simm.s32 $0x108;
	s8 =	sld [smem:$0x3FAD]  }
0x2e: {  	s3 =	simm.s32 @!p0 $0x1082;
	s9 =	sld [smem:$0x3FAE]  }
0x2f: {  	lr =	sadd.s32 s0, s3;
	s0 =	sld [smem:$0x3FA5]  }
0x30: {  	s3 =	sld [smem:$0x3FA8]  }
0x31: {  	[smem:$0x3FB1] =	sst s10  }
0x32: {  	s10 =	sld [smem:$0x3FAF];
	_ =	sdelay $0x3  }
0x33: {  	p0 =	seq.s32 s10, $0x1;
	s10 =	sld [smem:$0x3FB1];
	_ =	sdelay $0x3  }
0x34: {  	[smem:$0x3FB1] =	sst s10  }
0x35: {  	s10 =	sld [smem:$0x3FB0];
	_ =	sdelay $0x3  }
0x36: {  	p1 =	seq.s32 s10, $0x1;
	s10 =	sld [smem:$0x3FB1];
	_ =	sdelay $0x3  }
0x37: {  	[smem:$0x3FB1] =	sst s10  }
0x38: {  	s10 =	sld [smem:$0x3FB2]  }
0x39: {  	_ = 	snop;
	(pc) =	sbr.ind lr, $3  }
0x3a: {  	_ = 	snop  }
0x3b: {  	_ = 	snop  }
0x3c: {  	p2 =	seq.s32 s10, $0x1;
	s10 =	sld [smem:$0x3FB1]  }
0x3d: {  	_ =	shalt  }
0x3e: {  	_ =	shalt  }
0x3f: {  	_ =	shalt  }
0x40: {  	_ =	shalt  }
0x41: {  	_ =	shalt  }
0x42: {  	_ =	shalt  }
0x43: {  	_ =	shalt  }
0x44: {  	_ =	shalt  }
0x45: {  	_ =	shalt  }
0x46: {  	_ =	shalt  }
0x47: {  	_ =	shalt  }
0x48: {  	_ =	shalt  }
0x49: {  	_ =	shalt  }
0x4a: {  	_ =	shalt  }
0x4b: {  	_ =	shalt  }
0x4c: {  	_ =	shalt  }
0x4d: {  	_ =	shalt  }
0x4e: {  	_ =	shalt  }
0x4f: {  	_ =	shalt  }
0x50: {  	_ =	shalt  }
0x51: {  	_ =	shalt  }
0x52: {  	_ =	shalt  }
0x53: {  	_ =	shalt  }
0x54: {  	_ =	shalt  }
0x55: {  	_ =	shalt  }
0x56: {  	_ =	shalt  }
0x57: {  	_ =	shalt  }
0x58: {  	_ =	shalt  }
0x59: {  	_ =	shalt  }
0x5a: {  	_ =	shalt  }
0x5b: {  	_ =	shalt  }
0x5c: {  	_ =	shalt  }
0x5d: {  	_ =	shalt  }
0x5e: {  	_ =	shalt  }
0x5f: {  	_ =	shalt  }
0x60: {  	_ =	shalt  }
0x61: {  	_ =	shalt  }
0x62: {  	_ =	shalt  }
0x63: {  	_ =	shalt  }
0x64: {  	_ =	shalt  }
0x65: {  	_ =	shalt  }
0x66: {  	_ =	shalt  }
0x67: {  	_ =	shalt  }
0x68: {  	_ =	shalt  }
0x69: {  	_ =	shalt  }
0x6a: {  	_ =	shalt  }
0x6b: {  	_ =	shalt  }
0x6c: {  	_ =	shalt  }
0x6d: {  	_ =	shalt  }
0x6e: {  	_ =	shalt  }
0x6f: {  	_ =	shalt  }
0x70: {  	_ =	shalt  }
0x71: {  	_ =	shalt  }
0x72: {  	_ =	shalt  }
0x73: {  	_ =	shalt  }
0x74: {  	_ =	shalt  }
0x75: {  	_ =	shalt  }
0x76: {  	_ =	shalt  }
0x77: {  	_ =	shalt  }
0x78: {  	_ =	shalt  }
0x79: {  	_ =	shalt  }
0x7a: {  	_ =	shalt  }
0x7b: {  	_ =	shalt  }
0x7c: {  	_ =	shalt  }
0x7d: {  	_ =	shalt  }
0x7e: {  	_ =	shalt  }
0x7f: {  	_ =	shalt  }
0x80: {  	_ =	shalt  }
0x81: {  	_ =	shalt  }
0x82: {  	_ =	shalt  }
0x83: {  	_ =	shalt  }
0x84: {  	_ =	shalt  }
0x85: {  	_ =	shalt  }
0x86: {  	_ =	shalt  }
0x87: {  	_ =	shalt  }
.Lfunc_end0:
.L_simem_size_0:
called_computation_lowered:
.L_overlay_start_0:
0x88: {  	s2 =	sld [smem:$0x3FD9]  }
0x89: {  	s3 =	sld [smem:$0x3FFE];
	_ =	sdelay $0x1  }
0x8a: {  	s1 =	srdreg.scid  }
0x8b: {  	s0 =	sand.u32 $0x1, s1  }
0x8c: {  	s17 =	sshll.u32 s0, $0xA;
	s2 =	sadd.s32 s3, s2  }
0x8d: {  	s2 =	sadd.s32 s2, s17  }
0x8e: {  	[smem:$0x3FBD] =	sst s2  }
0x8f: {  	_ = 	snop  }
0x90: {  	s2 =	sld [smem:$0x3FD0];
	(tm) =	ssettm $0x1  }
0x91: {  	s18 =	sld [smem:$0x3FFB];
	_ =	sdelay $0x3  }
0x92: {  	_ =	strace s18  }
0x93: {  	s3 =	sld [smem:$0x3FFC];
	_ =	sdelay $0x3  }
0x94: {  	_ =	strace s3  }
0x95: {  	s3 =	sld [smem:$0x3FFD];
	_ =	sdelay $0x3  }
0x96: {  	_ =	strace s3  }
0x97: {  	_ =	strace $0x8FFFFFFF  }
0x98: {  	s19 =	sld [smem:$0x3FDB];
	_ =	sdelay $0x1  }
0x99: {  	s4 =	simm.s32 $_scs_section_size  }
0x9a: {  	s5 =	simm.s32 $_size__tile_overlayer_lowered;
	s6 =	simm.s32 $_tile_overlayer_lowered  }
0x9b: {  	s22 =	simm.s32 $0x1BFF;
	s21 =	sshll.u32 s6, $0x1;
	s3 =	sadd.s32 s4, s19  }
0x9c: {  	s7 =	simm.s32 $0x0;
	s20 =	sshll.u32 s5, $0x1;
	s5 =	sadd.s32 s21, s3  }
0x9d: {  	[timem:s7], [sflag:s22] =	dma.local [hbm:s5], s20  }
0x9e: {  	_ =	swait.ge [sflag:s22], s20  }
0x9f: {  	s4 =	ssub.s32 $0x0, s20;
	[sflag:s22] =	ssyncset.done $0x0  }
0xa0: {  	[sflag:s22] =	ssyncadd.s32 s4;
	_ =	sdelay $0x1  }
0xa1: {  	s23 =	simm.s32 $0x1B8B  }
0xa2: {  	_ =	swait.ge [sflag:s23], $0x1  }
0xa3: {  	[sflag:s23] =	ssyncset.done $0x0  }
0xa4: {  	s25 =	simm.s32 $0x1B8E;
	s24 =	sld [smem:$0x3FFE];
	[sflag:s23] =	ssyncadd.s32 $0xFFFFFFFF  }
0xa5: {  	s26 =	simm.s32 $execute0_lowered;
	[smem:$0x3FD2] =	sst s25  }
0xa6: {  	s5 =	sshll.u32 s26, $0x1;
	_ =	strace $0x80000046;
	[dreg:$0x1] =	wrdreg $0xFFFFFFFF  }
0xa7: {  	s28 =	simm.s32 $_size_execute0_lowered;
	s3 =	sadd.s32 s3, s5;
	[dreg:$0x0] =	wrdreg $0x0  }
0xa8: {  	s5 =	sshll.u32 s28, $0x1;
	[dreg:$0x2] =	wrdreg s3  }
0xa9: {  	[dreg:$0x3] =	wrdreg s5  }
0xaa: {  	[dreg:$0x4] =	wrdreg $0xC0  }
0xab: {  	_ =	task [dreg:s7], $0x5FFFF  }
0xac: {  	[dreg:$0x1] =	wrdreg $0xFFFFFFFF  }
0xad: {  	[dreg:$0x0] =	wrdreg $0x60  }
0xae: {  	[dreg:$0x2] =	wrdreg s2  }
0xaf: {  	[dreg:$0x3] =	wrdreg s24  }
0xb0: {  	[dreg:$0x4] =	wrdreg $0x0  }
0xb1: {  	[dreg:$0x5] =	wrdreg $0x9  }
0xb2: {  	_ =	task.clear_ibuf [dreg:s7], $0x6FFFF;
	_ =	strace $0x90000046  }
0xb3: {  	s29 =	simm.s32 $0x9;
	_ =	strace $0x80000048  }
0xb4: {  	_ =	swait.ge [sflag:s29], $0x1  }
0xb5: {  	[sflag:s29] =	ssyncadd.s32 $0xFFFFFFFF  }
0xb6: {  	_ =	strace $0x90000048  }
0xb7: {  	_ =	sfence  }
0xb8: {  	s30 =	sld [smem:$0x0];
	_ =	sdelay $0x2  }
0xb9: {  	s31 =	sshll.u32 s1, $0xD;
	s1 =	sshrl.u32 s1, $0x2  }
0xba: {  	s3 =	sand.u32 $0x4000, s31;
	s1 =	sadd.s32 s1, s30  }
0xbb: {  	s0 =	sor.u32 s3, s0;
	s1 =	sshll.u32 s1, $0x11  }
0xbc: {  	s0 =	sor.u32 s1, s0  }
0xbd: {  	s0 =	sadd.s32 $0x8F2B, s0  }
0xbe: {  	[sflag:s0] =	ssyncadd.remote.s32 $0x1  }
0xbf: {  	_ =	sfence.sel $0xFFFF  }
0xc0: {  	[dreg:$0x0] =	wrdreg $0xFFFFFFFF;
	(pc) =	sbr.abs _section_cstart, $3  }
0xc1: {  	[dreg:$0x1] =	wrdreg $0xFFFFFFFF  }
0xc2: {  	_ =	task.clear_ibuf [dreg:s7], $0x2FFFF;
	_ =	strace $0x9FFFFFFF  }
0xc3: {  	(tm) =	ssettm $0x7FFFFFFF  }
tec
execute0_lowered:
.L_overlay_start_1:
0x0: {  	(tag) =	ssettag $0x1  }
0x1: {  	s1 =	rddreg [dreg:$0x0]  }
0x2: {  	s0 =	srdreg.scid;
	s2 =	rddreg [dreg:$0x1]  }
0x3: {  	s12 =	stileid.u32;
	s3 =	rddreg [dreg:$0x2];
	s5 =	simm.s32 $0x0  }
0x4: {  	s14 =	simm.s32 $0x5;
	s17 =	simm.s32 $0x16780;
	s18 =	simm.s32 $0x1F780  }
0x5: {  	s19 =	simm.s32 $0x60;
	s20 =	simm.s32 $0x16500;
	s21 =	simm.s32 $0x10  }
0x6: {  	s28 =	simm.s32 $0x16480;
	s29 =	simm.s32 $0x1C780;
	s30 =	simm.s32 $0x4  }
0x7: {  	s31 =	simm.s32 $0x1;
	s13 =	simm.s32 $0x3;
	s0 =	sand.u32 $0x1, s0  }
0x8: {  	[smem:$0x7FF] =	sst s5;
	s5 =	smul.u32 $0x13C00, s12;
	s6 =	sadd.s32 $0x27CC00, s2  }
0x9: {  	s8 =	sadd.s32 $0x27C600, s2;
	s10 =	smul.u32 $0x4F000, s12;
	s26 =	sshll.u32 s12, $0x6  }
0xa: {  	s4 =	sshll.u32 s0, $0x4;
	_ =	strace $0x80000047;
	s7 =	smul.u32 $0x13C000, s0  }
0xb: {  	[dreg:$0x4] =	wrdreg s8;
	s9 =	ssub.s32 $0x2, s0;
	s8 =	sadd.s32 $0x2CE400, s2  }
0xc: {  	s15 =	sor.u32 $0x1C05, s26;
	s4 =	sor.u32 s12, s4;
	s11 =	sshrl.u32 s9, $0x1  }
0xd: {  	s23 =	sshrl.u32 s10, $0x2;
	s4 =	smul.u32 $0x4E2, s4;
	s7 =	sadd.s32 s5, s7  }
0xe: {  	s22 =	ssub.s32 s9, s11;
	s24 =	sadd.s32 s23, s3;
	s11 =	smul.u32 $0xC, s0  }
0xf: {  	s23 =	sor.u32 $0x1C04, s26;
	s26 =	simm.s32 $0x19780;
	s0 =	simm.s32 $0x16580  }
0x10: {  	s9 =	simm.s32 $0x16600;
	s7 =	sshrl.u32 s7, $0x3;
	s25 =	smax.u32 s22, $0x1  }
0x11: {  	s16 =	sshrl.u32 s24, $0x3;
	s24 =	simm.s32 $0x16380;
	s4 =	sadd.s32 s4, s2  }
0x12: {  	s2 =	sadd.s32 s7, s2;
	[dreg:$0x7] =	wrdreg s25;
	s4 =	sadd.s32 $0x1800, s4  }
0x13: {  	s25 =	simm.s32 $0x16400;
	s2 =	sadd.s32 $0x27F400, s2;
	[dreg:$0x5] =	wrdreg s4  }
0x14: {  	s7 =	simm.s32 $0x0;
	[dreg:$0x6] =	wrdreg s2;
	s2 =	simm.s32 $0x2  }
.LBB2_1:
0x15: {  	[dreg:$0x8] =	wrdreg s7  }
0x16: {  	s4 =	simm.s32 $0x0;
	s22 =	rddreg [dreg:$0x5];
	s10 =	simm.s32 $0x13C00  }
0x17: {  	[tilespmem:s10], [sflag:$0x5] =	stream.linear.gather [hbm4b:s22+s4], $0x2710, $0x38;
	[tilespmem:$0x1FF80] =	vst v63  }
0x18: {  	_ =	swait.ge [sflag:s14], $0x2710  }
0x19: {  	[sflag:s14] =	ssyncset.done $0x0  }
0x1a: {  	[sflag:s14] =	ssyncadd.s32 $0xFFFFD8F0  }
0x1b: {  	[spmem:s16], [sflag:s15] =	dma.local [hbm:s6], $0x2780  }
0x1c: {  	_ =	swait.ge [sflag:s14], $0x2780  }
0x1d: {  	[sflag:s14] =	ssyncset.done $0x0  }
0x1e: {  	s12 =	rddreg [dreg:$0x4];
	[sflag:s14] =	ssyncadd.s32 $0xFFFFD880  }
0x1f: {  	[tilespmem:s17], [sflag:$0x5] =	stream.linear.gather [hbm4b:s12+s4], $0x3000, $0x38;
	[tilespmem:$0x1FF80] =	vst v63  }
0x20: {  	_ =	swait.ge [sflag:s14], $0x3000  }
0x21: {  	[sflag:s14] =	ssyncset.done $0x0  }
0x22: {  	[sflag:s14] =	ssyncadd.s32 $0xFFFFD000  }
0x23: {  	[tilespmem:s18], [sflag:$0x5] =	stream.linear.gather [hbm4b:s12+s4], $0x800, $0x38;
	[tilespmem:$0x1FF80] =	vst v63  }
0x24: {  	_ =	swait.ge [sflag:s14], $0x800  }
0x25: {  	[sflag:s14] =	ssyncset.done $0x0  }
0x26: {  	[sflag:s14] =	ssyncadd.s32 $0xFFFFF800  }
0x27: {  	s22 =	simm.s32 $0x0;
	[bflag:$0x0] =	sbarrier.arrive $0xFFFF  }
0x28: {  	v0 =	vld [tilespmem:s22+$0x13C00];
	_ =	sdelay $0x4  }
0x29: {  	v0 =	vshrl.u32 v0, $0x10  }
0x2a: {  	[tilespmem:$0x16500] =	vst v0  }
0x2b: {  	v0 =	vld [tilespmem:s22+$0x13C10];
	_ =	sdelay $0x4  }
0x2c: {  	v0 =	vshrl.u32 v0, $0x10  }
0x2d: {  	[tilespmem:$0x16510] =	vst v0  }
0x2e: {  	v0 =	vld [tilespmem:s22+$0x13C20];
	_ =	sdelay $0x4  }
0x2f: {  	v0 =	vshrl.u32 v0, $0x10  }
0x30: {  	[tilespmem:$0x16520] =	vst v0  }
0x31: {  	v0 =	vld [tilespmem:s22+$0x13C30];
	_ =	sdelay $0x4  }
0x32: {  	v0 =	vshrl.u32 v0, $0x10  }
0x33: {  	[tilespmem:$0x16530] =	vst v0  }
0x34: {  	v0 =	vld [tilespmem:s22+$0x13C40];
	_ =	sdelay $0x4  }
0x35: {  	v0 =	vshrl.u32 v0, $0x10  }
0x36: {  	[tilespmem:$0x16540] =	vst v0  }
0x37: {  	v0 =	vld [tilespmem:s22+$0x13C50];
	_ =	sdelay $0x4  }
0x38: {  	v0 =	vshrl.u32 v0, $0x10  }
0x39: {  	[tilespmem:$0x16550] =	vst v0  }
0x3a: {  	[spmem:s3] =	stream.indirect.scatter.add.f32 [tilespmem:s17], [sflag:$0x5], $0x80, s20, s19, $0xb8;
	[tilespmem:$0x1FF80] =	vst v63  }
0x3b: {  	_ =	swait.ge [sflag:s14], $0x3000  }
0x3c: {  	s10 =	simm.s32 $0x300;
	s4 =	simm.s32 $0x180;
	[sflag:s14] =	ssyncset.done $0x0  }
.LBB2_2:
0x3d: {  	s12 =	sshra.s32 s4, $0x2  }
0x3e: {  	[sflag:s14] =	ssyncadd.s32 $0xFFFFD000;
	s4 =	smov.u32 s10;
	s7 =	sadd.s32 $0x180, s10  }
0x3f: {  	p0 =	sne.s32 s10, $0x9A80;
	v0 =	vld [tilespmem:s12+$0x13C00];
	_ =	sdelay $0x4  }
0x40: {  	v0 =	vshrl.u32 v0, $0x10  }
0x41: {  	[tilespmem:$0x16500] =	vst v0  }
0x42: {  	v0 =	vld [tilespmem:s12+$0x13C10];
	_ =	sdelay $0x4  }
0x43: {  	v0 =	vshrl.u32 v0, $0x10  }
0x44: {  	[tilespmem:$0x16510] =	vst v0  }
0x45: {  	v0 =	vld [tilespmem:s12+$0x13C20];
	_ =	sdelay $0x4  }
0x46: {  	v0 =	vshrl.u32 v0, $0x10  }
0x47: {  	[tilespmem:$0x16520] =	vst v0  }
0x48: {  	v0 =	vld [tilespmem:s12+$0x13C30];
	_ =	sdelay $0x4  }
0x49: {  	v0 =	vshrl.u32 v0, $0x10  }
0x4a: {  	[tilespmem:$0x16530] =	vst v0  }
0x4b: {  	v0 =	vld [tilespmem:s12+$0x13C40];
	_ =	sdelay $0x4  }
0x4c: {  	v0 =	vshrl.u32 v0, $0x10  }
0x4d: {  	[tilespmem:$0x16540] =	vst v0  }
0x4e: {  	v0 =	vld [tilespmem:s12+$0x13C50];
	_ =	sdelay $0x4  }
.Ltmp0:
0x4f: {  	v0 =	vshrl.u32 v0, $0x10;
	(pc) =	sbr.rel @p0 .LBB2_2-.Ltmp0, $4  }
0x50: {  	[tilespmem:$0x16550] =	vst v0  }
0x51: {  	[spmem:s3] =	stream.indirect.scatter.add.f32 [tilespmem:s17], [sflag:$0x5], $0x80, s20, s19, $0xb8;
	[tilespmem:$0x1FF80] =	vst v63  }
0x52: {  	_ =	swait.ge [sflag:s14], $0x3000  }
0x53: {  	s10 =	smov.u32 s7;
	[sflag:s14] =	ssyncset.done $0x0  }
0x54: {  	s4 =	sshra.s32 s4, $0x2;
	[sflag:s14] =	ssyncadd.s32 $0xFFFFD000  }
0x55: {  	v0 =	vld [tilespmem:s4+$0x13C00];
	_ =	sdelay $0x4  }
0x56: {  	v0 =	vshrl.u32 v0, $0x10  }
0x57: {  	[tilespmem:$0x16500] =	vst v0  }
0x58: {  	v0 =	vld [tilespmem:s4+$0x13C10];
	_ =	sdelay $0x4  }
0x59: {  	v0 =	vshrl.u32 v0, $0x10  }
0x5a: {  	[tilespmem:$0x16510] =	vst v0  }
0x5b: {  	v0 =	vld [tilespmem:s4+$0x13C20];
	_ =	sdelay $0x4  }
0x5c: {  	v0 =	vshrl.u32 v0, $0x10  }
0x5d: {  	[tilespmem:$0x16520] =	vst v0  }
0x5e: {  	v0 =	vld [tilespmem:s4+$0x13C30];
	_ =	sdelay $0x4  }
0x5f: {  	v0 =	vshrl.u32 v0, $0x10  }
0x60: {  	[tilespmem:$0x16530] =	vst v0  }
0x61: {  	v0 =	vld [tilespmem:s4+$0x13C40];
	_ =	sdelay $0x4  }
0x62: {  	v0 =	vshrl.u32 v0, $0x10  }
0x63: {  	[tilespmem:$0x16540] =	vst v0  }
0x64: {  	v0 =	vld [tilespmem:s4+$0x13C50];
	_ =	sdelay $0x4  }
0x65: {  	v0 =	vshrl.u32 v0, $0x10  }
0x66: {  	[tilespmem:$0x16550] =	vst v0  }
0x67: {  	[spmem:s3] =	stream.indirect.scatter.add.f32 [tilespmem:s17], [sflag:$0x5], $0x80, s20, s19, $0xb8;
	[tilespmem:$0x1FF80] =	vst v63  }
0x68: {  	_ =	swait.ge [sflag:s14], $0x3000  }
0x69: {  	[sflag:s14] =	ssyncset.done $0x0  }
0x6a: {  	[sflag:s14] =	ssyncadd.s32 $0xFFFFD000  }
0x6b: {  	v63 =	vld [tilespmem:$0x16300];
	_ =	sdelay $0x4  }
0x6c: {  	v0 =	vshrl.u32 v63, $0x10  }
0x6d: {  	s12 =	simm.s32 $0x16700;
	[tilespmem:$0x16700] =	vst v0  }
0x6e: {  	[spmem:s3] =	stream.indirect.scatter.add.f32 [tilespmem:s18], [sflag:$0x5], $0x80, s12, s21, $0xb8;
	[tilespmem:$0x1FF80] =	vst v63  }
0x6f: {  	_ =	swait.ge [sflag:s14], $0x800  }
0x70: {  	[sflag:s14] =	ssyncset.done $0x0  }
0x71: {  	[sflag:s14] =	ssyncadd.s32 $0xFFFFF800  }
0x72: {  	[bflag:$0x0] =	sbarrier.arrive $0xFFFF  }
0x73: {  	s7 =	simm.s32 $0x0;
	s4 =	simm.s32 $0x0;
	s22 =	rddreg [dreg:$0x6]  }
0x74: {  	[hbm:s22], [sflag:s23] =	dma.local [spmem:s16], $0x2780  }
.LBB2_4:
0x75: {  	v0 =	vld [tilespmem:$0x13C00];
	_ =	sdelay $0x1  }
0x76: {  	v1 =	vld [tilespmem:$0x13C10];
	_ =	sdelay $0x1  }
0x77: {  	v2 =	vld [tilespmem:$0x13C20]  }
0x78: {  	v3 =	vand.u32 $0xFFFF, v0  }
0x79: {  	v4 =	vld [tilespmem:$0x13C30];
	v3 =	vmul.u32 $0xC, v3  }
0x7a: {  	v5 =	vand.u32 $0xFFFF, v1  }
0x7b: {  	v6 =	vld [tilespmem:$0x13C40];
	v5 =	vmul.u32 $0xC, v5;
	v3 =	vadd.s32 s7, v3  }
0x7c: {  	v0 =	vshrl.u32 v0, $0x10;
	[tilespmem:$0x16380] =	vst v3;
	v3 =	vand.u32 $0xFFFF, v2  }
0x7d: {  	v55 =	vld [tilespmem:$0x13C50];
	[tilespmem:$0x16500] =	vst v0;
	v0 =	vadd.s32 s7, v5;
	v3 =	vmul.u32 $0xC, v3  }
0x7e: {  	[tilespmem:$0x16390] =	vst v0;
	v0 =	vshrl.u32 v1, $0x10;
	v1 =	vand.u32 $0xFFFF, v4  }
0x7f: {  	[tilespmem:$0x16510] =	vst v0;
	v1 =	vmul.u32 $0xC, v1;
	v0 =	vadd.s32 s7, v3  }
0x80: {  	[tilespmem:$0x163A0] =	vst v0;
	v0 =	vshrl.u32 v2, $0x10;
	v2 =	vand.u32 $0xFFFF, v6  }
0x81: {  	[tilespmem:$0x16520] =	vst v0;
	v0 =	vadd.s32 s7, v1;
	v1 =	vmul.u32 $0xC, v2  }
0x82: {  	v2 =	vand.u32 $0xFFFF, v55;
	[tilespmem:$0x163B0] =	vst v0;
	v0 =	vshrl.u32 v4, $0x10  }
0x83: {  	[tilespmem:$0x16530] =	vst v0;
	v0 =	vadd.s32 s7, v1;
	v1 =	vmul.u32 $0xC, v2  }
0x84: {  	[tilespmem:$0x163C0] =	vst v0;
	v0 =	vshrl.u32 v6, $0x10  }
0x85: {  	[tilespmem:$0x16540] =	vst v0;
	v0 =	vadd.s32 s7, v1  }
0x86: {  	[tilespmem:$0x163D0] =	vst v0;
	v0 =	vshrl.u32 v55, $0x10  }
0x87: {  	[tilespmem:$0x16550] =	vst v0  }
0x88: {  	[tilespmem:s17], [sflag:$0x1] =	stream.indirect.gather [hbm4b:s1+s19], $0x80, s24, s19, $0xb8;
	[tilespmem:$0x1FF80] =	vst v63  }
0x89: {  	v0 =	vld [tilespmem:$0x13C60];
	_ =	sdelay $0x1  }
0x8a: {  	v1 =	vld [tilespmem:$0x13C70];
	_ =	sdelay $0x1  }
0x8b: {  	v2 =	vld [tilespmem:$0x13C80]  }
0x8c: {  	v3 =	vand.u32 $0xFFFF, v0  }
0x8d: {  	v56 =	vld [tilespmem:$0x13C90];
	v3 =	vmul.u32 $0xC, v3  }
0x8e: {  	v57 =	vand.u32 $0xFFFF, v1  }
0x8f: {  	v58 =	vld [tilespmem:$0x13CA0];
	v5 =	vmul.u32 $0xC, v57;
	v3 =	vadd.s32 s7, v3  }
0x90: {  	v0 =	vshrl.u32 v0, $0x10;
	[tilespmem:$0x16400] =	vst v3;
	v3 =	vand.u32 $0xFFFF, v2  }
0x91: {  	v59 =	vld [tilespmem:$0x13CB0];
	[tilespmem:$0x16580] =	vst v0;
	v0 =	vadd.s32 s7, v5;
	v3 =	vmul.u32 $0xC, v3  }
0x92: {  	[tilespmem:$0x16410] =	vst v0;
	v0 =	vshrl.u32 v1, $0x10;
	v1 =	vand.u32 $0xFFFF, v56  }
0x93: {  	[tilespmem:$0x16590] =	vst v0;
	v1 =	vmul.u32 $0xC, v1;
	v0 =	vadd.s32 s7, v3  }
0x94: {  	[tilespmem:$0x16420] =	vst v0;
	v0 =	vshrl.u32 v2, $0x10;
	v2 =	vand.u32 $0xFFFF, v58  }
0x95: {  	[tilespmem:$0x165A0] =	vst v0;
	v0 =	vadd.s32 s7, v1;
	v1 =	vmul.u32 $0xC, v2  }
0x96: {  	v2 =	vand.u32 $0xFFFF, v59;
	[tilespmem:$0x16430] =	vst v0;
	v0 =	vshrl.u32 v56, $0x10  }
0x97: {  	[tilespmem:$0x165B0] =	vst v0;
	v0 =	vadd.s32 s7, v1;
	v1 =	vmul.u32 $0xC, v2  }
0x98: {  	[tilespmem:$0x16440] =	vst v0;
	v0 =	vshrl.u32 v58, $0x10  }
0x99: {  	[tilespmem:$0x165C0] =	vst v0;
	v0 =	vadd.s32 s7, v1  }
0x9a: {  	[tilespmem:$0x16450] =	vst v0;
	v0 =	vshrl.u32 v59, $0x10  }
0x9b: {  	[tilespmem:$0x165D0] =	vst v0  }
0x9c: {  	[tilespmem:s26], [sflag:$0x2] =	stream.indirect.gather [hbm4b:s1+s19], $0x80, s25, s19, $0xb8;
	[tilespmem:$0x1FF80] =	vst v63  }
0x9d: {  	v0 =	vld [tilespmem:$0x13CC0];
	_ =	sdelay $0x1  }
0x9e: {  	v1 =	vld [tilespmem:$0x13CD0];
	_ =	sdelay $0x1  }
0x9f: {  	v2 =	vld [tilespmem:$0x13CE0]  }
0xa0: {  	v3 =	vand.u32 $0xFFFF, v0  }
0xa1: {  	v60 =	vld [tilespmem:$0x13CF0];
	v3 =	vmul.u32 $0xC, v3  }
0xa2: {  	v61 =	vand.u32 $0xFFFF, v1  }
0xa3: {  	v62 =	vld [tilespmem:$0x13D00];
	v5 =	vmul.u32 $0xC, v61;
	v3 =	vadd.s32 s7, v3  }
0xa4: {  	v0 =	vshrl.u32 v0, $0x10;
	[tilespmem:$0x16480] =	vst v3;
	v3 =	vand.u32 $0xFFFF, v2  }
0xa5: {  	v63 =	vld [tilespmem:$0x13D10];
	[tilespmem:$0x16600] =	vst v0;
	v0 =	vadd.s32 s7, v5;
	v3 =	vmul.u32 $0xC, v3  }
0xa6: {  	[tilespmem:$0x16490] =	vst v0;
	v0 =	vshrl.u32 v1, $0x10;
	v1 =	vand.u32 $0xFFFF, v60  }
0xa7: {  	[tilespmem:$0x16610] =	vst v0;
	v1 =	vmul.u32 $0xC, v1;
	v0 =	vadd.s32 s7, v3  }
0xa8: {  	[tilespmem:$0x164A0] =	vst v0;
	v0 =	vshrl.u32 v2, $0x10;
	v2 =	vand.u32 $0xFFFF, v62  }
0xa9: {  	[tilespmem:$0x16620] =	vst v0;
	v0 =	vadd.s32 s7, v1;
	v1 =	vmul.u32 $0xC, v2  }
0xaa: {  	v2 =	vand.u32 $0xFFFF, v63;
	[tilespmem:$0x164B0] =	vst v0;
	v0 =	vshrl.u32 v60, $0x10  }
0xab: {  	[tilespmem:$0x16630] =	vst v0;
	v0 =	vadd.s32 s7, v1;
	v1 =	vmul.u32 $0xC, v2  }
0xac: {  	[tilespmem:$0x164C0] =	vst v0;
	v0 =	vshrl.u32 v62, $0x10  }
0xad: {  	[tilespmem:$0x16640] =	vst v0;
	v0 =	vadd.s32 s7, v1  }
0xae: {  	[tilespmem:$0x164D0] =	vst v0;
	v0 =	vshrl.u32 v63, $0x10  }
0xaf: {  	[tilespmem:$0x16650] =	vst v0  }
0xb0: {  	[tilespmem:s29], [sflag:$0x3] =	stream.indirect.gather [hbm4b:s1+s19], $0x80, s28, s19, $0xb8;
	[tilespmem:$0x1FF80] =	vst v63  }
0xb1: {  	_ =	swait.ge [sflag:s30], $0x2780  }
0xb2: {  	[sflag:s30] =	ssyncset.done $0x0  }
0xb3: {  	[sflag:s30] =	ssyncadd.s32 $0xFFFFD880  }
0xb4: {  	[spmem:s16], [sflag:s15] =	dma.local [hbm:s6], $0x2780  }
0xb5: {  	_ =	swait.ge [sflag:s14], $0x2780  }
0xb6: {  	[sflag:s14] =	ssyncset.done $0x0  }
0xb7: {  	[sflag:s14] =	ssyncadd.s32 $0xFFFFD880  }
0xb8: {  	[bflag:$0x0] =	sbarrier.arrive $0xFFFF  }
0xb9: {  	_ =	swait.ge [sflag:s31], $0x3000  }
0xba: {  	[sflag:s31] =	ssyncset.done $0x0  }
0xbb: {  	[sflag:s31] =	ssyncadd.s32 $0xFFFFD000  }
0xbc: {  	[spmem:s3] =	stream.indirect.scatter.add.f32 [tilespmem:s17], [sflag:$0x5], $0x80, s20, s19, $0xb8;
	[tilespmem:$0x1FF80] =	vst v63  }
0xbd: {  	_ =	swait.ge [sflag:s14], $0x3000  }
0xbe: {  	[sflag:s14] =	ssyncset.done $0x0  }
0xbf: {  	s10 =	simm.s32 $0x13E30;
	[sflag:s14] =	ssyncadd.s32 $0xFFFFD000  }
0xc0: {  	v1 =	vld [tilespmem:s10+$0xFFFFFEF0];
	_ =	sdelay $0x4  }
0xc1: {  	v0 =	vand.u32 $0xFFFF, v1  }
0xc2: {  	v2 =	vmul.u32 $0xC, v0  }
0xc3: {  	v1 =	vshrl.u32 v1, $0x10;
	v0 =	vmov s7  }
0xc4: {  	[tilespmem:$0x16500] =	vst v1;
	v2 =	vadd.s32 v0, v2  }
0xc5: {  	[tilespmem:$0x16380] =	vst v2  }
0xc6: {  	v1 =	vld [tilespmem:s10+$0xFFFFFF00];
	_ =	sdelay $0x4  }
0xc7: {  	v2 =	vand.u32 $0xFFFF, v1  }
0xc8: {  	v2 =	vmul.u32 $0xC, v2  }
0xc9: {  	v1 =	vshrl.u32 v1, $0x10  }
0xca: {  	[tilespmem:$0x16510] =	vst v1;
	v1 =	vadd.s32 v0, v2  }
0xcb: {  	[tilespmem:$0x16390] =	vst v1  }
0xcc: {  	v1 =	vld [tilespmem:s10+$0xFFFFFF10];
	_ =	sdelay $0x4  }
0xcd: {  	v2 =	vand.u32 $0xFFFF, v1  }
0xce: {  	v2 =	vmul.u32 $0xC, v2  }
0xcf: {  	v1 =	vshrl.u32 v1, $0x10  }
0xd0: {  	[tilespmem:$0x16520] =	vst v1;
	v1 =	vadd.s32 v0, v2  }
0xd1: {  	[tilespmem:$0x163A0] =	vst v1  }
0xd2: {  	v1 =	vld [tilespmem:s10+$0xFFFFFF20];
	_ =	sdelay $0x4  }
0xd3: {  	v2 =	vand.u32 $0xFFFF, v1  }
0xd4: {  	v2 =	vmul.u32 $0xC, v2  }
0xd5: {  	v1 =	vshrl.u32 v1, $0x10  }
0xd6: {  	[tilespmem:$0x16530] =	vst v1;
	v1 =	vadd.s32 v0, v2  }
0xd7: {  	[tilespmem:$0x163B0] =	vst v1  }
0xd8: {  	v1 =	vld [tilespmem:s10+$0xFFFFFF30];
	_ =	sdelay $0x4  }
0xd9: {  	v2 =	vand.u32 $0xFFFF, v1  }
0xda: {  	v2 =	vmul.u32 $0xC, v2  }
0xdb: {  	v1 =	vshrl.u32 v1, $0x10  }
0xdc: {  	[tilespmem:$0x16540] =	vst v1;
	v1 =	vadd.s32 v0, v2  }
0xdd: {  	[tilespmem:$0x163C0] =	vst v1  }
0xde: {  	v1 =	vld [tilespmem:s10+$0xFFFFFF40];
	_ =	sdelay $0x4  }
0xdf: {  	v2 =	vand.u32 $0xFFFF, v1  }
0xe0: {  	v2 =	vmul.u32 $0xC, v2  }
0xe1: {  	v1 =	vshrl.u32 v1, $0x10  }
0xe2: {  	[tilespmem:$0x16550] =	vst v1;
	v1 =	vadd.s32 v0, v2  }
0xe3: {  	[tilespmem:$0x163D0] =	vst v1  }
0xe4: {  	[tilespmem:s17], [sflag:$0x1] =	stream.indirect.gather [hbm4b:s1+s19], $0x80, s24, s19, $0xb8;
	[tilespmem:$0x1FF80] =	vst v63  }
0xe5: {  	_ =	swait.ge [sflag:s2], $0x3000  }
0xe6: {  	[sflag:s2] =	ssyncset.done $0x0  }
0xe7: {  	[sflag:s2] =	ssyncadd.s32 $0xFFFFD000  }
0xe8: {  	[spmem:s3] =	stream.indirect.scatter.add.f32 [tilespmem:s26], [sflag:$0x5], $0x80, s0, s19, $0xb8;
	[tilespmem:$0x1FF80] =	vst v63  }
0xe9: {  	_ =	swait.ge [sflag:s14], $0x3000  }
0xea: {  	[sflag:s14] =	ssyncset.done $0x0  }
0xeb: {  	s12 =	sand.u32 $0x7FE0, s4;
	[sflag:s14] =	ssyncadd.s32 $0xFFFFD000  }
0xec: {  	v1 =	vld [tilespmem:s12+$0x13D80];
	_ =	sdelay $0x4  }
0xed: {  	v2 =	vand.u32 $0xFFFF, v1  }
0xee: {  	v2 =	vmul.u32 $0xC, v2  }
0xef: {  	v1 =	vshrl.u32 v1, $0x10  }
0xf0: {  	[tilespmem:$0x16580] =	vst v1;
	v2 =	vadd.s32 v0, v2  }
0xf1: {  	[tilespmem:$0x16400] =	vst v2  }
0xf2: {  	v1 =	vld [tilespmem:s10+$0xFFFFFF60];
	_ =	sdelay $0x4  }
0xf3: {  	v2 =	vand.u32 $0xFFFF, v1  }
0xf4: {  	v2 =	vmul.u32 $0xC, v2  }
0xf5: {  	v1 =	vshrl.u32 v1, $0x10  }
0xf6: {  	[tilespmem:$0x16590] =	vst v1;
	v1 =	vadd.s32 v0, v2  }
0xf7: {  	[tilespmem:$0x16410] =	vst v1  }
0xf8: {  	v1 =	vld [tilespmem:s10+$0xFFFFFF70];
	_ =	sdelay $0x4  }
0xf9: {  	v2 =	vand.u32 $0xFFFF, v1  }
0xfa: {  	v2 =	vmul.u32 $0xC, v2  }
0xfb: {  	v1 =	vshrl.u32 v1, $0x10  }
0xfc: {  	[tilespmem:$0x165A0] =	vst v1;
	v1 =	vadd.s32 v0, v2  }
0xfd: {  	[tilespmem:$0x16420] =	vst v1  }
0xfe: {  	v1 =	vld [tilespmem:s10+$0xFFFFFF80];
	_ =	sdelay $0x4  }
0xff: {  	v2 =	vand.u32 $0xFFFF, v1  }
0x100: {  	v2 =	vmul.u32 $0xC, v2  }
0x101: {  	v1 =	vshrl.u32 v1, $0x10  }
0x102: {  	[tilespmem:$0x165B0] =	vst v1;
	v1 =	vadd.s32 v0, v2  }
0x103: {  	[tilespmem:$0x16430] =	vst v1  }
0x104: {  	v1 =	vld [tilespmem:s10+$0xFFFFFF90];
	_ =	sdelay $0x4  }
0x105: {  	v2 =	vand.u32 $0xFFFF, v1  }
0x106: {  	v2 =	vmul.u32 $0xC, v2  }
0x107: {  	v1 =	vshrl.u32 v1, $0x10  }
0x108: {  	[tilespmem:$0x165C0] =	vst v1;
	v1 =	vadd.s32 v0, v2  }
0x109: {  	[tilespmem:$0x16440] =	vst v1  }
0x10a: {  	v1 =	vld [tilespmem:s10+$0xFFFFFFA0];
	_ =	sdelay $0x4  }
0x10b: {  	v2 =	vand.u32 $0xFFFF, v1  }
0x10c: {  	v2 =	vmul.u32 $0xC, v2  }
0x10d: {  	v1 =	vshrl.u32 v1, $0x10  }
0x10e: {  	[tilespmem:$0x165D0] =	vst v1;
	v1 =	vadd.s32 v0, v2  }
0x10f: {  	[tilespmem:$0x16450] =	vst v1  }
0x110: {  	[tilespmem:s26], [sflag:$0x2] =	stream.indirect.gather [hbm4b:s1+s19], $0x80, s25, s19, $0xb8;
	[tilespmem:$0x1FF80] =	vst v63  }
0x111: {  	_ =	swait.ge [sflag:s13], $0x3000  }
0x112: {  	[sflag:s13] =	ssyncset.done $0x0  }
0x113: {  	[sflag:s13] =	ssyncadd.s32 $0xFFFFD000  }
0x114: {  	[spmem:s3] =	stream.indirect.scatter.add.f32 [tilespmem:s29], [sflag:$0x5], $0x80, s9, s19, $0xb8;
	[tilespmem:$0x1FF80] =	vst v63  }
0x115: {  	_ =	swait.ge [sflag:s14], $0x3000  }
0x116: {  	[sflag:s14] =	ssyncset.done $0x0  }
0x117: {  	[sflag:s14] =	ssyncadd.s32 $0xFFFFD000  }
0x118: {  	v1 =	vld [tilespmem:s10+$0xFFFFFFB0];
	_ =	sdelay $0x4  }
0x119: {  	v2 =	vand.u32 $0xFFFF, v1  }
0x11a: {  	v2 =	vmul.u32 $0xC, v2  }
0x11b: {  	v1 =	vshrl.u32 v1, $0x10  }
0x11c: {  	[tilespmem:$0x16600] =	vst v1;
	v2 =	vadd.s32 v0, v2  }
0x11d: {  	[tilespmem:$0x16480] =	vst v2  }
0x11e: {  	v1 =	vld [tilespmem:s10+$0xFFFFFFC0];
	_ =	sdelay $0x4  }
0x11f: {  	v2 =	vand.u32 $0xFFFF, v1  }
0x120: {  	v2 =	vmul.u32 $0xC, v2  }
0x121: {  	v1 =	vshrl.u32 v1, $0x10  }
0x122: {  	[tilespmem:$0x16610] =	vst v1;
	v1 =	vadd.s32 v0, v2  }
0x123: {  	[tilespmem:$0x16490] =	vst v1  }
0x124: {  	v1 =	vld [tilespmem:s12+$0x13E00];
	_ =	sdelay $0x4  }
0x125: {  	v2 =	vand.u32 $0xFFFF, v1  }
0x126: {  	v2 =	vmul.u32 $0xC, v2  }
0x127: {  	v1 =	vshrl.u32 v1, $0x10  }
0x128: {  	[tilespmem:$0x16620] =	vst v1;
	v1 =	vadd.s32 v0, v2  }
0x129: {  	[tilespmem:$0x164A0] =	vst v1  }
0x12a: {  	v1 =	vld [tilespmem:s10+$0xFFFFFFE0];
	_ =	sdelay $0x4  }
0x12b: {  	v2 =	vand.u32 $0xFFFF, v1  }
0x12c: {  	v2 =	vmul.u32 $0xC, v2  }
0x12d: {  	v1 =	vshrl.u32 v1, $0x10  }
0x12e: {  	[tilespmem:$0x16630] =	vst v1;
	v1 =	vadd.s32 v0, v2  }
0x12f: {  	[tilespmem:$0x164B0] =	vst v1  }
0x130: {  	v1 =	vld [tilespmem:s10+$0xFFFFFFF0];
	_ =	sdelay $0x4  }
0x131: {  	v2 =	vand.u32 $0xFFFF, v1  }
0x132: {  	v2 =	vmul.u32 $0xC, v2  }
0x133: {  	v1 =	vshrl.u32 v1, $0x10  }
0x134: {  	[tilespmem:$0x16640] =	vst v1;
	v1 =	vadd.s32 v0, v2  }
0x135: {  	[tilespmem:$0x164C0] =	vst v1  }
0x136: {  	v1 =	vld [tilespmem:s10+$0x0];
	_ =	sdelay $0x4  }
0x137: {  	v2 =	vand.u32 $0xFFFF, v1  }
0x138: {  	v2 =	vmul.u32 $0xC, v2  }
0x139: {  	v1 =	vshrl.u32 v1, $0x10  }
0x13a: {  	[tilespmem:$0x16650] =	vst v1;
	v1 =	vadd.s32 v0, v2  }
0x13b: {  	s12 =	simm.s32 $0x120;
	s10 =	simm.s32 $0x13F50;
	[tilespmem:$0x164D0] =	vst v1  }
.LBB2_5:
0x13c: {  	[tilespmem:s29], [sflag:$0x3] =	stream.indirect.gather [hbm4b:s1+s19], $0x80, s28, s19, $0xb8;
	[tilespmem:$0x1FF80] =	vst v63  }
0x13d: {  	s22 =	smov.u32 s12  }
0x13e: {  	p0 =	sne.s32 s12, $0x2400;
	s12 =	sadd.s32 $0x120, s12;
	_ =	swait.ge [sflag:s31], $0x3000  }
0x13f: {  	[sflag:s31] =	ssyncset.done $0x0  }
0x140: {  	[sflag:s31] =	ssyncadd.s32 $0xFFFFD000  }
0x141: {  	[spmem:s3] =	stream.indirect.scatter.add.f32 [tilespmem:s17], [sflag:$0x5], $0x80, s20, s19, $0xb8;
	[tilespmem:$0x1FF80] =	vst v63  }
0x142: {  	_ =	swait.ge [sflag:s14], $0x3000  }
0x143: {  	[sflag:s14] =	ssyncset.done $0x0  }
0x144: {  	[sflag:s14] =	ssyncadd.s32 $0xFFFFD000  }
0x145: {  	v1 =	vld [tilespmem:s10+$0xFFFFFEF0];
	_ =	sdelay $0x4  }
0x146: {  	v2 =	vand.u32 $0xFFFF, v1;
	v1 =	vshrl.u32 v1, $0x10  }
0x147: {  	v2 =	vmul.u32 $0xC, v2;
	_ =	sdelay $0x1  }
0x148: {  	v2 =	vadd.s32 v0, v2;
	[tilespmem:$0x16500] =	vst v1  }
0x149: {  	[tilespmem:$0x16380] =	vst v2  }
0x14a: {  	v1 =	vld [tilespmem:s10+$0xFFFFFF00];
	_ =	sdelay $0x4  }
0x14b: {  	v2 =	vand.u32 $0xFFFF, v1;
	v1 =	vshrl.u32 v1, $0x10  }
0x14c: {  	v2 =	vmul.u32 $0xC, v2;
	[tilespmem:$0x16510] =	vst v1;
	_ =	sdelay $0x1  }
0x14d: {  	v1 =	vadd.s32 v0, v2  }
0x14e: {  	[tilespmem:$0x16390] =	vst v1  }
0x14f: {  	v1 =	vld [tilespmem:s10+$0xFFFFFF10];
	_ =	sdelay $0x4  }
0x150: {  	v2 =	vand.u32 $0xFFFF, v1;
	v1 =	vshrl.u32 v1, $0x10  }
0x151: {  	v2 =	vmul.u32 $0xC, v2;
	[tilespmem:$0x16520] =	vst v1;
	_ =	sdelay $0x1  }
0x152: {  	v1 =	vadd.s32 v0, v2  }
0x153: {  	[tilespmem:$0x163A0] =	vst v1  }
0x154: {  	v1 =	vld [tilespmem:s10+$0xFFFFFF20];
	_ =	sdelay $0x4  }
0x155: {  	v2 =	vand.u32 $0xFFFF, v1;
	v1 =	vshrl.u32 v1, $0x10  }
0x156: {  	v2 =	vmul.u32 $0xC, v2;
	[tilespmem:$0x16530] =	vst v1;
	_ =	sdelay $0x1  }
0x157: {  	v1 =	vadd.s32 v0, v2  }
0x158: {  	[tilespmem:$0x163B0] =	vst v1  }
0x159: {  	v1 =	vld [tilespmem:s10+$0xFFFFFF30];
	_ =	sdelay $0x4  }
0x15a: {  	v2 =	vand.u32 $0xFFFF, v1;
	v1 =	vshrl.u32 v1, $0x10  }
0x15b: {  	v2 =	vmul.u32 $0xC, v2;
	[tilespmem:$0x16540] =	vst v1;
	_ =	sdelay $0x1  }
0x15c: {  	v1 =	vadd.s32 v0, v2  }
0x15d: {  	[tilespmem:$0x163C0] =	vst v1  }
0x15e: {  	v1 =	vld [tilespmem:s10+$0xFFFFFF40];
	_ =	sdelay $0x4  }
0x15f: {  	v2 =	vand.u32 $0xFFFF, v1;
	v1 =	vshrl.u32 v1, $0x10  }
0x160: {  	v2 =	vmul.u32 $0xC, v2;
	[tilespmem:$0x16550] =	vst v1;
	_ =	sdelay $0x1  }
0x161: {  	v1 =	vadd.s32 v0, v2  }
0x162: {  	[tilespmem:$0x163D0] =	vst v1  }
0x163: {  	[tilespmem:s17], [sflag:$0x1] =	stream.indirect.gather [hbm4b:s1+s19], $0x80, s24, s19, $0xb8;
	[tilespmem:$0x1FF80] =	vst v63  }
0x164: {  	_ =	swait.ge [sflag:s2], $0x3000  }
0x165: {  	[sflag:s2] =	ssyncset.done $0x0  }
0x166: {  	[sflag:s2] =	ssyncadd.s32 $0xFFFFD000  }
0x167: {  	[spmem:s3] =	stream.indirect.scatter.add.f32 [tilespmem:s26], [sflag:$0x5], $0x80, s0, s19, $0xb8;
	[tilespmem:$0x1FF80] =	vst v63  }
0x168: {  	_ =	swait.ge [sflag:s14], $0x3000  }
0x169: {  	[sflag:s14] =	ssyncset.done $0x0  }
0x16a: {  	s22 =	sand.u32 $0x7FE0, s22;
	[sflag:s14] =	ssyncadd.s32 $0xFFFFD000  }
0x16b: {  	v1 =	vld [tilespmem:s22+$0x13D80];
	_ =	sdelay $0x4  }
0x16c: {  	v2 =	vand.u32 $0xFFFF, v1;
	v1 =	vshrl.u32 v1, $0x10  }
0x16d: {  	v2 =	vmul.u32 $0xC, v2;
	_ =	sdelay $0x1  }
0x16e: {  	v2 =	vadd.s32 v0, v2;
	[tilespmem:$0x16580] =	vst v1  }
0x16f: {  	[tilespmem:$0x16400] =	vst v2  }
0x170: {  	v1 =	vld [tilespmem:s10+$0xFFFFFF60];
	_ =	sdelay $0x4  }
0x171: {  	v2 =	vand.u32 $0xFFFF, v1;
	v1 =	vshrl.u32 v1, $0x10  }
0x172: {  	v2 =	vmul.u32 $0xC, v2;
	[tilespmem:$0x16590] =	vst v1;
	_ =	sdelay $0x1  }
0x173: {  	v1 =	vadd.s32 v0, v2  }
0x174: {  	[tilespmem:$0x16410] =	vst v1  }
0x175: {  	v1 =	vld [tilespmem:s10+$0xFFFFFF70];
	_ =	sdelay $0x4  }
0x176: {  	v2 =	vand.u32 $0xFFFF, v1;
	v1 =	vshrl.u32 v1, $0x10  }
0x177: {  	v2 =	vmul.u32 $0xC, v2;
	[tilespmem:$0x165A0] =	vst v1;
	_ =	sdelay $0x1  }
0x178: {  	v1 =	vadd.s32 v0, v2  }
0x179: {  	[tilespmem:$0x16420] =	vst v1  }
0x17a: {  	v1 =	vld [tilespmem:s10+$0xFFFFFF80];
	_ =	sdelay $0x4  }
0x17b: {  	v2 =	vand.u32 $0xFFFF, v1;
	v1 =	vshrl.u32 v1, $0x10  }
0x17c: {  	v2 =	vmul.u32 $0xC, v2;
	[tilespmem:$0x165B0] =	vst v1;
	_ =	sdelay $0x1  }
0x17d: {  	v1 =	vadd.s32 v0, v2  }
0x17e: {  	[tilespmem:$0x16430] =	vst v1  }
0x17f: {  	v1 =	vld [tilespmem:s10+$0xFFFFFF90];
	_ =	sdelay $0x4  }
0x180: {  	v2 =	vand.u32 $0xFFFF, v1;
	v1 =	vshrl.u32 v1, $0x10  }
0x181: {  	v2 =	vmul.u32 $0xC, v2;
	[tilespmem:$0x165C0] =	vst v1;
	_ =	sdelay $0x1  }
0x182: {  	v1 =	vadd.s32 v0, v2  }
0x183: {  	[tilespmem:$0x16440] =	vst v1  }
0x184: {  	v1 =	vld [tilespmem:s10+$0xFFFFFFA0];
	_ =	sdelay $0x4  }
0x185: {  	v2 =	vand.u32 $0xFFFF, v1;
	v1 =	vshrl.u32 v1, $0x10  }
0x186: {  	v2 =	vmul.u32 $0xC, v2;
	[tilespmem:$0x165D0] =	vst v1;
	_ =	sdelay $0x1  }
0x187: {  	v1 =	vadd.s32 v0, v2  }
0x188: {  	[tilespmem:$0x16450] =	vst v1  }
0x189: {  	[tilespmem:s26], [sflag:$0x2] =	stream.indirect.gather [hbm4b:s1+s19], $0x80, s25, s19, $0xb8;
	[tilespmem:$0x1FF80] =	vst v63  }
0x18a: {  	_ =	swait.ge [sflag:s13], $0x3000  }
0x18b: {  	[sflag:s13] =	ssyncset.done $0x0  }
0x18c: {  	[sflag:s13] =	ssyncadd.s32 $0xFFFFD000  }
0x18d: {  	[spmem:s3] =	stream.indirect.scatter.add.f32 [tilespmem:s29], [sflag:$0x5], $0x80, s9, s19, $0xb8;
	[tilespmem:$0x1FF80] =	vst v63  }
0x18e: {  	_ =	swait.ge [sflag:s14], $0x3000  }
0x18f: {  	[sflag:s14] =	ssyncset.done $0x0  }
0x190: {  	[sflag:s14] =	ssyncadd.s32 $0xFFFFD000  }
0x191: {  	v1 =	vld [tilespmem:s10+$0xFFFFFFB0];
	_ =	sdelay $0x4  }
0x192: {  	v2 =	vand.u32 $0xFFFF, v1;
	v1 =	vshrl.u32 v1, $0x10  }
0x193: {  	v2 =	vmul.u32 $0xC, v2;
	_ =	sdelay $0x1  }
0x194: {  	v2 =	vadd.s32 v0, v2;
	[tilespmem:$0x16600] =	vst v1  }
0x195: {  	[tilespmem:$0x16480] =	vst v2  }
0x196: {  	v1 =	vld [tilespmem:s10+$0xFFFFFFC0];
	_ =	sdelay $0x4  }
0x197: {  	v2 =	vand.u32 $0xFFFF, v1;
	v1 =	vshrl.u32 v1, $0x10  }
0x198: {  	v2 =	vmul.u32 $0xC, v2;
	[tilespmem:$0x16610] =	vst v1;
	_ =	sdelay $0x1  }
0x199: {  	v1 =	vadd.s32 v0, v2  }
0x19a: {  	[tilespmem:$0x16490] =	vst v1  }
0x19b: {  	v1 =	vld [tilespmem:s22+$0x13E00];
	_ =	sdelay $0x4  }
0x19c: {  	v2 =	vand.u32 $0xFFFF, v1;
	v1 =	vshrl.u32 v1, $0x10  }
0x19d: {  	v2 =	vmul.u32 $0xC, v2;
	[tilespmem:$0x16620] =	vst v1;
	_ =	sdelay $0x1  }
0x19e: {  	v1 =	vadd.s32 v0, v2  }
0x19f: {  	[tilespmem:$0x164A0] =	vst v1  }
0x1a0: {  	v1 =	vld [tilespmem:s10+$0xFFFFFFE0];
	_ =	sdelay $0x4  }
0x1a1: {  	v2 =	vand.u32 $0xFFFF, v1;
	v1 =	vshrl.u32 v1, $0x10  }
0x1a2: {  	v2 =	vmul.u32 $0xC, v2;
	[tilespmem:$0x16630] =	vst v1;
	_ =	sdelay $0x1  }
0x1a3: {  	v1 =	vadd.s32 v0, v2  }
0x1a4: {  	[tilespmem:$0x164B0] =	vst v1  }
0x1a5: {  	v1 =	vld [tilespmem:s10+$0xFFFFFFF0];
	_ =	sdelay $0x4  }
0x1a6: {  	v2 =	vand.u32 $0xFFFF, v1;
	v1 =	vshrl.u32 v1, $0x10  }
0x1a7: {  	v2 =	vmul.u32 $0xC, v2;
	[tilespmem:$0x16640] =	vst v1;
	_ =	sdelay $0x1  }
0x1a8: {  	v1 =	vadd.s32 v0, v2  }
0x1a9: {  	[tilespmem:$0x164C0] =	vst v1  }
0x1aa: {  	v1 =	vld [tilespmem:s10+$0x0];
	_ =	sdelay $0x4  }
.Ltmp1:
0x1ab: {  	v2 =	vand.u32 $0xFFFF, v1;
	v1 =	vshrl.u32 v1, $0x10;
	(pc) =	sbr.rel @p0 .LBB2_5-.Ltmp1, $3  }
0x1ac: {  	v2 =	vmul.u32 $0xC, v2;
	[tilespmem:$0x16650] =	vst v1;
	_ =	sdelay $0x1  }
0x1ad: {  	v1 =	vadd.s32 v0, v2  }
0x1ae: {  	s10 =	sadd.s32 $0x120, s10;
	[tilespmem:$0x164D0] =	vst v1  }
0x1af: {  	[tilespmem:s29], [sflag:$0x3] =	stream.indirect.gather [hbm4b:s1+s19], $0x80, s28, s19, $0xb8;
	[tilespmem:$0x1FF80] =	vst v63  }
0x1b0: {  	_ =	swait.ge [sflag:s31], $0x3000  }
0x1b1: {  	[sflag:s31] =	ssyncset.done $0x0  }
0x1b2: {  	[sflag:s31] =	ssyncadd.s32 $0xFFFFD000  }
0x1b3: {  	[spmem:s3] =	stream.indirect.scatter.add.f32 [tilespmem:s17], [sflag:$0x5], $0x80, s20, s19, $0xb8;
	[tilespmem:$0x1FF80] =	vst v63  }
0x1b4: {  	_ =	swait.ge [sflag:s14], $0x3000  }
0x1b5: {  	[sflag:s14] =	ssyncset.done $0x0  }
0x1b6: {  	[sflag:s14] =	ssyncadd.s32 $0xFFFFD000  }
0x1b7: {  	v1 =	vld [tilespmem:$0x16240]  }
0x1b8: {  	v2 =	vld [tilespmem:$0x16250]  }
0x1b9: {  	v3 =	vld [tilespmem:$0x16260]  }
0x1ba: {  	v5 =	vld [tilespmem:$0x16270]  }
0x1bb: {  	v7 =	vld [tilespmem:$0x16280]  }
0x1bc: {  	v21 =	vld [tilespmem:$0x16290];
	v4 =	vand.u32 $0xFFFF, v1;
	v1 =	vshrl.u32 v1, $0x10  }
0x1bd: {  	v22 =	vshrl.u32 v2, $0x10;
	[tilespmem:$0x16500] =	vst v1  }
0x1be: {  	v25 =	vshrl.u32 v3, $0x10;
	[tilespmem:$0x16510] =	vst v22  }
0x1bf: {  	v29 =	vshrl.u32 v5, $0x10;
	[tilespmem:$0x16520] =	vst v25  }
0x1c0: {  	v6 =	vand.u32 $0xFFFF, v2;
	v33 =	vshrl.u32 v7, $0x10;
	v4 =	vmul.u32 $0xC, v4;
	[tilespmem:$0x16530] =	vst v29  }
0x1c1: {  	v23 =	vand.u32 $0xFFFF, v5;
	v35 =	vshrl.u32 v21, $0x10;
	v6 =	vmul.u32 $0xC, v6;
	[tilespmem:$0x16540] =	vst v33  }
0x1c2: {  	v26 =	vand.u32 $0xFFFF, v7;
	v2 =	vmul.u32 $0xC, v23;
	[tilespmem:$0x16550] =	vst v35;
	v4 =	vadd.s32 v0, v4  }
0x1c3: {  	v30 =	vand.u32 $0xFFFF, v21;
	v28 =	vmul.u32 $0xC, v26;
	v20 =	vadd.s32 v0, v6;
	[tilespmem:$0x16380] =	vst v4  }
0x1c4: {  	v19 =	vand.u32 $0xFFFF, v3;
	v32 =	vmul.u32 $0xC, v30;
	v27 =	vadd.s32 v0, v2;
	[tilespmem:$0x16390] =	vst v20  }
0x1c5: {  	v31 =	vadd.s32 v0, v28;
	v4 =	vmul.u32 $0xC, v19;
	[tilespmem:$0x163B0] =	vst v27  }
0x1c6: {  	v34 =	vadd.s32 v0, v32;
	[tilespmem:$0x163C0] =	vst v31  }
0x1c7: {  	[tilespmem:$0x163D0] =	vst v34;
	v24 =	vadd.s32 v0, v4  }
0x1c8: {  	[tilespmem:$0x163A0] =	vst v24  }
0x1c9: {  	[tilespmem:s17], [sflag:$0x1] =	stream.indirect.gather [hbm4b:s1+s19], $0x80, s24, s19, $0xb8;
	[tilespmem:$0x1FF80] =	vst v63  }
0x1ca: {  	_ =	swait.ge [sflag:s2], $0x3000  }
0x1cb: {  	[sflag:s2] =	ssyncset.done $0x0  }
0x1cc: {  	[sflag:s2] =	ssyncadd.s32 $0xFFFFD000  }
0x1cd: {  	[spmem:s3] =	stream.indirect.scatter.add.f32 [tilespmem:s26], [sflag:$0x5], $0x80, s0, s19, $0xb8;
	[tilespmem:$0x1FF80] =	vst v63  }
0x1ce: {  	_ =	swait.ge [sflag:s14], $0x3000  }
0x1cf: {  	[sflag:s14] =	ssyncset.done $0x0  }
0x1d0: {  	[sflag:s14] =	ssyncadd.s32 $0xFFFFD000  }
0x1d1: {  	v36 =	vld [tilespmem:$0x162A0]  }
0x1d2: {  	v37 =	vld [tilespmem:$0x162B0]  }
0x1d3: {  	v38 =	vld [tilespmem:$0x162C0]  }
0x1d4: {  	v40 =	vld [tilespmem:$0x162D0]  }
0x1d5: {  	v42 =	vld [tilespmem:$0x162E0]  }
0x1d6: {  	v45 =	vld [tilespmem:$0x162F0];
	v1 =	vshrl.u32 v36, $0x10  }
0x1d7: {  	v46 =	vshrl.u32 v37, $0x10;
	[tilespmem:$0x16580] =	vst v1  }
0x1d8: {  	v49 =	vshrl.u32 v38, $0x10;
	[tilespmem:$0x16590] =	vst v46  }
0x1d9: {  	v39 =	vand.u32 $0xFFFF, v36;
	v53 =	vshrl.u32 v40, $0x10;
	[tilespmem:$0x165A0] =	vst v49  }
0x1da: {  	v41 =	vand.u32 $0xFFFF, v37;
	v57 =	vshrl.u32 v42, $0x10;
	v4 =	vmul.u32 $0xC, v39;
	[tilespmem:$0x165B0] =	vst v53  }
0x1db: {  	v47 =	vand.u32 $0xFFFF, v40;
	v59 =	vshrl.u32 v45, $0x10;
	v6 =	vmul.u32 $0xC, v41;
	[tilespmem:$0x165C0] =	vst v57  }
0x1dc: {  	v50 =	vand.u32 $0xFFFF, v42;
	v2 =	vmul.u32 $0xC, v47;
	[tilespmem:$0x165D0] =	vst v59;
	v4 =	vadd.s32 v0, v4  }
0x1dd: {  	v54 =	vand.u32 $0xFFFF, v45;
	v52 =	vmul.u32 $0xC, v50;
	v44 =	vadd.s32 v0, v6;
	[tilespmem:$0x16400] =	vst v4  }
0x1de: {  	v43 =	vand.u32 $0xFFFF, v38;
	v56 =	vmul.u32 $0xC, v54;
	v51 =	vadd.s32 v0, v2;
	[tilespmem:$0x16410] =	vst v44  }
0x1df: {  	v55 =	vadd.s32 v0, v52;
	v4 =	vmul.u32 $0xC, v43;
	[tilespmem:$0x16430] =	vst v51  }
0x1e0: {  	v58 =	vadd.s32 v0, v56;
	[tilespmem:$0x16440] =	vst v55  }
0x1e1: {  	[tilespmem:$0x16450] =	vst v58;
	v48 =	vadd.s32 v0, v4  }
0x1e2: {  	[tilespmem:$0x16420] =	vst v48  }
0x1e3: {  	[tilespmem:s26], [sflag:$0x2] =	stream.indirect.gather [hbm4b:s1+s19], $0x80, s25, s19, $0xb8;
	[tilespmem:$0x1FF80] =	vst v63  }
0x1e4: {  	_ =	swait.ge [sflag:s13], $0x3000  }
0x1e5: {  	[sflag:s13] =	ssyncset.done $0x0  }
0x1e6: {  	[sflag:s13] =	ssyncadd.s32 $0xFFFFD000  }
0x1e7: {  	[spmem:s3] =	stream.indirect.scatter.add.f32 [tilespmem:s29], [sflag:$0x5], $0x80, s9, s19, $0xb8;
	[tilespmem:$0x1FF80] =	vst v63  }
0x1e8: {  	_ =	swait.ge [sflag:s14], $0x3000  }
0x1e9: {  	[sflag:s14] =	ssyncset.done $0x0  }
0x1ea: {  	[sflag:s14] =	ssyncadd.s32 $0xFFFFD000  }
0x1eb: {  	_ =	swait.ge [sflag:s31], $0x3000  }
0x1ec: {  	[sflag:s31] =	ssyncset.done $0x0  }
0x1ed: {  	[sflag:s31] =	ssyncadd.s32 $0xFFFFD000  }
0x1ee: {  	[spmem:s3] =	stream.indirect.scatter.add.f32 [tilespmem:s17], [sflag:$0x5], $0x80, s20, s19, $0xb8;
	[tilespmem:$0x1FF80] =	vst v63  }
0x1ef: {  	_ =	swait.ge [sflag:s14], $0x3000  }
0x1f0: {  	[sflag:s14] =	ssyncset.done $0x0  }
0x1f1: {  	[sflag:s14] =	ssyncadd.s32 $0xFFFFD000  }
0x1f2: {  	_ =	swait.ge [sflag:s2], $0x3000  }
0x1f3: {  	[sflag:s2] =	ssyncset.done $0x0  }
0x1f4: {  	[sflag:s2] =	ssyncadd.s32 $0xFFFFD000  }
0x1f5: {  	[spmem:s3] =	stream.indirect.scatter.add.f32 [tilespmem:s26], [sflag:$0x5], $0x80, s0, s19, $0xb8;
	[tilespmem:$0x1FF80] =	vst v63  }
0x1f6: {  	_ =	swait.ge [sflag:s14], $0x3000  }
0x1f7: {  	[sflag:s14] =	ssyncset.done $0x0  }
0x1f8: {  	[sflag:s14] =	ssyncadd.s32 $0xFFFFD000  }
0x1f9: {  	v60 =	vld [tilespmem:$0x16300];
	_ =	sdelay $0x4  }
0x1fa: {  	v61 =	vand.u32 $0xFFFF, v60  }
0x1fb: {  	v2 =	vmul.u32 $0xC, v61  }
0x1fc: {  	v63 =	vshrl.u32 v60, $0x10  }
0x1fd: {  	[tilespmem:$0x16700] =	vst v63;
	v62 =	vadd.s32 v0, v2  }
0x1fe: {  	s10 =	simm.s32 $0x16680;
	[tilespmem:$0x16680] =	vst v62  }
0x1ff: {  	[tilespmem:s18], [sflag:$0x5] =	stream.indirect.gather [hbm4b:s1+s21], $0x80, s10, s21, $0xb8;
	[tilespmem:$0x1FF80] =	vst v63  }
0x200: {  	s12 =	simm.s32 $0x16700;
	_ =	swait.ge [sflag:s14], $0x800  }
0x201: {  	s22 =	sadd.s32 s11, s7;
	s7 =	sadd.s32 $0x1, s7;
	[sflag:s14] =	ssyncset.done $0x0  }
0x202: {  	p0 =	sne.s32 s7, $0xC;
	s10 =	smul.u32 $0x13C000, s22;
	[sflag:s14] =	ssyncadd.s32 $0xFFFFF800  }
0x203: {  	[spmem:s3] =	stream.indirect.scatter.add.f32 [tilespmem:s18], [sflag:$0x5], $0x80, s12, s21, $0xb8;
	[tilespmem:$0x1FF80] =	vst v63  }
.Ltmp2:
0x204: {  	_ =	swait.ge [sflag:s14], $0x800;
	(pc) =	sbr.rel @p0 .LBB2_4-.Ltmp2, $4  }
0x205: {  	s10 =	sadd.s32 s5, s10;
	[sflag:s14] =	ssyncset.done $0x0  }
0x206: {  	s10 =	sshrl.u32 s10, $0x3;
	[sflag:s14] =	ssyncadd.s32 $0xFFFFF800  }
0x207: {  	s10 =	sadd.s32 s8, s10;
	[bflag:$0x0] =	sbarrier.arrive $0xFFFF  }
0x208: {  	[hbm:s10], [sflag:s23] =	dma.local [spmem:s16], $0x2780  }
0x209: {  	_ =	swait.ge [sflag:s30], $0x2780  }
0x20a: {  	s7 =	rddreg [dreg:$0x8]  }
0x20b: {  	s4 =	rddreg [dreg:$0x7];
	s7 =	sadd.s32 $0x1, s7  }
0x20c: {  	p0 =	sne.s32 s7, s4  }
.Ltmp3:
0x20d: {  	_ = 	snop;
	(pc) =	sbr.rel @p0 .LBB2_1-.Ltmp3, $3  }
0x20e: {  	_ =	sdelay $0x1  }
0x20f: {  	[sflag:s30] =	ssyncset.done $0x0  }
0x210: {  	[sflag:s30] =	ssyncadd.s32 $0xFFFFD880  }
0x211: {  	_ =	sfence.sel $0x180000  }
0x212: {  	[bflag:$0x0] =	sbarrier.arrive $0xFFFF  }
0x213: {  	_ =	strace $0x90000047  }
0x214: {  	s0 =	stileid.u32;
	[bflag:$0x2] =	sbarrier.arrive $0xFFFF  }
0x215: {  	p0 =	sne.s32 s0, $0x0;
	s0 =	rddreg [dreg:$0x3]  }
0x216: {  	s0 =	sadd.s32 @!p0 $0x100000, s0  }
0x217: {  	[sflag:s0] =	ssyncadd.tile.s32 @!p0 $0x1;
	_ =	shalt  }
.Lfunc_end2:
_tile_overlayer_lowered:
.L_overlay_start_2:
0x218: {  	(tag) =	ssettag $0x2  }
0x219: {  	s0 =	rddreg [dreg:$0x0];
	s2 =	stileid.u32  }
0x21a: {  	s1 =	rddreg [dreg:$0x1];
	p0 =	sne.s32 s2, $0x0  }
0x21b: {  	s3 =	rddreg [dreg:$0x2];
	[bflag:$0x3] =	sbarrier.arrive $0xFFFF;
	s2 =	simm.s32 @!p0 $0x1C05  }
0x21c: {  	[timem:s3], [sflag:s2] =	dma.local @!p0 [hbm:s0], s1  }
0x21d: {  	s0 =	simm.s32 @!p0 $0x5  }
0x21e: {  	_ =	swait.ge @!p0 [sflag:s0], s1  }
0x21f: {  	s1 =	ssub.s32 @!p0 $0x0, s1;
	[sflag:s0] =	ssyncset.done @!p0 $0x0  }
0x220: {  	[sflag:s0] =	ssyncadd.s32 @!p0 s1  }
0x221: {  	[bflag:$0x3] =	sbarrier.arrive $0xFFFF  }
0x222: {  	_ =	shalt  }

</sc_bundles>
